<compile_context>
chip_gen: v7x
topology: tpu7x:2x2x1
jax: 0.10.2.dev20260603
libtpu: 0.0.44.dev20260713+nightly
codegen_flags: <defaults>
</compile_context>

<pallas_src>
import math

import jax
import jax.numpy as jnp
from jax.experimental import pallas as pl

NUM_TOKENS = 32000
DIM = 1024
DEPTH = 2
SEQ = 2048
HEADS = 16
DH = DIM // HEADS
BATCH = 2
BUCKET = 64
NB = SEQ // BUCKET
NC = SEQ // BUCKET

bf16 = jnp.bfloat16
f32 = jnp.float32


def _layernorm(x, g, b, eps=1e-5):
    mu = jnp.mean(x, axis=-1, keepdims=True)
    var = jnp.var(x, axis=-1, keepdims=True)
    return (x - mu) / jnp.sqrt(var + eps) * g + b


def _lsh_attention_ref(qk, v, rot):
    B, H, S, Dh = qk.shape
    rotated = jnp.einsum('bhsd,dr->bhsr', qk, rot)
    rotated = jnp.concatenate([rotated, -rotated], axis=-1)
    buckets = jnp.argmax(rotated, axis=-1)
    ticker = jnp.arange(S)
    sort_key = buckets * S + ticker[None, None, :]
    sidx = jnp.argsort(sort_key, axis=-1)
    spos = sidx
    sqk = jnp.take_along_axis(qk, sidx[..., None], axis=2)
    sv = jnp.take_along_axis(v, sidx[..., None], axis=2)
    C = S // BUCKET
    bq = sqk.reshape(B, H, C, BUCKET, Dh)
    bk = sqk / (jnp.linalg.norm(sqk, axis=-1, keepdims=True) + 1e-9)
    bk = bk.reshape(B, H, C, BUCKET, Dh)
    bv = sv.reshape(B, H, C, BUCKET, Dh)
    bpos = spos.reshape(B, H, C, BUCKET)

    def look_back(t):
        return jnp.concatenate([t, jnp.roll(t, 1, axis=2)], axis=3)

    bk2 = look_back(bk)
    bv2 = look_back(bv)
    kpos = look_back(bpos)
    dots = jnp.einsum('bhcid,bhcjd->bhcij', bq, bk2) / math.sqrt(Dh)
    qpos = bpos
    causal_mask = kpos[:, :, :, None, :] > qpos[:, :, :, :, None]
    dots = jnp.where(causal_mask, -1e9, dots)
    self_mask = kpos[:, :, :, None, :] == qpos[:, :, :, :, None]
    dots = jnp.where(self_mask, -1e5, dots)
    attn = jax.nn.softmax(dots, axis=-1)
    o = jnp.einsum('bhcij,bhcjd->bhcid', attn, bv2).reshape(B, H, S, Dh)
    undo = jnp.argsort(sidx, axis=-1)
    return jnp.take_along_axis(o, undo[..., None], axis=2)


def _attn_kernel(sqk_ref, sv_ref, posr_ref, posc_ref, out_ref):
    sqk = sqk_ref[0]
    sv = sv_ref[0]
    posr = posr_ref[0]
    posc = posc_ref[0]
    nrm = jnp.sqrt(jnp.sum(sqk * sqk, axis=-1, keepdims=True)) + 1e-9
    bkn = sqk / nrm
    ocs = []
    for c in range(NC):
        p = NC - 1 if c == 0 else c - 1
        sl = slice(c * BUCKET, (c + 1) * BUCKET)
        slp = slice(p * BUCKET, (p + 1) * BUCKET)
        bq = sqk[sl]
        bk2 = jnp.concatenate([bkn[sl], bkn[slp]], axis=0)
        bv2 = jnp.concatenate([sv[sl], sv[slp]], axis=0)
        kpos = jnp.concatenate([posr[:, sl], posr[:, slp]], axis=1)
        qpos = posc[sl]
        dots = jax.lax.dot_general(
            bq.astype(bf16), bk2.astype(bf16),
            (((1,), (1,)), ((), ())), preferred_element_type=f32) / 8.0
        dots = jnp.where(kpos > qpos, -1e9, dots)
        dots = jnp.where(kpos == qpos, -1e5, dots)
        attn = jax.nn.softmax(dots, axis=-1)
        ocs.append(jax.lax.dot_general(
            attn.astype(bf16), bv2.astype(bf16),
            (((1,), (0,)), ((), ())), preferred_element_type=f32))
    o_s = jnp.concatenate(ocs, axis=0)
    row_iota = jax.lax.broadcasted_iota(jnp.int32, (SEQ, SEQ), 0)
    U = (posr.astype(jnp.int32) == row_iota).astype(bf16)
    hi = o_s.astype(bf16)
    r1 = o_s - hi.astype(f32)
    mid = r1.astype(bf16)
    lo = (r1 - mid.astype(f32)).astype(bf16)
    o_un = jax.lax.dot_general(U, hi, (((1,), (0,)), ((), ())),
                               preferred_element_type=f32)
    o_un = o_un + jax.lax.dot_general(U, mid, (((1,), (0,)), ((), ())),
                                      preferred_element_type=f32)
    o_un = o_un + jax.lax.dot_general(U, lo, (((1,), (0,)), ((), ())),
                                      preferred_element_type=f32)
    out_ref[0] = o_un


def _attn1(sqk, sv, posf):
    BH = sqk.shape[0]
    posr = posf.reshape(BH, 1, SEQ)
    posc = posf.reshape(BH, SEQ, 1)
    return pl.pallas_call(
        _attn_kernel,
        grid=(BH,),
        in_specs=[
            pl.BlockSpec((1, SEQ, DH), lambda i: (i, 0, 0)),
            pl.BlockSpec((1, SEQ, DH), lambda i: (i, 0, 0)),
            pl.BlockSpec((1, 1, SEQ), lambda i: (i, 0, 0)),
            pl.BlockSpec((1, SEQ, 1), lambda i: (i, 0, 0)),
        ],
        out_specs=pl.BlockSpec((1, SEQ, DH), lambda i: (i, 0, 0)),
        out_shape=jax.ShapeDtypeStruct((BH, SEQ, DH), f32),
    )(sqk, sv, posr, posc)


def _tail_kernel(x_ref, o_ref, wo_ref, l2g_ref, l2b_ref, w1_ref, b1_ref,
                 w2_ref, b2_ref, lfg_ref, lfb_ref, wd_ref, bd_ref,
                 wout_ref, bout_ref, out_ref):
    x = x_ref[...]
    o = o_ref[...]
    x = x + jnp.dot(o.astype(bf16), wo_ref[...], preferred_element_type=f32)
    h = _layernorm(x, l2g_ref[...], l2b_ref[...])
    p1 = jnp.dot(h.astype(bf16), w1_ref[...], preferred_element_type=f32) + b1_ref[...]
    g = jax.nn.gelu(p1)
    x = x + (jnp.dot(g.astype(bf16), w2_ref[...], preferred_element_type=f32) + b2_ref[...])
    h = _layernorm(x, lfg_ref[...], lfb_ref[...])
    hh = jax.nn.gelu(jnp.dot(h.astype(bf16), wd_ref[...],
                             preferred_element_type=f32) + bd_ref[...])
    out_ref[...] = jnp.dot(hh.astype(bf16), wout_ref[...],
                           preferred_element_type=f32) + bout_ref[...]


def _tail(x, o, lp, params):
    T = x.shape[0]
    wout_p = jnp.zeros((4 * DIM, 128), f32).at[:, :2].set(params['Wout']).astype(bf16)
    bout_p = jnp.zeros((128,), f32).at[:2].set(params['bout'])
    blk = 256
    return pl.pallas_call(
        _tail_kernel,
        grid=(T // blk,),
        in_specs=[
            pl.BlockSpec((blk, DIM), lambda i: (i, 0)),
            pl.BlockSpec((blk, DIM), lambda i: (i, 0)),
            pl.BlockSpec((DIM, DIM), lambda i: (0, 0)),
            pl.BlockSpec((DIM,), lambda i: (0,)),
            pl.BlockSpec((DIM,), lambda i: (0,)),
            pl.BlockSpec((DIM, 4 * DIM), lambda i: (0, 0)),
            pl.BlockSpec((4 * DIM,), lambda i: (0,)),
            pl.BlockSpec((4 * DIM, DIM), lambda i: (0, 0)),
            pl.BlockSpec((DIM,), lambda i: (0,)),
            pl.BlockSpec((DIM,), lambda i: (0,)),
            pl.BlockSpec((DIM,), lambda i: (0,)),
            pl.BlockSpec((DIM, 4 * DIM), lambda i: (0, 0)),
            pl.BlockSpec((4 * DIM,), lambda i: (0,)),
            pl.BlockSpec((4 * DIM, 128), lambda i: (0, 0)),
            pl.BlockSpec((128,), lambda i: (0,)),
        ],
        out_specs=pl.BlockSpec((blk, 128), lambda i: (i, 0)),
        out_shape=jax.ShapeDtypeStruct((T, 128), f32),
    )(x, o, lp['Wo'].astype(bf16), lp['ln2_g'], lp['ln2_b'],
      lp['W1'].astype(bf16), lp['b1'], lp['W2'].astype(bf16), lp['b2'],
      params['lnf_g'], params['lnf_b'], params['Wd'].astype(bf16),
      params['bd'], wout_p, bout_p)


def kernel(input_ids, params):
    x = params['tok_emb'][input_ids] + params['pos_emb'][None, :, :]
    B, S, D = x.shape

    lp = params['layers'][0]
    h = _layernorm(x, lp['ln1_g'], lp['ln1_b'])
    qk = (h @ lp['Wqk']).reshape(B, S, HEADS, DH).transpose(0, 2, 1, 3)
    v = (h @ lp['Wv']).reshape(B, S, HEADS, DH).transpose(0, 2, 1, 3)
    o = _lsh_attention_ref(qk, v, lp['rot'])
    o = o.transpose(0, 2, 1, 3).reshape(B, S, HEADS * DH) @ lp['Wo']
    x = x + o
    h = _layernorm(x, lp['ln2_g'], lp['ln2_b'])
    x = x + (jax.nn.gelu(h @ lp['W1'] + lp['b1']) @ lp['W2'] + lp['b2'])

    lp = params['layers'][1]
    h = _layernorm(x, lp['ln1_g'], lp['ln1_b'])
    qk = (h @ lp['Wqk']).reshape(B, S, HEADS, DH).transpose(0, 2, 1, 3)
    v = (h @ lp['Wv']).reshape(B, S, HEADS, DH).transpose(0, 2, 1, 3)
    rotated = jnp.einsum('bhsd,dr->bhsr', qk, lp['rot'])
    rotated = jnp.concatenate([rotated, -rotated], axis=-1)
    buckets = jnp.argmax(rotated, axis=-1)
    ticker = jnp.arange(S)
    sort_key = buckets * S + ticker[None, None, :]
    sidx = jnp.argsort(sort_key, axis=-1)
    sqk = jnp.take_along_axis(qk, sidx[..., None], axis=2)
    sv = jnp.take_along_axis(v, sidx[..., None], axis=2)

    sqk_b, sv_b, pos_b, x_b = jax.lax.optimization_barrier(
        (sqk, sv, sidx.astype(f32), x))
    o1 = _attn1(sqk_b.reshape(B * HEADS, S, DH), sv_b.reshape(B * HEADS, S, DH),
                pos_b.reshape(B * HEADS, S))
    o1 = o1.reshape(B, HEADS, S, DH).transpose(0, 2, 1, 3).reshape(B * S, DIM)
    logits = _tail(x_b.reshape(B * S, D), o1, lp, params).reshape(B, S, 128)
    return (logits[..., 0], logits[..., 1])

# --- scband reference (transcript-rebuilt; emitter-appended) ---
"""Pipeline reference for scband-reformer-mrcmodel-3118146256925 (READ-ONLY COPY).

The authoritative reference and input builder live on the scoring server;
editing this copy changes nothing except your own understanding.
"""

import jax, jax.numpy as jnp
import numpy as np
import math

NUM_TOKENS = 32000
DIM = 1024
DEPTH = 2
SEQ = 2048
HEADS = 16
DH = DIM // HEADS  # 64
BATCH = 2
BUCKET = 64
NB = SEQ // BUCKET  # 32 buckets


def layernorm(x, g, b, eps=1e-5):
    mu = jnp.mean(x, axis=-1, keepdims=True)
    var = jnp.var(x, axis=-1, keepdims=True)
    return (x - mu) / jnp.sqrt(var + eps) * g + b


def lsh_attention(qk, v, rot):
    # qk, v: [B, H, S, Dh]; rot: [Dh, NB//2]
    B, H, S, Dh = qk.shape
    rotated = jnp.einsum('bhsd,dr->bhsr', qk, rot)
    rotated = jnp.concatenate([rotated, -rotated], axis=-1)  # [B,H,S,NB]
    buckets = jnp.argmax(rotated, axis=-1)  # [B,H,S]
    ticker = jnp.arange(S)
    sort_key = buckets * S + ticker[None, None, :]
    sidx = jnp.argsort(sort_key, axis=-1)  # [B,H,S] original positions in bucket-sorted order
    spos = sidx
    sqk = jnp.take_along_axis(qk, sidx[..., None], axis=2)
    sv = jnp.take_along_axis(v, sidx[..., None], axis=2)
    C = S // BUCKET
    bq = sqk.reshape(B, H, C, BUCKET, Dh)
    bk = sqk / (jnp.linalg.norm(sqk, axis=-1, keepdims=True) + 1e-9)
    bk = bk.reshape(B, H, C, BUCKET, Dh)
    bv = sv.reshape(B, H, C, BUCKET, Dh)
    bpos = spos.reshape(B, H, C, BUCKET)

    def look_back(t):
        return jnp.concatenate([t, jnp.roll(t, 1, axis=2)], axis=3)

    bk2 = look_back(bk)      # [B,H,C,2*BUCKET,Dh]
    bv2 = look_back(bv)
    kpos = look_back(bpos)   # [B,H,C,2*BUCKET]
    dots = jnp.einsum('bhcid,bhcjd->bhcij', bq, bk2) / math.sqrt(Dh)
    qpos = bpos
    causal_mask = kpos[:, :, :, None, :] > qpos[:, :, :, :, None]
    dots = jnp.where(causal_mask, -1e9, dots)
    self_mask = kpos[:, :, :, None, :] == qpos[:, :, :, :, None]
    dots = jnp.where(self_mask, -1e5, dots)  # shared-QK: discourage attending to self
    attn = jax.nn.softmax(dots, axis=-1)
    o = jnp.einsum('bhcij,bhcjd->bhcid', attn, bv2).reshape(B, H, S, Dh)
    undo = jnp.argsort(sidx, axis=-1)
    return jnp.take_along_axis(o, undo[..., None], axis=2)


def setup_inputs(seed: int = 0) -> dict:
    key = jax.random.key(seed)
    ks = jax.random.split(key, 8 + DEPTH)

    def init(k, shape, scale):
        return jax.random.normal(k, shape, jnp.float32) * scale

    params = {
        'tok_emb': init(ks[0], (NUM_TOKENS, DIM), 0.02),
        'pos_emb': init(ks[1], (SEQ, DIM), 0.02),
        'lnf_g': jnp.ones((DIM,), jnp.float32),
        'lnf_b': jnp.zeros((DIM,), jnp.float32),
        'Wd': init(ks[2], (DIM, 4 * DIM), DIM ** -0.5),
        'bd': jnp.zeros((4 * DIM,), jnp.float32),
        'Wout': init(ks[3], (4 * DIM, 2), (4 * DIM) ** -0.5),
        'bout': jnp.zeros((2,), jnp.float32),
    }
    layers = []
    for l in range(DEPTH):
        kk = jax.random.split(ks[4 + l], 8)
        layers.append({
            'ln1_g': jnp.ones((DIM,), jnp.float32),
            'ln1_b': jnp.zeros((DIM,), jnp.float32),
            'Wqk': init(kk[0], (DIM, HEADS * DH), DIM ** -0.5),
            'Wv': init(kk[1], (DIM, HEADS * DH), DIM ** -0.5),
            'Wo': init(kk[2], (HEADS * DH, DIM), (HEADS * DH) ** -0.5),
            'rot': jax.random.normal(kk[3], (DH, NB // 2), jnp.float32),
            'ln2_g': jnp.ones((DIM,), jnp.float32),
            'ln2_b': jnp.zeros((DIM,), jnp.float32),
            'W1': init(kk[4], (DIM, 4 * DIM), DIM ** -0.5),
            'b1': jnp.zeros((4 * DIM,), jnp.float32),
            'W2': init(kk[5], (4 * DIM, DIM), (4 * DIM) ** -0.5),
            'b2': jnp.zeros((DIM,), jnp.float32),
        })
    params['layers'] = layers
    input_ids = jax.random.randint(ks[6], (BATCH, SEQ), 0, NUM_TOKENS, dtype=jnp.int64 if jax.config.jax_enable_x64 else jnp.int32)
    return {'input_ids': input_ids, 'params': params}


def reference(input_ids, params):
    x = params['tok_emb'][input_ids] + params['pos_emb'][None, :, :]
    B, S, D = x.shape
    for lp in params['layers']:
        h = layernorm(x, lp['ln1_g'], lp['ln1_b'])
        qk = (h @ lp['Wqk']).reshape(B, S, HEADS, DH).transpose(0, 2, 1, 3)
        v = (h @ lp['Wv']).reshape(B, S, HEADS, DH).transpose(0, 2, 1, 3)
        o = lsh_attention(qk, v, lp['rot'])
        o = o.transpose(0, 2, 1, 3).reshape(B, S, HEADS * DH) @ lp['Wo']
        x = x + o
        h = layernorm(x, lp['ln2_g'], lp['ln2_b'])
        x = x + (jax.nn.gelu(h @ lp['W1'] + lp['b1']) @ lp['W2'] + lp['b2'])
    x = layernorm(x, params['lnf_g'], params['lnf_b'])
    h = jax.nn.gelu(x @ params['Wd'] + params['bd'])
    logits = h @ params['Wout'] + params['bout']  # [B, S, 2]
    start_logits = logits[..., 0]
    end_logits = logits[..., 1]
    return (start_logits, end_logits)

if __name__ == "__main__":
    import jax
    _d = setup_inputs()
    print(jax.jit(kernel)(*tuple(_d.values())))

</pallas_src>

<mosaic_0001>
module attributes {stable_mosaic.version = 14 : i64} {
  func.func @_attn_kernel(%arg0: i32, %arg1: memref<1x2048x64xf32, #tpu.memory_space<vmem>>, %arg2: memref<1x2048x64xf32, #tpu.memory_space<vmem>>, %arg3: memref<1x1x2048xf32, #tpu.memory_space<vmem>>, %arg4: memref<1x2048x1xf32, #tpu.memory_space<vmem>>, %arg5: memref<1x2048x64xf32, #tpu.memory_space<vmem>>) attributes {dimension_semantics = [#tpu.dimension_semantics<arbitrary>], iteration_bounds = array<i64: 32>, scalar_prefetch = 0 : i64, scratch_operands = 0 : i64, tpu.core_type = #tpu.core_type<tc>, window_params = [{transform_indices = @transform_0, window_bounds = array<i64: 1, 2048, 64>}, {transform_indices = @transform_1, window_bounds = array<i64: 1, 2048, 64>}, {transform_indices = @transform_2, window_bounds = array<i64: 1, 1, 2048>}, {transform_indices = @transform_3, window_bounds = array<i64: 1, 2048, 1>}, {transform_indices = @transform_4, window_bounds = array<i64: 1, 2048, 64>}]} {
    %get3A = arith.constant 0 : index
    %get3A_0 = arith.constant 0 : index
    %get3A_1 = arith.constant 0 : index
    %get3A_2 = vector.load %arg1[%get3A, %get3A_0, %get3A_1] : memref<1x2048x64xf32, #tpu.memory_space<vmem>>, vector<1x2048x64xf32>
    %get3A_3 = vector.shape_cast %get3A_2 : vector<1x2048x64xf32> to vector<2048x64xf32>
    %get3A_4 = arith.constant 0 : index
    %get3A_5 = arith.constant 0 : index
    %get3A_6 = arith.constant 0 : index
    %get3A_7 = vector.load %arg2[%get3A_4, %get3A_5, %get3A_6] : memref<1x2048x64xf32, #tpu.memory_space<vmem>>, vector<1x2048x64xf32>
    %get3A_8 = vector.shape_cast %get3A_7 : vector<1x2048x64xf32> to vector<2048x64xf32>
    %get3A_9 = arith.constant 0 : index
    %get3A_10 = arith.constant 0 : index
    %get3A_11 = arith.constant 0 : index
    %get3A_12 = vector.load %arg3[%get3A_9, %get3A_10, %get3A_11] : memref<1x1x2048xf32, #tpu.memory_space<vmem>>, vector<1x1x2048xf32>
    %get3A_13 = vector.shape_cast %get3A_12 : vector<1x1x2048xf32> to vector<1x2048xf32>
    %get3A_14 = arith.constant 0 : index
    %get3A_15 = arith.constant 0 : index
    %get3A_16 = arith.constant 0 : index
    %get3A_17 = vector.load %arg4[%get3A_14, %get3A_15, %get3A_16] : memref<1x2048x1xf32, #tpu.memory_space<vmem>>, vector<1x2048x1xf32>
    %get3A_18 = vector.shape_cast %get3A_17 : vector<1x2048x1xf32> to vector<2048x1xf32>
    %mul3A = arith.mulf %get3A_3, %get3A_3 : vector<2048x64xf32>
    %reduce_sum3A = arith.constant dense<0.000000e+00> : vector<2048xf32>
    %reduce_sum3A_19 = vector.multi_reduction <add>, %mul3A, %reduce_sum3A [1] : vector<2048x64xf32> to vector<2048xf32>
    %broadcast_in_dim3A = vector.shape_cast %reduce_sum3A_19 : vector<2048xf32> to vector<2048x1xf32>
    %sqrt3A = math.sqrt %broadcast_in_dim3A : vector<2048x1xf32>
    %add3A = arith.constant 9.99999971E-10 : f32
    %add3A_20 = vector.broadcast %add3A : f32 to vector<2048x1xf32>
    %add3A_21 = arith.addf %sqrt3A, %add3A_20 : vector<2048x1xf32>
    %div3A = vector.broadcast %add3A_21 : vector<2048x1xf32> to vector<2048x64xf32>
    %div3A_22 = arith.divf %get3A_3, %div3A : vector<2048x64xf32>
    %slice3A = vector.extract_strided_slice %get3A_3 {offsets = [0, 0], sizes = [64, 64], strides = [1, 1]} : vector<2048x64xf32> to vector<64x64xf32>
    %slice3A_23 = vector.extract_strided_slice %div3A_22 {offsets = [0, 0], sizes = [64, 64], strides = [1, 1]} : vector<2048x64xf32> to vector<64x64xf32>
    %slice3A_24 = vector.extract_strided_slice %div3A_22 {offsets = [1984, 0], sizes = [64, 64], strides = [1, 1]} : vector<2048x64xf32> to vector<64x64xf32>
    %concatenate3A = tpu.concatenate %slice3A_23, %slice3A_24 in 0 : vector<64x64xf32>, vector<64x64xf32> -> vector<128x64xf32>
    %slice3A_25 = vector.extract_strided_slice %get3A_8 {offsets = [0, 0], sizes = [64, 64], strides = [1, 1]} : vector<2048x64xf32> to vector<64x64xf32>
    %slice3A_26 = vector.extract_strided_slice %get3A_8 {offsets = [1984, 0], sizes = [64, 64], strides = [1, 1]} : vector<2048x64xf32> to vector<64x64xf32>
    %concatenate3A_27 = tpu.concatenate %slice3A_25, %slice3A_26 in 0 : vector<64x64xf32>, vector<64x64xf32> -> vector<128x64xf32>
    %slice3A_28 = vector.extract_strided_slice %get3A_13 {offsets = [0, 0], sizes = [1, 64], strides = [1, 1]} : vector<1x2048xf32> to vector<1x64xf32>
    %slice3A_29 = vector.extract_strided_slice %get3A_13 {offsets = [0, 1984], sizes = [1, 64], strides = [1, 1]} : vector<1x2048xf32> to vector<1x64xf32>
    %concatenate3A_30 = tpu.concatenate %slice3A_28, %slice3A_29 in 1 : vector<1x64xf32>, vector<1x64xf32> -> vector<1x128xf32>
    %slice3A_31 = vector.extract_strided_slice %get3A_18 {offsets = [0, 0], sizes = [64, 1], strides = [1, 1]} : vector<2048x1xf32> to vector<64x1xf32>
    %convert_element_type3A = arith.truncf %slice3A : vector<64x64xf32> to vector<64x64xbf16>
    %convert_element_type3A_32 = arith.truncf %concatenate3A : vector<128x64xf32> to vector<128x64xbf16>
    %dot_general3A = arith.constant dense<0.000000e+00> : vector<64x128xf32>
    %dot_general3A_33 = tpu.matmul %convert_element_type3A, %convert_element_type3A_32, %dot_general3A {dimension_numbers = #tpu.dot_dimension_numbers<[1], [1], [0], [0], [0, 0, 1, 0], [], []>, transpose_lhs_hint = false} : vector<64x64xbf16>, vector<128x64xbf16>, vector<64x128xf32> -> vector<64x128xf32>
    %div3A_34 = arith.constant 8.000000e+00 : f32
    %div3A_35 = vector.broadcast %div3A_34 : f32 to vector<64x128xf32>
    %div3A_36 = arith.divf %dot_general3A_33, %div3A_35 : vector<64x128xf32>
    %gt3A = vector.broadcast %concatenate3A_30 : vector<1x128xf32> to vector<64x128xf32>
    %gt3A_37 = vector.broadcast %slice3A_31 : vector<64x1xf32> to vector<64x128xf32>
    %gt3A_38 = arith.cmpf ogt, %gt3A, %gt3A_37 : vector<64x128xf32>
    %jit3A = arith.constant -1.000000e+09 : f32
    %broadcast_in_dim3A_39 = vector.broadcast %jit3A : f32 to vector<64x128xf32>
    %select_n3A = arith.select %gt3A_38, %broadcast_in_dim3A_39, %div3A_36 : vector<64x128xi1>, vector<64x128xf32>
    %eq3A = vector.broadcast %concatenate3A_30 : vector<1x128xf32> to vector<64x128xf32>
    %eq3A_40 = vector.broadcast %slice3A_31 : vector<64x1xf32> to vector<64x128xf32>
    %eq3A_41 = arith.cmpf oeq, %eq3A, %eq3A_40 : vector<64x128xf32>
    %jit3A_42 = arith.constant -1.000000e+05 : f32
    %broadcast_in_dim3A_43 = vector.broadcast %jit3A_42 : f32 to vector<64x128xf32>
    %select_n3A_44 = arith.select %eq3A_41, %broadcast_in_dim3A_43, %select_n3A : vector<64x128xi1>, vector<64x128xf32>
    %reduce_max3A = arith.constant dense<0xFF800000> : vector<64xf32>
    %reduce_max3A_45 = vector.multi_reduction <maximumf>, %select_n3A_44, %reduce_max3A [1] : vector<64x128xf32> to vector<64xf32>
    %max3A = arith.constant 0xFF800000 : f32
    %max3A_46 = vector.broadcast %max3A : f32 to vector<64xf32>
    %max3A_47 = arith.maximumf %max3A_46, %reduce_max3A_45 : vector<64xf32>
    %broadcast_in_dim3A_48 = vector.shape_cast %max3A_47 : vector<64xf32> to vector<64x1xf32>
    %sub3A = vector.broadcast %broadcast_in_dim3A_48 : vector<64x1xf32> to vector<64x128xf32>
    %sub3A_49 = arith.subf %select_n3A_44, %sub3A : vector<64x128xf32>
    %exp3A = math.exp %sub3A_49 : vector<64x128xf32>
    %reduce_sum3A_50 = arith.constant dense<0.000000e+00> : vector<64xf32>
    %reduce_sum3A_51 = vector.multi_reduction <add>, %exp3A, %reduce_sum3A_50 [1] : vector<64x128xf32> to vector<64xf32>
    %broadcast_in_dim3A_52 = vector.shape_cast %reduce_sum3A_51 : vector<64xf32> to vector<64x1xf32>
    %div3A_53 = vector.broadcast %broadcast_in_dim3A_52 : vector<64x1xf32> to vector<64x128xf32>
    %div3A_54 = arith.divf %exp3A, %div3A_53 : vector<64x128xf32>
    %convert_element_type3A_55 = arith.truncf %div3A_54 : vector<64x128xf32> to vector<64x128xbf16>
    %convert_element_type3A_56 = arith.truncf %concatenate3A_27 : vector<128x64xf32> to vector<128x64xbf16>
    %dot_general3A_57 = arith.constant dense<0.000000e+00> : vector<64x64xf32>
    %dot_general3A_58 = tpu.matmul %convert_element_type3A_55, %convert_element_type3A_56, %dot_general3A_57 {dimension_numbers = #tpu.dot_dimension_numbers<[1], [0], [0], [1], [0, 0, 1, 1], [], []>, transpose_lhs_hint = false} : vector<64x128xbf16>, vector<128x64xbf16>, vector<64x64xf32> -> vector<64x64xf32>
    %slice3A_59 = vector.extract_strided_slice %get3A_3 {offsets = [64, 0], sizes = [64, 64], strides = [1, 1]} : vector<2048x64xf32> to vector<64x64xf32>
    %slice3A_60 = vector.extract_strided_slice %div3A_22 {offsets = [64, 0], sizes = [64, 64], strides = [1, 1]} : vector<2048x64xf32> to vector<64x64xf32>
    %slice3A_61 = vector.extract_strided_slice %div3A_22 {offsets = [0, 0], sizes = [64, 64], strides = [1, 1]} : vector<2048x64xf32> to vector<64x64xf32>
    %concatenate3A_62 = tpu.concatenate %slice3A_60, %slice3A_61 in 0 : vector<64x64xf32>, vector<64x64xf32> -> vector<128x64xf32>
    %slice3A_63 = vector.extract_strided_slice %get3A_8 {offsets = [64, 0], sizes = [64, 64], strides = [1, 1]} : vector<2048x64xf32> to vector<64x64xf32>
    %slice3A_64 = vector.extract_strided_slice %get3A_8 {offsets = [0, 0], sizes = [64, 64], strides = [1, 1]} : vector<2048x64xf32> to vector<64x64xf32>
    %concatenate3A_65 = tpu.concatenate %slice3A_63, %slice3A_64 in 0 : vector<64x64xf32>, vector<64x64xf32> -> vector<128x64xf32>
    %slice3A_66 = vector.extract_strided_slice %get3A_13 {offsets = [0, 64], sizes = [1, 64], strides = [1, 1]} : vector<1x2048xf32> to vector<1x64xf32>
    %slice3A_67 = vector.extract_strided_slice %get3A_13 {offsets = [0, 0], sizes = [1, 64], strides = [1, 1]} : vector<1x2048xf32> to vector<1x64xf32>
    %concatenate3A_68 = tpu.concatenate %slice3A_66, %slice3A_67 in 1 : vector<1x64xf32>, vector<1x64xf32> -> vector<1x128xf32>
    %slice3A_69 = vector.extract_strided_slice %get3A_18 {offsets = [64, 0], sizes = [64, 1], strides = [1, 1]} : vector<2048x1xf32> to vector<64x1xf32>
    %convert_element_type3A_70 = arith.truncf %slice3A_59 : vector<64x64xf32> to vector<64x64xbf16>
    %convert_element_type3A_71 = arith.truncf %concatenate3A_62 : vector<128x64xf32> to vector<128x64xbf16>
    %dot_general3A_72 = arith.constant dense<0.000000e+00> : vector<64x128xf32>
    %dot_general3A_73 = tpu.matmul %convert_element_type3A_70, %convert_element_type3A_71, %dot_general3A_72 {dimension_numbers = #tpu.dot_dimension_numbers<[1], [1], [0], [0], [0, 0, 1, 0], [], []>, transpose_lhs_hint = false} : vector<64x64xbf16>, vector<128x64xbf16>, vector<64x128xf32> -> vector<64x128xf32>
    %div3A_74 = arith.constant 8.000000e+00 : f32
    %div3A_75 = vector.broadcast %div3A_74 : f32 to vector<64x128xf32>
    %div3A_76 = arith.divf %dot_general3A_73, %div3A_75 : vector<64x128xf32>
    %gt3A_77 = vector.broadcast %concatenate3A_68 : vector<1x128xf32> to vector<64x128xf32>
    %gt3A_78 = vector.broadcast %slice3A_69 : vector<64x1xf32> to vector<64x128xf32>
    %gt3A_79 = arith.cmpf ogt, %gt3A_77, %gt3A_78 : vector<64x128xf32>
    %jit3A_80 = arith.constant -1.000000e+09 : f32
    %broadcast_in_dim3A_81 = vector.broadcast %jit3A_80 : f32 to vector<64x128xf32>
    %select_n3A_82 = arith.select %gt3A_79, %broadcast_in_dim3A_81, %div3A_76 : vector<64x128xi1>, vector<64x128xf32>
    %eq3A_83 = vector.broadcast %concatenate3A_68 : vector<1x128xf32> to vector<64x128xf32>
    %eq3A_84 = vector.broadcast %slice3A_69 : vector<64x1xf32> to vector<64x128xf32>
    %eq3A_85 = arith.cmpf oeq, %eq3A_83, %eq3A_84 : vector<64x128xf32>
    %jit3A_86 = arith.constant -1.000000e+05 : f32
    %broadcast_in_dim3A_87 = vector.broadcast %jit3A_86 : f32 to vector<64x128xf32>
    %select_n3A_88 = arith.select %eq3A_85, %broadcast_in_dim3A_87, %select_n3A_82 : vector<64x128xi1>, vector<64x128xf32>
    %reduce_max3A_89 = arith.constant dense<0xFF800000> : vector<64xf32>
    %reduce_max3A_90 = vector.multi_reduction <maximumf>, %select_n3A_88, %reduce_max3A_89 [1] : vector<64x128xf32> to vector<64xf32>
    %max3A_91 = arith.constant 0xFF800000 : f32
    %max3A_92 = vector.broadcast %max3A_91 : f32 to vector<64xf32>
    %max3A_93 = arith.maximumf %max3A_92, %reduce_max3A_90 : vector<64xf32>
    %broadcast_in_dim3A_94 = vector.shape_cast %max3A_93 : vector<64xf32> to vector<64x1xf32>
    %sub3A_95 = vector.broadcast %broadcast_in_dim3A_94 : vector<64x1xf32> to vector<64x128xf32>
    %sub3A_96 = arith.subf %select_n3A_88, %sub3A_95 : vector<64x128xf32>
    %exp3A_97 = math.exp %sub3A_96 : vector<64x128xf32>
    %reduce_sum3A_98 = arith.constant dense<0.000000e+00> : vector<64xf32>
    %reduce_sum3A_99 = vector.multi_reduction <add>, %exp3A_97, %reduce_sum3A_98 [1] : vector<64x128xf32> to vector<64xf32>
    %broadcast_in_dim3A_100 = vector.shape_cast %reduce_sum3A_99 : vector<64xf32> to vector<64x1xf32>
    %div3A_101 = vector.broadcast %broadcast_in_dim3A_100 : vector<64x1xf32> to vector<64x128xf32>
    %div3A_102 = arith.divf %exp3A_97, %div3A_101 : vector<64x128xf32>
    %convert_element_type3A_103 = arith.truncf %div3A_102 : vector<64x128xf32> to vector<64x128xbf16>
    %convert_element_type3A_104 = arith.truncf %concatenate3A_65 : vector<128x64xf32> to vector<128x64xbf16>
    %dot_general3A_105 = arith.constant dense<0.000000e+00> : vector<64x64xf32>
    %dot_general3A_106 = tpu.matmul %convert_element_type3A_103, %convert_element_type3A_104, %dot_general3A_105 {dimension_numbers = #tpu.dot_dimension_numbers<[1], [0], [0], [1], [0, 0, 1, 1], [], []>, transpose_lhs_hint = false} : vector<64x128xbf16>, vector<128x64xbf16>, vector<64x64xf32> -> vector<64x64xf32>
    %slice3A_107 = vector.extract_strided_slice %get3A_3 {offsets = [128, 0], sizes = [64, 64], strides = [1, 1]} : vector<2048x64xf32> to vector<64x64xf32>
    %slice3A_108 = vector.extract_strided_slice %div3A_22 {offsets = [128, 0], sizes = [64, 64], strides = [1, 1]} : vector<2048x64xf32> to vector<64x64xf32>
    %slice3A_109 = vector.extract_strided_slice %div3A_22 {offsets = [64, 0], sizes = [64, 64], strides = [1, 1]} : vector<2048x64xf32> to vector<64x64xf32>
    %concatenate3A_110 = tpu.concatenate %slice3A_108, %slice3A_109 in 0 : vector<64x64xf32>, vector<64x64xf32> -> vector<128x64xf32>
    %slice3A_111 = vector.extract_strided_slice %get3A_8 {offsets = [128, 0], sizes = [64, 64], strides = [1, 1]} : vector<2048x64xf32> to vector<64x64xf32>
    %slice3A_112 = vector.extract_strided_slice %get3A_8 {offsets = [64, 0], sizes = [64, 64], strides = [1, 1]} : vector<2048x64xf32> to vector<64x64xf32>
    %concatenate3A_113 = tpu.concatenate %slice3A_111, %slice3A_112 in 0 : vector<64x64xf32>, vector<64x64xf32> -> vector<128x64xf32>
    %slice3A_114 = vector.extract_strided_slice %get3A_13 {offsets = [0, 128], sizes = [1, 64], strides = [1, 1]} : vector<1x2048xf32> to vector<1x64xf32>
    %slice3A_115 = vector.extract_strided_slice %get3A_13 {offsets = [0, 64], sizes = [1, 64], strides = [1, 1]} : vector<1x2048xf32> to vector<1x64xf32>
    %concatenate3A_116 = tpu.concatenate %slice3A_114, %slice3A_115 in 1 : vector<1x64xf32>, vector<1x64xf32> -> vector<1x128xf32>
    %slice3A_117 = vector.extract_strided_slice %get3A_18 {offsets = [128, 0], sizes = [64, 1], strides = [1, 1]} : vector<2048x1xf32> to vector<64x1xf32>
    %convert_element_type3A_118 = arith.truncf %slice3A_107 : vector<64x64xf32> to vector<64x64xbf16>
    %convert_element_type3A_119 = arith.truncf %concatenate3A_110 : vector<128x64xf32> to vector<128x64xbf16>
    %dot_general3A_120 = arith.constant dense<0.000000e+00> : vector<64x128xf32>
    %dot_general3A_121 = tpu.matmul %convert_element_type3A_118, %convert_element_type3A_119, %dot_general3A_120 {dimension_numbers = #tpu.dot_dimension_numbers<[1], [1], [0], [0], [0, 0, 1, 0], [], []>, transpose_lhs_hint = false} : vector<64x64xbf16>, vector<128x64xbf16>, vector<64x128xf32> -> vector<64x128xf32>
    %div3A_122 = arith.constant 8.000000e+00 : f32
    %div3A_123 = vector.broadcast %div3A_122 : f32 to vector<64x128xf32>
    %div3A_124 = arith.divf %dot_general3A_121, %div3A_123 : vector<64x128xf32>
    %gt3A_125 = vector.broadcast %concatenate3A_116 : vector<1x128xf32> to vector<64x128xf32>
    %gt3A_126 = vector.broadcast %slice3A_117 : vector<64x1xf32> to vector<64x128xf32>
    %gt3A_127 = arith.cmpf ogt, %gt3A_125, %gt3A_126 : vector<64x128xf32>
    %jit3A_128 = arith.constant -1.000000e+09 : f32
    %broadcast_in_dim3A_129 = vector.broadcast %jit3A_128 : f32 to vector<64x128xf32>
    %select_n3A_130 = arith.select %gt3A_127, %broadcast_in_dim3A_129, %div3A_124 : vector<64x128xi1>, vector<64x128xf32>
    %eq3A_131 = vector.broadcast %concatenate3A_116 : vector<1x128xf32> to vector<64x128xf32>
    %eq3A_132 = vector.broadcast %slice3A_117 : vector<64x1xf32> to vector<64x128xf32>
    %eq3A_133 = arith.cmpf oeq, %eq3A_131, %eq3A_132 : vector<64x128xf32>
    %jit3A_134 = arith.constant -1.000000e+05 : f32
    %broadcast_in_dim3A_135 = vector.broadcast %jit3A_134 : f32 to vector<64x128xf32>
    %select_n3A_136 = arith.select %eq3A_133, %broadcast_in_dim3A_135, %select_n3A_130 : vector<64x128xi1>, vector<64x128xf32>
    %reduce_max3A_137 = arith.constant dense<0xFF800000> : vector<64xf32>
    %reduce_max3A_138 = vector.multi_reduction <maximumf>, %select_n3A_136, %reduce_max3A_137 [1] : vector<64x128xf32> to vector<64xf32>
    %max3A_139 = arith.constant 0xFF800000 : f32
    %max3A_140 = vector.broadcast %max3A_139 : f32 to vector<64xf32>
    %max3A_141 = arith.maximumf %max3A_140, %reduce_max3A_138 : vector<64xf32>
    %broadcast_in_dim3A_142 = vector.shape_cast %max3A_141 : vector<64xf32> to vector<64x1xf32>
    %sub3A_143 = vector.broadcast %broadcast_in_dim3A_142 : vector<64x1xf32> to vector<64x128xf32>
    %sub3A_144 = arith.subf %select_n3A_136, %sub3A_143 : vector<64x128xf32>
    %exp3A_145 = math.exp %sub3A_144 : vector<64x128xf32>
    %reduce_sum3A_146 = arith.constant dense<0.000000e+00> : vector<64xf32>
    %reduce_sum3A_147 = vector.multi_reduction <add>, %exp3A_145, %reduce_sum3A_146 [1] : vector<64x128xf32> to vector<64xf32>
    %broadcast_in_dim3A_148 = vector.shape_cast %reduce_sum3A_147 : vector<64xf32> to vector<64x1xf32>
    %div3A_149 = vector.broadcast %broadcast_in_dim3A_148 : vector<64x1xf32> to vector<64x128xf32>
    %div3A_150 = arith.divf %exp3A_145, %div3A_149 : vector<64x128xf32>
    %convert_element_type3A_151 = arith.truncf %div3A_150 : vector<64x128xf32> to vector<64x128xbf16>
    %convert_element_type3A_152 = arith.truncf %concatenate3A_113 : vector<128x64xf32> to vector<128x64xbf16>
    %dot_general3A_153 = arith.constant dense<0.000000e+00> : vector<64x64xf32>
    %dot_general3A_154 = tpu.matmul %convert_element_type3A_151, %convert_element_type3A_152, %dot_general3A_153 {dimension_numbers = #tpu.dot_dimension_numbers<[1], [0], [0], [1], [0, 0, 1, 1], [], []>, transpose_lhs_hint = false} : vector<64x128xbf16>, vector<128x64xbf16>, vector<64x64xf32> -> vector<64x64xf32>
    %slice3A_155 = vector.extract_strided_slice %get3A_3 {offsets = [192, 0], sizes = [64, 64], strides = [1, 1]} : vector<2048x64xf32> to vector<64x64xf32>
    %slice3A_156 = vector.extract_strided_slice %div3A_22 {offsets = [192, 0], sizes = [64, 64], strides = [1, 1]} : vector<2048x64xf32> to vector<64x64xf32>
    %slice3A_157 = vector.extract_strided_slice %div3A_22 {offsets = [128, 0], sizes = [64, 64], strides = [1, 1]} : vector<2048x64xf32> to vector<64x64xf32>
    %concatenate3A_158 = tpu.concatenate %slice3A_156, %slice3A_157 in 0 : vector<64x64xf32>, vector<64x64xf32> -> vector<128x64xf32>
    %slice3A_159 = vector.extract_strided_slice %get3A_8 {offsets = [192, 0], sizes = [64, 64], strides = [1, 1]} : vector<2048x64xf32> to vector<64x64xf32>
    %slice3A_160 = vector.extract_strided_slice %get3A_8 {offsets = [128, 0], sizes = [64, 64], strides = [1, 1]} : vector<2048x64xf32> to vector<64x64xf32>
    %concatenate3A_161 = tpu.concatenate %slice3A_159, %slice3A_160 in 0 : vector<64x64xf32>, vector<64x64xf32> -> vector<128x64xf32>
    %slice3A_162 = vector.extract_strided_slice %get3A_13 {offsets = [0, 192], sizes = [1, 64], strides = [1, 1]} : vector<1x2048xf32> to vector<1x64xf32>
    %slice3A_163 = vector.extract_strided_slice %get3A_13 {offsets = [0, 128], sizes = [1, 64], strides = [1, 1]} : vector<1x2048xf32> to vector<1x64xf32>
    %concatenate3A_164 = tpu.concatenate %slice3A_162, %slice3A_163 in 1 : vector<1x64xf32>, vector<1x64xf32> -> vector<1x128xf32>
    %slice3A_165 = vector.extract_strided_slice %get3A_18 {offsets = [192, 0], sizes = [64, 1], strides = [1, 1]} : vector<2048x1xf32> to vector<64x1xf32>
    %convert_element_type3A_166 = arith.truncf %slice3A_155 : vector<64x64xf32> to vector<64x64xbf16>
    %convert_element_type3A_167 = arith.truncf %concatenate3A_158 : vector<128x64xf32> to vector<128x64xbf16>
    %dot_general3A_168 = arith.constant dense<0.000000e+00> : vector<64x128xf32>
    %dot_general3A_169 = tpu.matmul %convert_element_type3A_166, %convert_element_type3A_167, %dot_general3A_168 {dimension_numbers = #tpu.dot_dimension_numbers<[1], [1], [0], [0], [0, 0, 1, 0], [], []>, transpose_lhs_hint = false} : vector<64x64xbf16>, vector<128x64xbf16>, vector<64x128xf32> -> vector<64x128xf32>
    %div3A_170 = arith.constant 8.000000e+00 : f32
    %div3A_171 = vector.broadcast %div3A_170 : f32 to vector<64x128xf32>
    %div3A_172 = arith.divf %dot_general3A_169, %div3A_171 : vector<64x128xf32>
    %gt3A_173 = vector.broadcast %concatenate3A_164 : vector<1x128xf32> to vector<64x128xf32>
    %gt3A_174 = vector.broadcast %slice3A_165 : vector<64x1xf32> to vector<64x128xf32>
    %gt3A_175 = arith.cmpf ogt, %gt3A_173, %gt3A_174 : vector<64x128xf32>
    %jit3A_176 = arith.constant -1.000000e+09 : f32
    %broadcast_in_dim3A_177 = vector.broadcast %jit3A_176 : f32 to vector<64x128xf32>
    %select_n3A_178 = arith.select %gt3A_175, %broadcast_in_dim3A_177, %div3A_172 : vector<64x128xi1>, vector<64x128xf32>
    %eq3A_179 = vector.broadcast %concatenate3A_164 : vector<1x128xf32> to vector<64x128xf32>
    %eq3A_180 = vector.broadcast %slice3A_165 : vector<64x1xf32> to vector<64x128xf32>
    %eq3A_181 = arith.cmpf oeq, %eq3A_179, %eq3A_180 : vector<64x128xf32>
    %jit3A_182 = arith.constant -1.000000e+05 : f32
    %broadcast_in_dim3A_183 = vector.broadcast %jit3A_182 : f32 to vector<64x128xf32>
    %select_n3A_184 = arith.select %eq3A_181, %broadcast_in_dim3A_183, %select_n3A_178 : vector<64x128xi1>, vector<64x128xf32>
    %reduce_max3A_185 = arith.constant dense<0xFF800000> : vector<64xf32>
    %reduce_max3A_186 = vector.multi_reduction <maximumf>, %select_n3A_184, %reduce_max3A_185 [1] : vector<64x128xf32> to vector<64xf32>
    %max3A_187 = arith.constant 0xFF800000 : f32
    %max3A_188 = vector.broadcast %max3A_187 : f32 to vector<64xf32>
    %max3A_189 = arith.maximumf %max3A_188, %reduce_max3A_186 : vector<64xf32>
    %broadcast_in_dim3A_190 = vector.shape_cast %max3A_189 : vector<64xf32> to vector<64x1xf32>
    %sub3A_191 = vector.broadcast %broadcast_in_dim3A_190 : vector<64x1xf32> to vector<64x128xf32>
    %sub3A_192 = arith.subf %select_n3A_184, %sub3A_191 : vector<64x128xf32>
    %exp3A_193 = math.exp %sub3A_192 : vector<64x128xf32>
    %reduce_sum3A_194 = arith.constant dense<0.000000e+00> : vector<64xf32>
    %reduce_sum3A_195 = vector.multi_reduction <add>, %exp3A_193, %reduce_sum3A_194 [1] : vector<64x128xf32> to vector<64xf32>
    %broadcast_in_dim3A_196 = vector.shape_cast %reduce_sum3A_195 : vector<64xf32> to vector<64x1xf32>
    %div3A_197 = vector.broadcast %broadcast_in_dim3A_196 : vector<64x1xf32> to vector<64x128xf32>
    %div3A_198 = arith.divf %exp3A_193, %div3A_197 : vector<64x128xf32>
    %convert_element_type3A_199 = arith.truncf %div3A_198 : vector<64x128xf32> to vector<64x128xbf16>
    %convert_element_type3A_200 = arith.truncf %concatenate3A_161 : vector<128x64xf32> to vector<128x64xbf16>
    %dot_general3A_201 = arith.constant dense<0.000000e+00> : vector<64x64xf32>
    %dot_general3A_202 = tpu.matmul %convert_element_type3A_199, %convert_element_type3A_200, %dot_general3A_201 {dimension_numbers = #tpu.dot_dimension_numbers<[1], [0], [0], [1], [0, 0, 1, 1], [], []>, transpose_lhs_hint = false} : vector<64x128xbf16>, vector<128x64xbf16>, vector<64x64xf32> -> vector<64x64xf32>
    %slice3A_203 = vector.extract_strided_slice %get3A_3 {offsets = [256, 0], sizes = [64, 64], strides = [1, 1]} : vector<2048x64xf32> to vector<64x64xf32>
    %slice3A_204 = vector.extract_strided_slice %div3A_22 {offsets = [256, 0], sizes = [64, 64], strides = [1, 1]} : vector<2048x64xf32> to vector<64x64xf32>
    %slice3A_205 = vector.extract_strided_slice %div3A_22 {offsets = [192, 0], sizes = [64, 64], strides = [1, 1]} : vector<2048x64xf32> to vector<64x64xf32>
    %concatenate3A_206 = tpu.concatenate %slice3A_204, %slice3A_205 in 0 : vector<64x64xf32>, vector<64x64xf32> -> vector<128x64xf32>
    %slice3A_207 = vector.extract_strided_slice %get3A_8 {offsets = [256, 0], sizes = [64, 64], strides = [1, 1]} : vector<2048x64xf32> to vector<64x64xf32>
    %slice3A_208 = vector.extract_strided_slice %get3A_8 {offsets = [192, 0], sizes = [64, 64], strides = [1, 1]} : vector<2048x64xf32> to vector<64x64xf32>
    %concatenate3A_209 = tpu.concatenate %slice3A_207, %slice3A_208 in 0 : vector<64x64xf32>, vector<64x64xf32> -> vector<128x64xf32>
    %slice3A_210 = vector.extract_strided_slice %get3A_13 {offsets = [0, 256], sizes = [1, 64], strides = [1, 1]} : vector<1x2048xf32> to vector<1x64xf32>
    %slice3A_211 = vector.extract_strided_slice %get3A_13 {offsets = [0, 192], sizes = [1, 64], strides = [1, 1]} : vector<1x2048xf32> to vector<1x64xf32>
    %concatenate3A_212 = tpu.concatenate %slice3A_210, %slice3A_211 in 1 : vector<1x64xf32>, vector<1x64xf32> -> vector<1x128xf32>
    %slice3A_213 = vector.extract_strided_slice %get3A_18 {offsets = [256, 0], sizes = [64, 1], strides = [1, 1]} : vector<2048x1xf32> to vector<64x1xf32>
    %convert_element_type3A_214 = arith.truncf %slice3A_203 : vector<64x64xf32> to vector<64x64xbf16>
    %convert_element_type3A_215 = arith.truncf %concatenate3A_206 : vector<128x64xf32> to vector<128x64xbf16>
    %dot_general3A_216 = arith.constant dense<0.000000e+00> : vector<64x128xf32>
    %dot_general3A_217 = tpu.matmul %convert_element_type3A_214, %convert_element_type3A_215, %dot_general3A_216 {dimension_numbers = #tpu.dot_dimension_numbers<[1], [1], [0], [0], [0, 0, 1, 0], [], []>, transpose_lhs_hint = false} : vector<64x64xbf16>, vector<128x64xbf16>, vector<64x128xf32> -> vector<64x128xf32>
    %div3A_218 = arith.constant 8.000000e+00 : f32
    %div3A_219 = vector.broadcast %div3A_218 : f32 to vector<64x128xf32>
    %div3A_220 = arith.divf %dot_general3A_217, %div3A_219 : vector<64x128xf32>
    %gt3A_221 = vector.broadcast %concatenate3A_212 : vector<1x128xf32> to vector<64x128xf32>
    %gt3A_222 = vector.broadcast %slice3A_213 : vector<64x1xf32> to vector<64x128xf32>
    %gt3A_223 = arith.cmpf ogt, %gt3A_221, %gt3A_222 : vector<64x128xf32>
    %jit3A_224 = arith.constant -1.000000e+09 : f32
    %broadcast_in_dim3A_225 = vector.broadcast %jit3A_224 : f32 to vector<64x128xf32>
    %select_n3A_226 = arith.select %gt3A_223, %broadcast_in_dim3A_225, %div3A_220 : vector<64x128xi1>, vector<64x128xf32>
    %eq3A_227 = vector.broadcast %concatenate3A_212 : vector<1x128xf32> to vector<64x128xf32>
    %eq3A_228 = vector.broadcast %slice3A_213 : vector<64x1xf32> to vector<64x128xf32>
    %eq3A_229 = arith.cmpf oeq, %eq3A_227, %eq3A_228 : vector<64x128xf32>
    %jit3A_230 = arith.constant -1.000000e+05 : f32
    %broadcast_in_dim3A_231 = vector.broadcast %jit3A_230 : f32 to vector<64x128xf32>
    %select_n3A_232 = arith.select %eq3A_229, %broadcast_in_dim3A_231, %select_n3A_226 : vector<64x128xi1>, vector<64x128xf32>
    %reduce_max3A_233 = arith.constant dense<0xFF800000> : vector<64xf32>
    %reduce_max3A_234 = vector.multi_reduction <maximumf>, %select_n3A_232, %reduce_max3A_233 [1] : vector<64x128xf32> to vector<64xf32>
    %max3A_235 = arith.constant 0xFF800000 : f32
    %max3A_236 = vector.broadcast %max3A_235 : f32 to vector<64xf32>
    %max3A_237 = arith.maximumf %max3A_236, %reduce_max3A_234 : vector<64xf32>
    %broadcast_in_dim3A_238 = vector.shape_cast %max3A_237 : vector<64xf32> to vector<64x1xf32>
    %sub3A_239 = vector.broadcast %broadcast_in_dim3A_238 : vector<64x1xf32> to vector<64x128xf32>
    %sub3A_240 = arith.subf %select_n3A_232, %sub3A_239 : vector<64x128xf32>
    %exp3A_241 = math.exp %sub3A_240 : vector<64x128xf32>
    %reduce_sum3A_242 = arith.constant dense<0.000000e+00> : vector<64xf32>
    %reduce_sum3A_243 = vector.multi_reduction <add>, %exp3A_241, %reduce_sum3A_242 [1] : vector<64x128xf32> to vector<64xf32>
    %broadcast_in_dim3A_244 = vector.shape_cast %reduce_sum3A_243 : vector<64xf32> to vector<64x1xf32>
    %div3A_245 = vector.broadcast %broadcast_in_dim3A_244 : vector<64x1xf32> to vector<64x128xf32>
    %div3A_246 = arith.divf %exp3A_241, %div3A_245 : vector<64x128xf32>
    %convert_element_type3A_247 = arith.truncf %div3A_246 : vector<64x128xf32> to vector<64x128xbf16>
    %convert_element_type3A_248 = arith.truncf %concatenate3A_209 : vector<128x64xf32> to vector<128x64xbf16>
    %dot_general3A_249 = arith.constant dense<0.000000e+00> : vector<64x64xf32>
    %dot_general3A_250 = tpu.matmul %convert_element_type3A_247, %convert_element_type3A_248, %dot_general3A_249 {dimension_numbers = #tpu.dot_dimension_numbers<[1], [0], [0], [1], [0, 0, 1, 1], [], []>, transpose_lhs_hint = false} : vector<64x128xbf16>, vector<128x64xbf16>, vector<64x64xf32> -> vector<64x64xf32>
    %slice3A_251 = vector.extract_strided_slice %get3A_3 {offsets = [320, 0], sizes = [64, 64], strides = [1, 1]} : vector<2048x64xf32> to vector<64x64xf32>
    %slice3A_252 = vector.extract_strided_slice %div3A_22 {offsets = [320, 0], sizes = [64, 64], strides = [1, 1]} : vector<2048x64xf32> to vector<64x64xf32>
    %slice3A_253 = vector.extract_strided_slice %div3A_22 {offsets = [256, 0], sizes = [64, 64], strides = [1, 1]} : vector<2048x64xf32> to vector<64x64xf32>
    %concatenate3A_254 = tpu.concatenate %slice3A_252, %slice3A_253 in 0 : vector<64x64xf32>, vector<64x64xf32> -> vector<128x64xf32>
    %slice3A_255 = vector.extract_strided_slice %get3A_8 {offsets = [320, 0], sizes = [64, 64], strides = [1, 1]} : vector<2048x64xf32> to vector<64x64xf32>
    %slice3A_256 = vector.extract_strided_slice %get3A_8 {offsets = [256, 0], sizes = [64, 64], strides = [1, 1]} : vector<2048x64xf32> to vector<64x64xf32>
    %concatenate3A_257 = tpu.concatenate %slice3A_255, %slice3A_256 in 0 : vector<64x64xf32>, vector<64x64xf32> -> vector<128x64xf32>
    %slice3A_258 = vector.extract_strided_slice %get3A_13 {offsets = [0, 320], sizes = [1, 64], strides = [1, 1]} : vector<1x2048xf32> to vector<1x64xf32>
    %slice3A_259 = vector.extract_strided_slice %get3A_13 {offsets = [0, 256], sizes = [1, 64], strides = [1, 1]} : vector<1x2048xf32> to vector<1x64xf32>
    %concatenate3A_260 = tpu.concatenate %slice3A_258, %slice3A_259 in 1 : vector<1x64xf32>, vector<1x64xf32> -> vector<1x128xf32>
    %slice3A_261 = vector.extract_strided_slice %get3A_18 {offsets = [320, 0], sizes = [64, 1], strides = [1, 1]} : vector<2048x1xf32> to vector<64x1xf32>
    %convert_element_type3A_262 = arith.truncf %slice3A_251 : vector<64x64xf32> to vector<64x64xbf16>
    %convert_element_type3A_263 = arith.truncf %concatenate3A_254 : vector<128x64xf32> to vector<128x64xbf16>
    %dot_general3A_264 = arith.constant dense<0.000000e+00> : vector<64x128xf32>
    %dot_general3A_265 = tpu.matmul %convert_element_type3A_262, %convert_element_type3A_263, %dot_general3A_264 {dimension_numbers = #tpu.dot_dimension_numbers<[1], [1], [0], [0], [0, 0, 1, 0], [], []>, transpose_lhs_hint = false} : vector<64x64xbf16>, vector<128x64xbf16>, vector<64x128xf32> -> vector<64x128xf32>
    %div3A_266 = arith.constant 8.000000e+00 : f32
    %div3A_267 = vector.broadcast %div3A_266 : f32 to vector<64x128xf32>
    %div3A_268 = arith.divf %dot_general3A_265, %div3A_267 : vector<64x128xf32>
    %gt3A_269 = vector.broadcast %concatenate3A_260 : vector<1x128xf32> to vector<64x128xf32>
    %gt3A_270 = vector.broadcast %slice3A_261 : vector<64x1xf32> to vector<64x128xf32>
    %gt3A_271 = arith.cmpf ogt, %gt3A_269, %gt3A_270 : vector<64x128xf32>
    %jit3A_272 = arith.constant -1.000000e+09 : f32
    %broadcast_in_dim3A_273 = vector.broadcast %jit3A_272 : f32 to vector<64x128xf32>
    %select_n3A_274 = arith.select %gt3A_271, %broadcast_in_dim3A_273, %div3A_268 : vector<64x128xi1>, vector<64x128xf32>
    %eq3A_275 = vector.broadcast %concatenate3A_260 : vector<1x128xf32> to vector<64x128xf32>
    %eq3A_276 = vector.broadcast %slice3A_261 : vector<64x1xf32> to vector<64x128xf32>
    %eq3A_277 = arith.cmpf oeq, %eq3A_275, %eq3A_276 : vector<64x128xf32>
    %jit3A_278 = arith.constant -1.000000e+05 : f32
    %broadcast_in_dim3A_279 = vector.broadcast %jit3A_278 : f32 to vector<64x128xf32>
    %select_n3A_280 = arith.select %eq3A_277, %broadcast_in_dim3A_279, %select_n3A_274 : vector<64x128xi1>, vector<64x128xf32>
    %reduce_max3A_281 = arith.constant dense<0xFF800000> : vector<64xf32>
    %reduce_max3A_282 = vector.multi_reduction <maximumf>, %select_n3A_280, %reduce_max3A_281 [1] : vector<64x128xf32> to vector<64xf32>
    %max3A_283 = arith.constant 0xFF800000 : f32
    %max3A_284 = vector.broadcast %max3A_283 : f32 to vector<64xf32>
    %max3A_285 = arith.maximumf %max3A_284, %reduce_max3A_282 : vector<64xf32>
    %broadcast_in_dim3A_286 = vector.shape_cast %max3A_285 : vector<64xf32> to vector<64x1xf32>
    %sub3A_287 = vector.broadcast %broadcast_in_dim3A_286 : vector<64x1xf32> to vector<64x128xf32>
    %sub3A_288 = arith.subf %select_n3A_280, %sub3A_287 : vector<64x128xf32>
    %exp3A_289 = math.exp %sub3A_288 : vector<64x128xf32>
    %reduce_sum3A_290 = arith.constant dense<0.000000e+00> : vector<64xf32>
    %reduce_sum3A_291 = vector.multi_reduction <add>, %exp3A_289, %reduce_sum3A_290 [1] : vector<64x128xf32> to vector<64xf32>
    %broadcast_in_dim3A_292 = vector.shape_cast %reduce_sum3A_291 : vector<64xf32> to vector<64x1xf32>
    %div3A_293 = vector.broadcast %broadcast_in_dim3A_292 : vector<64x1xf32> to vector<64x128xf32>
    %div3A_294 = arith.divf %exp3A_289, %div3A_293 : vector<64x128xf32>
    %convert_element_type3A_295 = arith.truncf %div3A_294 : vector<64x128xf32> to vector<64x128xbf16>
    %convert_element_type3A_296 = arith.truncf %concatenate3A_257 : vector<128x64xf32> to vector<128x64xbf16>
    %dot_general3A_297 = arith.constant dense<0.000000e+00> : vector<64x64xf32>
    %dot_general3A_298 = tpu.matmul %convert_element_type3A_295, %convert_element_type3A_296, %dot_general3A_297 {dimension_numbers = #tpu.dot_dimension_numbers<[1], [0], [0], [1], [0, 0, 1, 1], [], []>, transpose_lhs_hint = false} : vector<64x128xbf16>, vector<128x64xbf16>, vector<64x64xf32> -> vector<64x64xf32>
    %slice3A_299 = vector.extract_strided_slice %get3A_3 {offsets = [384, 0], sizes = [64, 64], strides = [1, 1]} : vector<2048x64xf32> to vector<64x64xf32>
    %slice3A_300 = vector.extract_strided_slice %div3A_22 {offsets = [384, 0], sizes = [64, 64], strides = [1, 1]} : vector<2048x64xf32> to vector<64x64xf32>
    %slice3A_301 = vector.extract_strided_slice %div3A_22 {offsets = [320, 0], sizes = [64, 64], strides = [1, 1]} : vector<2048x64xf32> to vector<64x64xf32>
    %concatenate3A_302 = tpu.concatenate %slice3A_300, %slice3A_301 in 0 : vector<64x64xf32>, vector<64x64xf32> -> vector<128x64xf32>
    %slice3A_303 = vector.extract_strided_slice %get3A_8 {offsets = [384, 0], sizes = [64, 64], strides = [1, 1]} : vector<2048x64xf32> to vector<64x64xf32>
    %slice3A_304 = vector.extract_strided_slice %get3A_8 {offsets = [320, 0], sizes = [64, 64], strides = [1, 1]} : vector<2048x64xf32> to vector<64x64xf32>
    %concatenate3A_305 = tpu.concatenate %slice3A_303, %slice3A_304 in 0 : vector<64x64xf32>, vector<64x64xf32> -> vector<128x64xf32>
    %slice3A_306 = vector.extract_strided_slice %get3A_13 {offsets = [0, 384], sizes = [1, 64], strides = [1, 1]} : vector<1x2048xf32> to vector<1x64xf32>
    %slice3A_307 = vector.extract_strided_slice %get3A_13 {offsets = [0, 320], sizes = [1, 64], strides = [1, 1]} : vector<1x2048xf32> to vector<1x64xf32>
    %concatenate3A_308 = tpu.concatenate %slice3A_306, %slice3A_307 in 1 : vector<1x64xf32>, vector<1x64xf32> -> vector<1x128xf32>
    %slice3A_309 = vector.extract_strided_slice %get3A_18 {offsets = [384, 0], sizes = [64, 1], strides = [1, 1]} : vector<2048x1xf32> to vector<64x1xf32>
    %convert_element_type3A_310 = arith.truncf %slice3A_299 : vector<64x64xf32> to vector<64x64xbf16>
    %convert_element_type3A_311 = arith.truncf %concatenate3A_302 : vector<128x64xf32> to vector<128x64xbf16>
    %dot_general3A_312 = arith.constant dense<0.000000e+00> : vector<64x128xf32>
    %dot_general3A_313 = tpu.matmul %convert_element_type3A_310, %convert_element_type3A_311, %dot_general3A_312 {dimension_numbers = #tpu.dot_dimension_numbers<[1], [1], [0], [0], [0, 0, 1, 0], [], []>, transpose_lhs_hint = false} : vector<64x64xbf16>, vector<128x64xbf16>, vector<64x128xf32> -> vector<64x128xf32>
    %div3A_314 = arith.constant 8.000000e+00 : f32
    %div3A_315 = vector.broadcast %div3A_314 : f32 to vector<64x128xf32>
    %div3A_316 = arith.divf %dot_general3A_313, %div3A_315 : vector<64x128xf32>
    %gt3A_317 = vector.broadcast %concatenate3A_308 : vector<1x128xf32> to vector<64x128xf32>
    %gt3A_318 = vector.broadcast %slice3A_309 : vector<64x1xf32> to vector<64x128xf32>
    %gt3A_319 = arith.cmpf ogt, %gt3A_317, %gt3A_318 : vector<64x128xf32>
    %jit3A_320 = arith.constant -1.000000e+09 : f32
    %broadcast_in_dim3A_321 = vector.broadcast %jit3A_320 : f32 to vector<64x128xf32>
    %select_n3A_322 = arith.select %gt3A_319, %broadcast_in_dim3A_321, %div3A_316 : vector<64x128xi1>, vector<64x128xf32>
    %eq3A_323 = vector.broadcast %concatenate3A_308 : vector<1x128xf32> to vector<64x128xf32>
    %eq3A_324 = vector.broadcast %slice3A_309 : vector<64x1xf32> to vector<64x128xf32>
    %eq3A_325 = arith.cmpf oeq, %eq3A_323, %eq3A_324 : vector<64x128xf32>
    %jit3A_326 = arith.constant -1.000000e+05 : f32
    %broadcast_in_dim3A_327 = vector.broadcast %jit3A_326 : f32 to vector<64x128xf32>
    %select_n3A_328 = arith.select %eq3A_325, %broadcast_in_dim3A_327, %select_n3A_322 : vector<64x128xi1>, vector<64x128xf32>
    %reduce_max3A_329 = arith.constant dense<0xFF800000> : vector<64xf32>
    %reduce_max3A_330 = vector.multi_reduction <maximumf>, %select_n3A_328, %reduce_max3A_329 [1] : vector<64x128xf32> to vector<64xf32>
    %max3A_331 = arith.constant 0xFF800000 : f32
    %max3A_332 = vector.broadcast %max3A_331 : f32 to vector<64xf32>
    %max3A_333 = arith.maximumf %max3A_332, %reduce_max3A_330 : vector<64xf32>
    %broadcast_in_dim3A_334 = vector.shape_cast %max3A_333 : vector<64xf32> to vector<64x1xf32>
    %sub3A_335 = vector.broadcast %broadcast_in_dim3A_334 : vector<64x1xf32> to vector<64x128xf32>
    %sub3A_336 = arith.subf %select_n3A_328, %sub3A_335 : vector<64x128xf32>
    %exp3A_337 = math.exp %sub3A_336 : vector<64x128xf32>
    %reduce_sum3A_338 = arith.constant dense<0.000000e+00> : vector<64xf32>
    %reduce_sum3A_339 = vector.multi_reduction <add>, %exp3A_337, %reduce_sum3A_338 [1] : vector<64x128xf32> to vector<64xf32>
    %broadcast_in_dim3A_340 = vector.shape_cast %reduce_sum3A_339 : vector<64xf32> to vector<64x1xf32>
    %div3A_341 = vector.broadcast %broadcast_in_dim3A_340 : vector<64x1xf32> to vector<64x128xf32>
    %div3A_342 = arith.divf %exp3A_337, %div3A_341 : vector<64x128xf32>
    %convert_element_type3A_343 = arith.truncf %div3A_342 : vector<64x128xf32> to vector<64x128xbf16>
    %convert_element_type3A_344 = arith.truncf %concatenate3A_305 : vector<128x64xf32> to vector<128x64xbf16>
    %dot_general3A_345 = arith.constant dense<0.000000e+00> : vector<64x64xf32>
    %dot_general3A_346 = tpu.matmul %convert_element_type3A_343, %convert_element_type3A_344, %dot_general3A_345 {dimension_numbers = #tpu.dot_dimension_numbers<[1], [0], [0], [1], [0, 0, 1, 1], [], []>, transpose_lhs_hint = false} : vector<64x128xbf16>, vector<128x64xbf16>, vector<64x64xf32> -> vector<64x64xf32>
    %slice3A_347 = vector.extract_strided_slice %get3A_3 {offsets = [448, 0], sizes = [64, 64], strides = [1, 1]} : vector<2048x64xf32> to vector<64x64xf32>
    %slice3A_348 = vector.extract_strided_slice %div3A_22 {offsets = [448, 0], sizes = [64, 64], strides = [1, 1]} : vector<2048x64xf32> to vector<64x64xf32>
    %slice3A_349 = vector.extract_strided_slice %div3A_22 {offsets = [384, 0], sizes = [64, 64], strides = [1, 1]} : vector<2048x64xf32> to vector<64x64xf32>
    %concatenate3A_350 = tpu.concatenate %slice3A_348, %slice3A_349 in 0 : vector<64x64xf32>, vector<64x64xf32> -> vector<128x64xf32>
    %slice3A_351 = vector.extract_strided_slice %get3A_8 {offsets = [448, 0], sizes = [64, 64], strides = [1, 1]} : vector<2048x64xf32> to vector<64x64xf32>
    %slice3A_352 = vector.extract_strided_slice %get3A_8 {offsets = [384, 0], sizes = [64, 64], strides = [1, 1]} : vector<2048x64xf32> to vector<64x64xf32>
    %concatenate3A_353 = tpu.concatenate %slice3A_351, %slice3A_352 in 0 : vector<64x64xf32>, vector<64x64xf32> -> vector<128x64xf32>
    %slice3A_354 = vector.extract_strided_slice %get3A_13 {offsets = [0, 448], sizes = [1, 64], strides = [1, 1]} : vector<1x2048xf32> to vector<1x64xf32>
    %slice3A_355 = vector.extract_strided_slice %get3A_13 {offsets = [0, 384], sizes = [1, 64], strides = [1, 1]} : vector<1x2048xf32> to vector<1x64xf32>
    %concatenate3A_356 = tpu.concatenate %slice3A_354, %slice3A_355 in 1 : vector<1x64xf32>, vector<1x64xf32> -> vector<1x128xf32>
    %slice3A_357 = vector.extract_strided_slice %get3A_18 {offsets = [448, 0], sizes = [64, 1], strides = [1, 1]} : vector<2048x1xf32> to vector<64x1xf32>
    %convert_element_type3A_358 = arith.truncf %slice3A_347 : vector<64x64xf32> to vector<64x64xbf16>
    %convert_element_type3A_359 = arith.truncf %concatenate3A_350 : vector<128x64xf32> to vector<128x64xbf16>
    %dot_general3A_360 = arith.constant dense<0.000000e+00> : vector<64x128xf32>
    %dot_general3A_361 = tpu.matmul %convert_element_type3A_358, %convert_element_type3A_359, %dot_general3A_360 {dimension_numbers = #tpu.dot_dimension_numbers<[1], [1], [0], [0], [0, 0, 1, 0], [], []>, transpose_lhs_hint = false} : vector<64x64xbf16>, vector<128x64xbf16>, vector<64x128xf32> -> vector<64x128xf32>
    %div3A_362 = arith.constant 8.000000e+00 : f32
    %div3A_363 = vector.broadcast %div3A_362 : f32 to vector<64x128xf32>
    %div3A_364 = arith.divf %dot_general3A_361, %div3A_363 : vector<64x128xf32>
    %gt3A_365 = vector.broadcast %concatenate3A_356 : vector<1x128xf32> to vector<64x128xf32>
    %gt3A_366 = vector.broadcast %slice3A_357 : vector<64x1xf32> to vector<64x128xf32>
    %gt3A_367 = arith.cmpf ogt, %gt3A_365, %gt3A_366 : vector<64x128xf32>
    %jit3A_368 = arith.constant -1.000000e+09 : f32
    %broadcast_in_dim3A_369 = vector.broadcast %jit3A_368 : f32 to vector<64x128xf32>
    %select_n3A_370 = arith.select %gt3A_367, %broadcast_in_dim3A_369, %div3A_364 : vector<64x128xi1>, vector<64x128xf32>
    %eq3A_371 = vector.broadcast %concatenate3A_356 : vector<1x128xf32> to vector<64x128xf32>
    %eq3A_372 = vector.broadcast %slice3A_357 : vector<64x1xf32> to vector<64x128xf32>
    %eq3A_373 = arith.cmpf oeq, %eq3A_371, %eq3A_372 : vector<64x128xf32>
    %jit3A_374 = arith.constant -1.000000e+05 : f32
    %broadcast_in_dim3A_375 = vector.broadcast %jit3A_374 : f32 to vector<64x128xf32>
    %select_n3A_376 = arith.select %eq3A_373, %broadcast_in_dim3A_375, %select_n3A_370 : vector<64x128xi1>, vector<64x128xf32>
    %reduce_max3A_377 = arith.constant dense<0xFF800000> : vector<64xf32>
    %reduce_max3A_378 = vector.multi_reduction <maximumf>, %select_n3A_376, %reduce_max3A_377 [1] : vector<64x128xf32> to vector<64xf32>
    %max3A_379 = arith.constant 0xFF800000 : f32
    %max3A_380 = vector.broadcast %max3A_379 : f32 to vector<64xf32>
    %max3A_381 = arith.maximumf %max3A_380, %reduce_max3A_378 : vector<64xf32>
    %broadcast_in_dim3A_382 = vector.shape_cast %max3A_381 : vector<64xf32> to vector<64x1xf32>
    %sub3A_383 = vector.broadcast %broadcast_in_dim3A_382 : vector<64x1xf32> to vector<64x128xf32>
    %sub3A_384 = arith.subf %select_n3A_376, %sub3A_383 : vector<64x128xf32>
    %exp3A_385 = math.exp %sub3A_384 : vector<64x128xf32>
    %reduce_sum3A_386 = arith.constant dense<0.000000e+00> : vector<64xf32>
    %reduce_sum3A_387 = vector.multi_reduction <add>, %exp3A_385, %reduce_sum3A_386 [1] : vector<64x128xf32> to vector<64xf32>
    %broadcast_in_dim3A_388 = vector.shape_cast %reduce_sum3A_387 : vector<64xf32> to vector<64x1xf32>
    %div3A_389 = vector.broadcast %broadcast_in_dim3A_388 : vector<64x1xf32> to vector<64x128xf32>
    %div3A_390 = arith.divf %exp3A_385, %div3A_389 : vector<64x128xf32>
    %convert_element_type3A_391 = arith.truncf %div3A_390 : vector<64x128xf32> to vector<64x128xbf16>
    %convert_element_type3A_392 = arith.truncf %concatenate3A_353 : vector<128x64xf32> to vector<128x64xbf16>
    %dot_general3A_393 = arith.constant dense<0.000000e+00> : vector<64x64xf32>
    %dot_general3A_394 = tpu.matmul %convert_element_type3A_391, %convert_element_type3A_392, %dot_general3A_393 {dimension_numbers = #tpu.dot_dimension_numbers<[1], [0], [0], [1], [0, 0, 1, 1], [], []>, transpose_lhs_hint = false} : vector<64x128xbf16>, vector<128x64xbf16>, vector<64x64xf32> -> vector<64x64xf32>
    %slice3A_395 = vector.extract_strided_slice %get3A_3 {offsets = [512, 0], sizes = [64, 64], strides = [1, 1]} : vector<2048x64xf32> to vector<64x64xf32>
    %slice3A_396 = vector.extract_strided_slice %div3A_22 {offsets = [512, 0], sizes = [64, 64], strides = [1, 1]} : vector<2048x64xf32> to vector<64x64xf32>
    %slice3A_397 = vector.extract_strided_slice %div3A_22 {offsets = [448, 0], sizes = [64, 64], strides = [1, 1]} : vector<2048x64xf32> to vector<64x64xf32>
    %concatenate3A_398 = tpu.concatenate %slice3A_396, %slice3A_397 in 0 : vector<64x64xf32>, vector<64x64xf32> -> vector<128x64xf32>
    %slice3A_399 = vector.extract_strided_slice %get3A_8 {offsets = [512, 0], sizes = [64, 64], strides = [1, 1]} : vector<2048x64xf32> to vector<64x64xf32>
    %slice3A_400 = vector.extract_strided_slice %get3A_8 {offsets = [448, 0], sizes = [64, 64], strides = [1, 1]} : vector<2048x64xf32> to vector<64x64xf32>
    %concatenate3A_401 = tpu.concatenate %slice3A_399, %slice3A_400 in 0 : vector<64x64xf32>, vector<64x64xf32> -> vector<128x64xf32>
    %slice3A_402 = vector.extract_strided_slice %get3A_13 {offsets = [0, 512], sizes = [1, 64], strides = [1, 1]} : vector<1x2048xf32> to vector<1x64xf32>
    %slice3A_403 = vector.extract_strided_slice %get3A_13 {offsets = [0, 448], sizes = [1, 64], strides = [1, 1]} : vector<1x2048xf32> to vector<1x64xf32>
    %concatenate3A_404 = tpu.concatenate %slice3A_402, %slice3A_403 in 1 : vector<1x64xf32>, vector<1x64xf32> -> vector<1x128xf32>
    %slice3A_405 = vector.extract_strided_slice %get3A_18 {offsets = [512, 0], sizes = [64, 1], strides = [1, 1]} : vector<2048x1xf32> to vector<64x1xf32>
    %convert_element_type3A_406 = arith.truncf %slice3A_395 : vector<64x64xf32> to vector<64x64xbf16>
    %convert_element_type3A_407 = arith.truncf %concatenate3A_398 : vector<128x64xf32> to vector<128x64xbf16>
    %dot_general3A_408 = arith.constant dense<0.000000e+00> : vector<64x128xf32>
    %dot_general3A_409 = tpu.matmul %convert_element_type3A_406, %convert_element_type3A_407, %dot_general3A_408 {dimension_numbers = #tpu.dot_dimension_numbers<[1], [1], [0], [0], [0, 0, 1, 0], [], []>, transpose_lhs_hint = false} : vector<64x64xbf16>, vector<128x64xbf16>, vector<64x128xf32> -> vector<64x128xf32>
    %div3A_410 = arith.constant 8.000000e+00 : f32
    %div3A_411 = vector.broadcast %div3A_410 : f32 to vector<64x128xf32>
    %div3A_412 = arith.divf %dot_general3A_409, %div3A_411 : vector<64x128xf32>
    %gt3A_413 = vector.broadcast %concatenate3A_404 : vector<1x128xf32> to vector<64x128xf32>
    %gt3A_414 = vector.broadcast %slice3A_405 : vector<64x1xf32> to vector<64x128xf32>
    %gt3A_415 = arith.cmpf ogt, %gt3A_413, %gt3A_414 : vector<64x128xf32>
    %jit3A_416 = arith.constant -1.000000e+09 : f32
    %broadcast_in_dim3A_417 = vector.broadcast %jit3A_416 : f32 to vector<64x128xf32>
    %select_n3A_418 = arith.select %gt3A_415, %broadcast_in_dim3A_417, %div3A_412 : vector<64x128xi1>, vector<64x128xf32>
    %eq3A_419 = vector.broadcast %concatenate3A_404 : vector<1x128xf32> to vector<64x128xf32>
    %eq3A_420 = vector.broadcast %slice3A_405 : vector<64x1xf32> to vector<64x128xf32>
    %eq3A_421 = arith.cmpf oeq, %eq3A_419, %eq3A_420 : vector<64x128xf32>
    %jit3A_422 = arith.constant -1.000000e+05 : f32
    %broadcast_in_dim3A_423 = vector.broadcast %jit3A_422 : f32 to vector<64x128xf32>
    %select_n3A_424 = arith.select %eq3A_421, %broadcast_in_dim3A_423, %select_n3A_418 : vector<64x128xi1>, vector<64x128xf32>
    %reduce_max3A_425 = arith.constant dense<0xFF800000> : vector<64xf32>
    %reduce_max3A_426 = vector.multi_reduction <maximumf>, %select_n3A_424, %reduce_max3A_425 [1] : vector<64x128xf32> to vector<64xf32>
    %max3A_427 = arith.constant 0xFF800000 : f32
    %max3A_428 = vector.broadcast %max3A_427 : f32 to vector<64xf32>
    %max3A_429 = arith.maximumf %max3A_428, %reduce_max3A_426 : vector<64xf32>
    %broadcast_in_dim3A_430 = vector.shape_cast %max3A_429 : vector<64xf32> to vector<64x1xf32>
    %sub3A_431 = vector.broadcast %broadcast_in_dim3A_430 : vector<64x1xf32> to vector<64x128xf32>
    %sub3A_432 = arith.subf %select_n3A_424, %sub3A_431 : vector<64x128xf32>
    %exp3A_433 = math.exp %sub3A_432 : vector<64x128xf32>
    %reduce_sum3A_434 = arith.constant dense<0.000000e+00> : vector<64xf32>
    %reduce_sum3A_435 = vector.multi_reduction <add>, %exp3A_433, %reduce_sum3A_434 [1] : vector<64x128xf32> to vector<64xf32>
    %broadcast_in_dim3A_436 = vector.shape_cast %reduce_sum3A_435 : vector<64xf32> to vector<64x1xf32>
    %div3A_437 = vector.broadcast %broadcast_in_dim3A_436 : vector<64x1xf32> to vector<64x128xf32>
    %div3A_438 = arith.divf %exp3A_433, %div3A_437 : vector<64x128xf32>
    %convert_element_type3A_439 = arith.truncf %div3A_438 : vector<64x128xf32> to vector<64x128xbf16>
    %convert_element_type3A_440 = arith.truncf %concatenate3A_401 : vector<128x64xf32> to vector<128x64xbf16>
    %dot_general3A_441 = arith.constant dense<0.000000e+00> : vector<64x64xf32>
    %dot_general3A_442 = tpu.matmul %convert_element_type3A_439, %convert_element_type3A_440, %dot_general3A_441 {dimension_numbers = #tpu.dot_dimension_numbers<[1], [0], [0], [1], [0, 0, 1, 1], [], []>, transpose_lhs_hint = false} : vector<64x128xbf16>, vector<128x64xbf16>, vector<64x64xf32> -> vector<64x64xf32>
    %slice3A_443 = vector.extract_strided_slice %get3A_3 {offsets = [576, 0], sizes = [64, 64], strides = [1, 1]} : vector<2048x64xf32> to vector<64x64xf32>
    %slice3A_444 = vector.extract_strided_slice %div3A_22 {offsets = [576, 0], sizes = [64, 64], strides = [1, 1]} : vector<2048x64xf32> to vector<64x64xf32>
    %slice3A_445 = vector.extract_strided_slice %div3A_22 {offsets = [512, 0], sizes = [64, 64], strides = [1, 1]} : vector<2048x64xf32> to vector<64x64xf32>
    %concatenate3A_446 = tpu.concatenate %slice3A_444, %slice3A_445 in 0 : vector<64x64xf32>, vector<64x64xf32> -> vector<128x64xf32>
    %slice3A_447 = vector.extract_strided_slice %get3A_8 {offsets = [576, 0], sizes = [64, 64], strides = [1, 1]} : vector<2048x64xf32> to vector<64x64xf32>
    %slice3A_448 = vector.extract_strided_slice %get3A_8 {offsets = [512, 0], sizes = [64, 64], strides = [1, 1]} : vector<2048x64xf32> to vector<64x64xf32>
    %concatenate3A_449 = tpu.concatenate %slice3A_447, %slice3A_448 in 0 : vector<64x64xf32>, vector<64x64xf32> -> vector<128x64xf32>
    %slice3A_450 = vector.extract_strided_slice %get3A_13 {offsets = [0, 576], sizes = [1, 64], strides = [1, 1]} : vector<1x2048xf32> to vector<1x64xf32>
    %slice3A_451 = vector.extract_strided_slice %get3A_13 {offsets = [0, 512], sizes = [1, 64], strides = [1, 1]} : vector<1x2048xf32> to vector<1x64xf32>
    %concatenate3A_452 = tpu.concatenate %slice3A_450, %slice3A_451 in 1 : vector<1x64xf32>, vector<1x64xf32> -> vector<1x128xf32>
    %slice3A_453 = vector.extract_strided_slice %get3A_18 {offsets = [576, 0], sizes = [64, 1], strides = [1, 1]} : vector<2048x1xf32> to vector<64x1xf32>
    %convert_element_type3A_454 = arith.truncf %slice3A_443 : vector<64x64xf32> to vector<64x64xbf16>
    %convert_element_type3A_455 = arith.truncf %concatenate3A_446 : vector<128x64xf32> to vector<128x64xbf16>
    %dot_general3A_456 = arith.constant dense<0.000000e+00> : vector<64x128xf32>
    %dot_general3A_457 = tpu.matmul %convert_element_type3A_454, %convert_element_type3A_455, %dot_general3A_456 {dimension_numbers = #tpu.dot_dimension_numbers<[1], [1], [0], [0], [0, 0, 1, 0], [], []>, transpose_lhs_hint = false} : vector<64x64xbf16>, vector<128x64xbf16>, vector<64x128xf32> -> vector<64x128xf32>
    %div3A_458 = arith.constant 8.000000e+00 : f32
    %div3A_459 = vector.broadcast %div3A_458 : f32 to vector<64x128xf32>
    %div3A_460 = arith.divf %dot_general3A_457, %div3A_459 : vector<64x128xf32>
    %gt3A_461 = vector.broadcast %concatenate3A_452 : vector<1x128xf32> to vector<64x128xf32>
    %gt3A_462 = vector.broadcast %slice3A_453 : vector<64x1xf32> to vector<64x128xf32>
    %gt3A_463 = arith.cmpf ogt, %gt3A_461, %gt3A_462 : vector<64x128xf32>
    %jit3A_464 = arith.constant -1.000000e+09 : f32
    %broadcast_in_dim3A_465 = vector.broadcast %jit3A_464 : f32 to vector<64x128xf32>
    %select_n3A_466 = arith.select %gt3A_463, %broadcast_in_dim3A_465, %div3A_460 : vector<64x128xi1>, vector<64x128xf32>
    %eq3A_467 = vector.broadcast %concatenate3A_452 : vector<1x128xf32> to vector<64x128xf32>
    %eq3A_468 = vector.broadcast %slice3A_453 : vector<64x1xf32> to vector<64x128xf32>
    %eq3A_469 = arith.cmpf oeq, %eq3A_467, %eq3A_468 : vector<64x128xf32>
    %jit3A_470 = arith.constant -1.000000e+05 : f32
    %broadcast_in_dim3A_471 = vector.broadcast %jit3A_470 : f32 to vector<64x128xf32>
    %select_n3A_472 = arith.select %eq3A_469, %broadcast_in_dim3A_471, %select_n3A_466 : vector<64x128xi1>, vector<64x128xf32>
    %reduce_max3A_473 = arith.constant dense<0xFF800000> : vector<64xf32>
    %reduce_max3A_474 = vector.multi_reduction <maximumf>, %select_n3A_472, %reduce_max3A_473 [1] : vector<64x128xf32> to vector<64xf32>
    %max3A_475 = arith.constant 0xFF800000 : f32
    %max3A_476 = vector.broadcast %max3A_475 : f32 to vector<64xf32>
    %max3A_477 = arith.maximumf %max3A_476, %reduce_max3A_474 : vector<64xf32>
    %broadcast_in_dim3A_478 = vector.shape_cast %max3A_477 : vector<64xf32> to vector<64x1xf32>
    %sub3A_479 = vector.broadcast %broadcast_in_dim3A_478 : vector<64x1xf32> to vector<64x128xf32>
    %sub3A_480 = arith.subf %select_n3A_472, %sub3A_479 : vector<64x128xf32>
    %exp3A_481 = math.exp %sub3A_480 : vector<64x128xf32>
    %reduce_sum3A_482 = arith.constant dense<0.000000e+00> : vector<64xf32>
    %reduce_sum3A_483 = vector.multi_reduction <add>, %exp3A_481, %reduce_sum3A_482 [1] : vector<64x128xf32> to vector<64xf32>
    %broadcast_in_dim3A_484 = vector.shape_cast %reduce_sum3A_483 : vector<64xf32> to vector<64x1xf32>
    %div3A_485 = vector.broadcast %broadcast_in_dim3A_484 : vector<64x1xf32> to vector<64x128xf32>
    %div3A_486 = arith.divf %exp3A_481, %div3A_485 : vector<64x128xf32>
    %convert_element_type3A_487 = arith.truncf %div3A_486 : vector<64x128xf32> to vector<64x128xbf16>
    %convert_element_type3A_488 = arith.truncf %concatenate3A_449 : vector<128x64xf32> to vector<128x64xbf16>
    %dot_general3A_489 = arith.constant dense<0.000000e+00> : vector<64x64xf32>
    %dot_general3A_490 = tpu.matmul %convert_element_type3A_487, %convert_element_type3A_488, %dot_general3A_489 {dimension_numbers = #tpu.dot_dimension_numbers<[1], [0], [0], [1], [0, 0, 1, 1], [], []>, transpose_lhs_hint = false} : vector<64x128xbf16>, vector<128x64xbf16>, vector<64x64xf32> -> vector<64x64xf32>
    %slice3A_491 = vector.extract_strided_slice %get3A_3 {offsets = [640, 0], sizes = [64, 64], strides = [1, 1]} : vector<2048x64xf32> to vector<64x64xf32>
    %slice3A_492 = vector.extract_strided_slice %div3A_22 {offsets = [640, 0], sizes = [64, 64], strides = [1, 1]} : vector<2048x64xf32> to vector<64x64xf32>
    %slice3A_493 = vector.extract_strided_slice %div3A_22 {offsets = [576, 0], sizes = [64, 64], strides = [1, 1]} : vector<2048x64xf32> to vector<64x64xf32>
    %concatenate3A_494 = tpu.concatenate %slice3A_492, %slice3A_493 in 0 : vector<64x64xf32>, vector<64x64xf32> -> vector<128x64xf32>
    %slice3A_495 = vector.extract_strided_slice %get3A_8 {offsets = [640, 0], sizes = [64, 64], strides = [1, 1]} : vector<2048x64xf32> to vector<64x64xf32>
    %slice3A_496 = vector.extract_strided_slice %get3A_8 {offsets = [576, 0], sizes = [64, 64], strides = [1, 1]} : vector<2048x64xf32> to vector<64x64xf32>
    %concatenate3A_497 = tpu.concatenate %slice3A_495, %slice3A_496 in 0 : vector<64x64xf32>, vector<64x64xf32> -> vector<128x64xf32>
    %slice3A_498 = vector.extract_strided_slice %get3A_13 {offsets = [0, 640], sizes = [1, 64], strides = [1, 1]} : vector<1x2048xf32> to vector<1x64xf32>
    %slice3A_499 = vector.extract_strided_slice %get3A_13 {offsets = [0, 576], sizes = [1, 64], strides = [1, 1]} : vector<1x2048xf32> to vector<1x64xf32>
    %concatenate3A_500 = tpu.concatenate %slice3A_498, %slice3A_499 in 1 : vector<1x64xf32>, vector<1x64xf32> -> vector<1x128xf32>
    %slice3A_501 = vector.extract_strided_slice %get3A_18 {offsets = [640, 0], sizes = [64, 1], strides = [1, 1]} : vector<2048x1xf32> to vector<64x1xf32>
    %convert_element_type3A_502 = arith.truncf %slice3A_491 : vector<64x64xf32> to vector<64x64xbf16>
    %convert_element_type3A_503 = arith.truncf %concatenate3A_494 : vector<128x64xf32> to vector<128x64xbf16>
    %dot_general3A_504 = arith.constant dense<0.000000e+00> : vector<64x128xf32>
    %dot_general3A_505 = tpu.matmul %convert_element_type3A_502, %convert_element_type3A_503, %dot_general3A_504 {dimension_numbers = #tpu.dot_dimension_numbers<[1], [1], [0], [0], [0, 0, 1, 0], [], []>, transpose_lhs_hint = false} : vector<64x64xbf16>, vector<128x64xbf16>, vector<64x128xf32> -> vector<64x128xf32>
    %div3A_506 = arith.constant 8.000000e+00 : f32
    %div3A_507 = vector.broadcast %div3A_506 : f32 to vector<64x128xf32>
    %div3A_508 = arith.divf %dot_general3A_505, %div3A_507 : vector<64x128xf32>
    %gt3A_509 = vector.broadcast %concatenate3A_500 : vector<1x128xf32> to vector<64x128xf32>
    %gt3A_510 = vector.broadcast %slice3A_501 : vector<64x1xf32> to vector<64x128xf32>
    %gt3A_511 = arith.cmpf ogt, %gt3A_509, %gt3A_510 : vector<64x128xf32>
    %jit3A_512 = arith.constant -1.000000e+09 : f32
    %broadcast_in_dim3A_513 = vector.broadcast %jit3A_512 : f32 to vector<64x128xf32>
    %select_n3A_514 = arith.select %gt3A_511, %broadcast_in_dim3A_513, %div3A_508 : vector<64x128xi1>, vector<64x128xf32>
    %eq3A_515 = vector.broadcast %concatenate3A_500 : vector<1x128xf32> to vector<64x128xf32>
    %eq3A_516 = vector.broadcast %slice3A_501 : vector<64x1xf32> to vector<64x128xf32>
    %eq3A_517 = arith.cmpf oeq, %eq3A_515, %eq3A_516 : vector<64x128xf32>
    %jit3A_518 = arith.constant -1.000000e+05 : f32
    %broadcast_in_dim3A_519 = vector.broadcast %jit3A_518 : f32 to vector<64x128xf32>
    %select_n3A_520 = arith.select %eq3A_517, %broadcast_in_dim3A_519, %select_n3A_514 : vector<64x128xi1>, vector<64x128xf32>
    %reduce_max3A_521 = arith.constant dense<0xFF800000> : vector<64xf32>
    %reduce_max3A_522 = vector.multi_reduction <maximumf>, %select_n3A_520, %reduce_max3A_521 [1] : vector<64x128xf32> to vector<64xf32>
    %max3A_523 = arith.constant 0xFF800000 : f32
    %max3A_524 = vector.broadcast %max3A_523 : f32 to vector<64xf32>
    %max3A_525 = arith.maximumf %max3A_524, %reduce_max3A_522 : vector<64xf32>
    %broadcast_in_dim3A_526 = vector.shape_cast %max3A_525 : vector<64xf32> to vector<64x1xf32>
    %sub3A_527 = vector.broadcast %broadcast_in_dim3A_526 : vector<64x1xf32> to vector<64x128xf32>
    %sub3A_528 = arith.subf %select_n3A_520, %sub3A_527 : vector<64x128xf32>
    %exp3A_529 = math.exp %sub3A_528 : vector<64x128xf32>
    %reduce_sum3A_530 = arith.constant dense<0.000000e+00> : vector<64xf32>
    %reduce_sum3A_531 = vector.multi_reduction <add>, %exp3A_529, %reduce_sum3A_530 [1] : vector<64x128xf32> to vector<64xf32>
    %broadcast_in_dim3A_532 = vector.shape_cast %reduce_sum3A_531 : vector<64xf32> to vector<64x1xf32>
    %div3A_533 = vector.broadcast %broadcast_in_dim3A_532 : vector<64x1xf32> to vector<64x128xf32>
    %div3A_534 = arith.divf %exp3A_529, %div3A_533 : vector<64x128xf32>
    %convert_element_type3A_535 = arith.truncf %div3A_534 : vector<64x128xf32> to vector<64x128xbf16>
    %convert_element_type3A_536 = arith.truncf %concatenate3A_497 : vector<128x64xf32> to vector<128x64xbf16>
    %dot_general3A_537 = arith.constant dense<0.000000e+00> : vector<64x64xf32>
    %dot_general3A_538 = tpu.matmul %convert_element_type3A_535, %convert_element_type3A_536, %dot_general3A_537 {dimension_numbers = #tpu.dot_dimension_numbers<[1], [0], [0], [1], [0, 0, 1, 1], [], []>, transpose_lhs_hint = false} : vector<64x128xbf16>, vector<128x64xbf16>, vector<64x64xf32> -> vector<64x64xf32>
    %slice3A_539 = vector.extract_strided_slice %get3A_3 {offsets = [704, 0], sizes = [64, 64], strides = [1, 1]} : vector<2048x64xf32> to vector<64x64xf32>
    %slice3A_540 = vector.extract_strided_slice %div3A_22 {offsets = [704, 0], sizes = [64, 64], strides = [1, 1]} : vector<2048x64xf32> to vector<64x64xf32>
    %slice3A_541 = vector.extract_strided_slice %div3A_22 {offsets = [640, 0], sizes = [64, 64], strides = [1, 1]} : vector<2048x64xf32> to vector<64x64xf32>
    %concatenate3A_542 = tpu.concatenate %slice3A_540, %slice3A_541 in 0 : vector<64x64xf32>, vector<64x64xf32> -> vector<128x64xf32>
    %slice3A_543 = vector.extract_strided_slice %get3A_8 {offsets = [704, 0], sizes = [64, 64], strides = [1, 1]} : vector<2048x64xf32> to vector<64x64xf32>
    %slice3A_544 = vector.extract_strided_slice %get3A_8 {offsets = [640, 0], sizes = [64, 64], strides = [1, 1]} : vector<2048x64xf32> to vector<64x64xf32>
    %concatenate3A_545 = tpu.concatenate %slice3A_543, %slice3A_544 in 0 : vector<64x64xf32>, vector<64x64xf32> -> vector<128x64xf32>
    %slice3A_546 = vector.extract_strided_slice %get3A_13 {offsets = [0, 704], sizes = [1, 64], strides = [1, 1]} : vector<1x2048xf32> to vector<1x64xf32>
    %slice3A_547 = vector.extract_strided_slice %get3A_13 {offsets = [0, 640], sizes = [1, 64], strides = [1, 1]} : vector<1x2048xf32> to vector<1x64xf32>
    %concatenate3A_548 = tpu.concatenate %slice3A_546, %slice3A_547 in 1 : vector<1x64xf32>, vector<1x64xf32> -> vector<1x128xf32>
    %slice3A_549 = vector.extract_strided_slice %get3A_18 {offsets = [704, 0], sizes = [64, 1], strides = [1, 1]} : vector<2048x1xf32> to vector<64x1xf32>
    %convert_element_type3A_550 = arith.truncf %slice3A_539 : vector<64x64xf32> to vector<64x64xbf16>
    %convert_element_type3A_551 = arith.truncf %concatenate3A_542 : vector<128x64xf32> to vector<128x64xbf16>
    %dot_general3A_552 = arith.constant dense<0.000000e+00> : vector<64x128xf32>
    %dot_general3A_553 = tpu.matmul %convert_element_type3A_550, %convert_element_type3A_551, %dot_general3A_552 {dimension_numbers = #tpu.dot_dimension_numbers<[1], [1], [0], [0], [0, 0, 1, 0], [], []>, transpose_lhs_hint = false} : vector<64x64xbf16>, vector<128x64xbf16>, vector<64x128xf32> -> vector<64x128xf32>
    %div3A_554 = arith.constant 8.000000e+00 : f32
    %div3A_555 = vector.broadcast %div3A_554 : f32 to vector<64x128xf32>
    %div3A_556 = arith.divf %dot_general3A_553, %div3A_555 : vector<64x128xf32>
    %gt3A_557 = vector.broadcast %concatenate3A_548 : vector<1x128xf32> to vector<64x128xf32>
    %gt3A_558 = vector.broadcast %slice3A_549 : vector<64x1xf32> to vector<64x128xf32>
    %gt3A_559 = arith.cmpf ogt, %gt3A_557, %gt3A_558 : vector<64x128xf32>
    %jit3A_560 = arith.constant -1.000000e+09 : f32
    %broadcast_in_dim3A_561 = vector.broadcast %jit3A_560 : f32 to vector<64x128xf32>
    %select_n3A_562 = arith.select %gt3A_559, %broadcast_in_dim3A_561, %div3A_556 : vector<64x128xi1>, vector<64x128xf32>
    %eq3A_563 = vector.broadcast %concatenate3A_548 : vector<1x128xf32> to vector<64x128xf32>
    %eq3A_564 = vector.broadcast %slice3A_549 : vector<64x1xf32> to vector<64x128xf32>
    %eq3A_565 = arith.cmpf oeq, %eq3A_563, %eq3A_564 : vector<64x128xf32>
    %jit3A_566 = arith.constant -1.000000e+05 : f32
    %broadcast_in_dim3A_567 = vector.broadcast %jit3A_566 : f32 to vector<64x128xf32>
    %select_n3A_568 = arith.select %eq3A_565, %broadcast_in_dim3A_567, %select_n3A_562 : vector<64x128xi1>, vector<64x128xf32>
    %reduce_max3A_569 = arith.constant dense<0xFF800000> : vector<64xf32>
    %reduce_max3A_570 = vector.multi_reduction <maximumf>, %select_n3A_568, %reduce_max3A_569 [1] : vector<64x128xf32> to vector<64xf32>
    %max3A_571 = arith.constant 0xFF800000 : f32
    %max3A_572 = vector.broadcast %max3A_571 : f32 to vector<64xf32>
    %max3A_573 = arith.maximumf %max3A_572, %reduce_max3A_570 : vector<64xf32>
    %broadcast_in_dim3A_574 = vector.shape_cast %max3A_573 : vector<64xf32> to vector<64x1xf32>
    %sub3A_575 = vector.broadcast %broadcast_in_dim3A_574 : vector<64x1xf32> to vector<64x128xf32>
    %sub3A_576 = arith.subf %select_n3A_568, %sub3A_575 : vector<64x128xf32>
    %exp3A_577 = math.exp %sub3A_576 : vector<64x128xf32>
    %reduce_sum3A_578 = arith.constant dense<0.000000e+00> : vector<64xf32>
    %reduce_sum3A_579 = vector.multi_reduction <add>, %exp3A_577, %reduce_sum3A_578 [1] : vector<64x128xf32> to vector<64xf32>
    %broadcast_in_dim3A_580 = vector.shape_cast %reduce_sum3A_579 : vector<64xf32> to vector<64x1xf32>
    %div3A_581 = vector.broadcast %broadcast_in_dim3A_580 : vector<64x1xf32> to vector<64x128xf32>
    %div3A_582 = arith.divf %exp3A_577, %div3A_581 : vector<64x128xf32>
    %convert_element_type3A_583 = arith.truncf %div3A_582 : vector<64x128xf32> to vector<64x128xbf16>
    %convert_element_type3A_584 = arith.truncf %concatenate3A_545 : vector<128x64xf32> to vector<128x64xbf16>
    %dot_general3A_585 = arith.constant dense<0.000000e+00> : vector<64x64xf32>
    %dot_general3A_586 = tpu.matmul %convert_element_type3A_583, %convert_element_type3A_584, %dot_general3A_585 {dimension_numbers = #tpu.dot_dimension_numbers<[1], [0], [0], [1], [0, 0, 1, 1], [], []>, transpose_lhs_hint = false} : vector<64x128xbf16>, vector<128x64xbf16>, vector<64x64xf32> -> vector<64x64xf32>
    %slice3A_587 = vector.extract_strided_slice %get3A_3 {offsets = [768, 0], sizes = [64, 64], strides = [1, 1]} : vector<2048x64xf32> to vector<64x64xf32>
    %slice3A_588 = vector.extract_strided_slice %div3A_22 {offsets = [768, 0], sizes = [64, 64], strides = [1, 1]} : vector<2048x64xf32> to vector<64x64xf32>
    %slice3A_589 = vector.extract_strided_slice %div3A_22 {offsets = [704, 0], sizes = [64, 64], strides = [1, 1]} : vector<2048x64xf32> to vector<64x64xf32>
    %concatenate3A_590 = tpu.concatenate %slice3A_588, %slice3A_589 in 0 : vector<64x64xf32>, vector<64x64xf32> -> vector<128x64xf32>
    %slice3A_591 = vector.extract_strided_slice %get3A_8 {offsets = [768, 0], sizes = [64, 64], strides = [1, 1]} : vector<2048x64xf32> to vector<64x64xf32>
    %slice3A_592 = vector.extract_strided_slice %get3A_8 {offsets = [704, 0], sizes = [64, 64], strides = [1, 1]} : vector<2048x64xf32> to vector<64x64xf32>
    %concatenate3A_593 = tpu.concatenate %slice3A_591, %slice3A_592 in 0 : vector<64x64xf32>, vector<64x64xf32> -> vector<128x64xf32>
    %slice3A_594 = vector.extract_strided_slice %get3A_13 {offsets = [0, 768], sizes = [1, 64], strides = [1, 1]} : vector<1x2048xf32> to vector<1x64xf32>
    %slice3A_595 = vector.extract_strided_slice %get3A_13 {offsets = [0, 704], sizes = [1, 64], strides = [1, 1]} : vector<1x2048xf32> to vector<1x64xf32>
    %concatenate3A_596 = tpu.concatenate %slice3A_594, %slice3A_595 in 1 : vector<1x64xf32>, vector<1x64xf32> -> vector<1x128xf32>
    %slice3A_597 = vector.extract_strided_slice %get3A_18 {offsets = [768, 0], sizes = [64, 1], strides = [1, 1]} : vector<2048x1xf32> to vector<64x1xf32>
    %convert_element_type3A_598 = arith.truncf %slice3A_587 : vector<64x64xf32> to vector<64x64xbf16>
    %convert_element_type3A_599 = arith.truncf %concatenate3A_590 : vector<128x64xf32> to vector<128x64xbf16>
    %dot_general3A_600 = arith.constant dense<0.000000e+00> : vector<64x128xf32>
    %dot_general3A_601 = tpu.matmul %convert_element_type3A_598, %convert_element_type3A_599, %dot_general3A_600 {dimension_numbers = #tpu.dot_dimension_numbers<[1], [1], [0], [0], [0, 0, 1, 0], [], []>, transpose_lhs_hint = false} : vector<64x64xbf16>, vector<128x64xbf16>, vector<64x128xf32> -> vector<64x128xf32>
    %div3A_602 = arith.constant 8.000000e+00 : f32
    %div3A_603 = vector.broadcast %div3A_602 : f32 to vector<64x128xf32>
    %div3A_604 = arith.divf %dot_general3A_601, %div3A_603 : vector<64x128xf32>
    %gt3A_605 = vector.broadcast %concatenate3A_596 : vector<1x128xf32> to vector<64x128xf32>
    %gt3A_606 = vector.broadcast %slice3A_597 : vector<64x1xf32> to vector<64x128xf32>
    %gt3A_607 = arith.cmpf ogt, %gt3A_605, %gt3A_606 : vector<64x128xf32>
    %jit3A_608 = arith.constant -1.000000e+09 : f32
    %broadcast_in_dim3A_609 = vector.broadcast %jit3A_608 : f32 to vector<64x128xf32>
    %select_n3A_610 = arith.select %gt3A_607, %broadcast_in_dim3A_609, %div3A_604 : vector<64x128xi1>, vector<64x128xf32>
    %eq3A_611 = vector.broadcast %concatenate3A_596 : vector<1x128xf32> to vector<64x128xf32>
    %eq3A_612 = vector.broadcast %slice3A_597 : vector<64x1xf32> to vector<64x128xf32>
    %eq3A_613 = arith.cmpf oeq, %eq3A_611, %eq3A_612 : vector<64x128xf32>
    %jit3A_614 = arith.constant -1.000000e+05 : f32
    %broadcast_in_dim3A_615 = vector.broadcast %jit3A_614 : f32 to vector<64x128xf32>
    %select_n3A_616 = arith.select %eq3A_613, %broadcast_in_dim3A_615, %select_n3A_610 : vector<64x128xi1>, vector<64x128xf32>
    %reduce_max3A_617 = arith.constant dense<0xFF800000> : vector<64xf32>
    %reduce_max3A_618 = vector.multi_reduction <maximumf>, %select_n3A_616, %reduce_max3A_617 [1] : vector<64x128xf32> to vector<64xf32>
    %max3A_619 = arith.constant 0xFF800000 : f32
    %max3A_620 = vector.broadcast %max3A_619 : f32 to vector<64xf32>
    %max3A_621 = arith.maximumf %max3A_620, %reduce_max3A_618 : vector<64xf32>
    %broadcast_in_dim3A_622 = vector.shape_cast %max3A_621 : vector<64xf32> to vector<64x1xf32>
    %sub3A_623 = vector.broadcast %broadcast_in_dim3A_622 : vector<64x1xf32> to vector<64x128xf32>
    %sub3A_624 = arith.subf %select_n3A_616, %sub3A_623 : vector<64x128xf32>
    %exp3A_625 = math.exp %sub3A_624 : vector<64x128xf32>
    %reduce_sum3A_626 = arith.constant dense<0.000000e+00> : vector<64xf32>
    %reduce_sum3A_627 = vector.multi_reduction <add>, %exp3A_625, %reduce_sum3A_626 [1] : vector<64x128xf32> to vector<64xf32>
    %broadcast_in_dim3A_628 = vector.shape_cast %reduce_sum3A_627 : vector<64xf32> to vector<64x1xf32>
    %div3A_629 = vector.broadcast %broadcast_in_dim3A_628 : vector<64x1xf32> to vector<64x128xf32>
    %div3A_630 = arith.divf %exp3A_625, %div3A_629 : vector<64x128xf32>
    %convert_element_type3A_631 = arith.truncf %div3A_630 : vector<64x128xf32> to vector<64x128xbf16>
    %convert_element_type3A_632 = arith.truncf %concatenate3A_593 : vector<128x64xf32> to vector<128x64xbf16>
    %dot_general3A_633 = arith.constant dense<0.000000e+00> : vector<64x64xf32>
    %dot_general3A_634 = tpu.matmul %convert_element_type3A_631, %convert_element_type3A_632, %dot_general3A_633 {dimension_numbers = #tpu.dot_dimension_numbers<[1], [0], [0], [1], [0, 0, 1, 1], [], []>, transpose_lhs_hint = false} : vector<64x128xbf16>, vector<128x64xbf16>, vector<64x64xf32> -> vector<64x64xf32>
    %slice3A_635 = vector.extract_strided_slice %get3A_3 {offsets = [832, 0], sizes = [64, 64], strides = [1, 1]} : vector<2048x64xf32> to vector<64x64xf32>
    %slice3A_636 = vector.extract_strided_slice %div3A_22 {offsets = [832, 0], sizes = [64, 64], strides = [1, 1]} : vector<2048x64xf32> to vector<64x64xf32>
    %slice3A_637 = vector.extract_strided_slice %div3A_22 {offsets = [768, 0], sizes = [64, 64], strides = [1, 1]} : vector<2048x64xf32> to vector<64x64xf32>
    %concatenate3A_638 = tpu.concatenate %slice3A_636, %slice3A_637 in 0 : vector<64x64xf32>, vector<64x64xf32> -> vector<128x64xf32>
    %slice3A_639 = vector.extract_strided_slice %get3A_8 {offsets = [832, 0], sizes = [64, 64], strides = [1, 1]} : vector<2048x64xf32> to vector<64x64xf32>
    %slice3A_640 = vector.extract_strided_slice %get3A_8 {offsets = [768, 0], sizes = [64, 64], strides = [1, 1]} : vector<2048x64xf32> to vector<64x64xf32>
    %concatenate3A_641 = tpu.concatenate %slice3A_639, %slice3A_640 in 0 : vector<64x64xf32>, vector<64x64xf32> -> vector<128x64xf32>
    %slice3A_642 = vector.extract_strided_slice %get3A_13 {offsets = [0, 832], sizes = [1, 64], strides = [1, 1]} : vector<1x2048xf32> to vector<1x64xf32>
    %slice3A_643 = vector.extract_strided_slice %get3A_13 {offsets = [0, 768], sizes = [1, 64], strides = [1, 1]} : vector<1x2048xf32> to vector<1x64xf32>
    %concatenate3A_644 = tpu.concatenate %slice3A_642, %slice3A_643 in 1 : vector<1x64xf32>, vector<1x64xf32> -> vector<1x128xf32>
    %slice3A_645 = vector.extract_strided_slice %get3A_18 {offsets = [832, 0], sizes = [64, 1], strides = [1, 1]} : vector<2048x1xf32> to vector<64x1xf32>
    %convert_element_type3A_646 = arith.truncf %slice3A_635 : vector<64x64xf32> to vector<64x64xbf16>
    %convert_element_type3A_647 = arith.truncf %concatenate3A_638 : vector<128x64xf32> to vector<128x64xbf16>
    %dot_general3A_648 = arith.constant dense<0.000000e+00> : vector<64x128xf32>
    %dot_general3A_649 = tpu.matmul %convert_element_type3A_646, %convert_element_type3A_647, %dot_general3A_648 {dimension_numbers = #tpu.dot_dimension_numbers<[1], [1], [0], [0], [0, 0, 1, 0], [], []>, transpose_lhs_hint = false} : vector<64x64xbf16>, vector<128x64xbf16>, vector<64x128xf32> -> vector<64x128xf32>
    %div3A_650 = arith.constant 8.000000e+00 : f32
    %div3A_651 = vector.broadcast %div3A_650 : f32 to vector<64x128xf32>
    %div3A_652 = arith.divf %dot_general3A_649, %div3A_651 : vector<64x128xf32>
    %gt3A_653 = vector.broadcast %concatenate3A_644 : vector<1x128xf32> to vector<64x128xf32>
    %gt3A_654 = vector.broadcast %slice3A_645 : vector<64x1xf32> to vector<64x128xf32>
    %gt3A_655 = arith.cmpf ogt, %gt3A_653, %gt3A_654 : vector<64x128xf32>
    %jit3A_656 = arith.constant -1.000000e+09 : f32
    %broadcast_in_dim3A_657 = vector.broadcast %jit3A_656 : f32 to vector<64x128xf32>
    %select_n3A_658 = arith.select %gt3A_655, %broadcast_in_dim3A_657, %div3A_652 : vector<64x128xi1>, vector<64x128xf32>
    %eq3A_659 = vector.broadcast %concatenate3A_644 : vector<1x128xf32> to vector<64x128xf32>
    %eq3A_660 = vector.broadcast %slice3A_645 : vector<64x1xf32> to vector<64x128xf32>
    %eq3A_661 = arith.cmpf oeq, %eq3A_659, %eq3A_660 : vector<64x128xf32>
    %jit3A_662 = arith.constant -1.000000e+05 : f32
    %broadcast_in_dim3A_663 = vector.broadcast %jit3A_662 : f32 to vector<64x128xf32>
    %select_n3A_664 = arith.select %eq3A_661, %broadcast_in_dim3A_663, %select_n3A_658 : vector<64x128xi1>, vector<64x128xf32>
    %reduce_max3A_665 = arith.constant dense<0xFF800000> : vector<64xf32>
    %reduce_max3A_666 = vector.multi_reduction <maximumf>, %select_n3A_664, %reduce_max3A_665 [1] : vector<64x128xf32> to vector<64xf32>
    %max3A_667 = arith.constant 0xFF800000 : f32
    %max3A_668 = vector.broadcast %max3A_667 : f32 to vector<64xf32>
    %max3A_669 = arith.maximumf %max3A_668, %reduce_max3A_666 : vector<64xf32>
    %broadcast_in_dim3A_670 = vector.shape_cast %max3A_669 : vector<64xf32> to vector<64x1xf32>
    %sub3A_671 = vector.broadcast %broadcast_in_dim3A_670 : vector<64x1xf32> to vector<64x128xf32>
    %sub3A_672 = arith.subf %select_n3A_664, %sub3A_671 : vector<64x128xf32>
    %exp3A_673 = math.exp %sub3A_672 : vector<64x128xf32>
    %reduce_sum3A_674 = arith.constant dense<0.000000e+00> : vector<64xf32>
    %reduce_sum3A_675 = vector.multi_reduction <add>, %exp3A_673, %reduce_sum3A_674 [1] : vector<64x128xf32> to vector<64xf32>
    %broadcast_in_dim3A_676 = vector.shape_cast %reduce_sum3A_675 : vector<64xf32> to vector<64x1xf32>
    %div3A_677 = vector.broadcast %broadcast_in_dim3A_676 : vector<64x1xf32> to vector<64x128xf32>
    %div3A_678 = arith.divf %exp3A_673, %div3A_677 : vector<64x128xf32>
    %convert_element_type3A_679 = arith.truncf %div3A_678 : vector<64x128xf32> to vector<64x128xbf16>
    %convert_element_type3A_680 = arith.truncf %concatenate3A_641 : vector<128x64xf32> to vector<128x64xbf16>
    %dot_general3A_681 = arith.constant dense<0.000000e+00> : vector<64x64xf32>
    %dot_general3A_682 = tpu.matmul %convert_element_type3A_679, %convert_element_type3A_680, %dot_general3A_681 {dimension_numbers = #tpu.dot_dimension_numbers<[1], [0], [0], [1], [0, 0, 1, 1], [], []>, transpose_lhs_hint = false} : vector<64x128xbf16>, vector<128x64xbf16>, vector<64x64xf32> -> vector<64x64xf32>
    %slice3A_683 = vector.extract_strided_slice %get3A_3 {offsets = [896, 0], sizes = [64, 64], strides = [1, 1]} : vector<2048x64xf32> to vector<64x64xf32>
    %slice3A_684 = vector.extract_strided_slice %div3A_22 {offsets = [896, 0], sizes = [64, 64], strides = [1, 1]} : vector<2048x64xf32> to vector<64x64xf32>
    %slice3A_685 = vector.extract_strided_slice %div3A_22 {offsets = [832, 0], sizes = [64, 64], strides = [1, 1]} : vector<2048x64xf32> to vector<64x64xf32>
    %concatenate3A_686 = tpu.concatenate %slice3A_684, %slice3A_685 in 0 : vector<64x64xf32>, vector<64x64xf32> -> vector<128x64xf32>
    %slice3A_687 = vector.extract_strided_slice %get3A_8 {offsets = [896, 0], sizes = [64, 64], strides = [1, 1]} : vector<2048x64xf32> to vector<64x64xf32>
    %slice3A_688 = vector.extract_strided_slice %get3A_8 {offsets = [832, 0], sizes = [64, 64], strides = [1, 1]} : vector<2048x64xf32> to vector<64x64xf32>
    %concatenate3A_689 = tpu.concatenate %slice3A_687, %slice3A_688 in 0 : vector<64x64xf32>, vector<64x64xf32> -> vector<128x64xf32>
    %slice3A_690 = vector.extract_strided_slice %get3A_13 {offsets = [0, 896], sizes = [1, 64], strides = [1, 1]} : vector<1x2048xf32> to vector<1x64xf32>
    %slice3A_691 = vector.extract_strided_slice %get3A_13 {offsets = [0, 832], sizes = [1, 64], strides = [1, 1]} : vector<1x2048xf32> to vector<1x64xf32>
    %concatenate3A_692 = tpu.concatenate %slice3A_690, %slice3A_691 in 1 : vector<1x64xf32>, vector<1x64xf32> -> vector<1x128xf32>
    %slice3A_693 = vector.extract_strided_slice %get3A_18 {offsets = [896, 0], sizes = [64, 1], strides = [1, 1]} : vector<2048x1xf32> to vector<64x1xf32>
    %convert_element_type3A_694 = arith.truncf %slice3A_683 : vector<64x64xf32> to vector<64x64xbf16>
    %convert_element_type3A_695 = arith.truncf %concatenate3A_686 : vector<128x64xf32> to vector<128x64xbf16>
    %dot_general3A_696 = arith.constant dense<0.000000e+00> : vector<64x128xf32>
    %dot_general3A_697 = tpu.matmul %convert_element_type3A_694, %convert_element_type3A_695, %dot_general3A_696 {dimension_numbers = #tpu.dot_dimension_numbers<[1], [1], [0], [0], [0, 0, 1, 0], [], []>, transpose_lhs_hint = false} : vector<64x64xbf16>, vector<128x64xbf16>, vector<64x128xf32> -> vector<64x128xf32>
    %div3A_698 = arith.constant 8.000000e+00 : f32
    %div3A_699 = vector.broadcast %div3A_698 : f32 to vector<64x128xf32>
    %div3A_700 = arith.divf %dot_general3A_697, %div3A_699 : vector<64x128xf32>
    %gt3A_701 = vector.broadcast %concatenate3A_692 : vector<1x128xf32> to vector<64x128xf32>
    %gt3A_702 = vector.broadcast %slice3A_693 : vector<64x1xf32> to vector<64x128xf32>
    %gt3A_703 = arith.cmpf ogt, %gt3A_701, %gt3A_702 : vector<64x128xf32>
    %jit3A_704 = arith.constant -1.000000e+09 : f32
    %broadcast_in_dim3A_705 = vector.broadcast %jit3A_704 : f32 to vector<64x128xf32>
    %select_n3A_706 = arith.select %gt3A_703, %broadcast_in_dim3A_705, %div3A_700 : vector<64x128xi1>, vector<64x128xf32>
    %eq3A_707 = vector.broadcast %concatenate3A_692 : vector<1x128xf32> to vector<64x128xf32>
    %eq3A_708 = vector.broadcast %slice3A_693 : vector<64x1xf32> to vector<64x128xf32>
    %eq3A_709 = arith.cmpf oeq, %eq3A_707, %eq3A_708 : vector<64x128xf32>
    %jit3A_710 = arith.constant -1.000000e+05 : f32
    %broadcast_in_dim3A_711 = vector.broadcast %jit3A_710 : f32 to vector<64x128xf32>
    %select_n3A_712 = arith.select %eq3A_709, %broadcast_in_dim3A_711, %select_n3A_706 : vector<64x128xi1>, vector<64x128xf32>
    %reduce_max3A_713 = arith.constant dense<0xFF800000> : vector<64xf32>
    %reduce_max3A_714 = vector.multi_reduction <maximumf>, %select_n3A_712, %reduce_max3A_713 [1] : vector<64x128xf32> to vector<64xf32>
    %max3A_715 = arith.constant 0xFF800000 : f32
    %max3A_716 = vector.broadcast %max3A_715 : f32 to vector<64xf32>
    %max3A_717 = arith.maximumf %max3A_716, %reduce_max3A_714 : vector<64xf32>
    %broadcast_in_dim3A_718 = vector.shape_cast %max3A_717 : vector<64xf32> to vector<64x1xf32>
    %sub3A_719 = vector.broadcast %broadcast_in_dim3A_718 : vector<64x1xf32> to vector<64x128xf32>
    %sub3A_720 = arith.subf %select_n3A_712, %sub3A_719 : vector<64x128xf32>
    %exp3A_721 = math.exp %sub3A_720 : vector<64x128xf32>
    %reduce_sum3A_722 = arith.constant dense<0.000000e+00> : vector<64xf32>
    %reduce_sum3A_723 = vector.multi_reduction <add>, %exp3A_721, %reduce_sum3A_722 [1] : vector<64x128xf32> to vector<64xf32>
    %broadcast_in_dim3A_724 = vector.shape_cast %reduce_sum3A_723 : vector<64xf32> to vector<64x1xf32>
    %div3A_725 = vector.broadcast %broadcast_in_dim3A_724 : vector<64x1xf32> to vector<64x128xf32>
    %div3A_726 = arith.divf %exp3A_721, %div3A_725 : vector<64x128xf32>
    %convert_element_type3A_727 = arith.truncf %div3A_726 : vector<64x128xf32> to vector<64x128xbf16>
    %convert_element_type3A_728 = arith.truncf %concatenate3A_689 : vector<128x64xf32> to vector<128x64xbf16>
    %dot_general3A_729 = arith.constant dense<0.000000e+00> : vector<64x64xf32>
    %dot_general3A_730 = tpu.matmul %convert_element_type3A_727, %convert_element_type3A_728, %dot_general3A_729 {dimension_numbers = #tpu.dot_dimension_numbers<[1], [0], [0], [1], [0, 0, 1, 1], [], []>, transpose_lhs_hint = false} : vector<64x128xbf16>, vector<128x64xbf16>, vector<64x64xf32> -> vector<64x64xf32>
    %slice3A_731 = vector.extract_strided_slice %get3A_3 {offsets = [960, 0], sizes = [64, 64], strides = [1, 1]} : vector<2048x64xf32> to vector<64x64xf32>
    %slice3A_732 = vector.extract_strided_slice %div3A_22 {offsets = [960, 0], sizes = [64, 64], strides = [1, 1]} : vector<2048x64xf32> to vector<64x64xf32>
    %slice3A_733 = vector.extract_strided_slice %div3A_22 {offsets = [896, 0], sizes = [64, 64], strides = [1, 1]} : vector<2048x64xf32> to vector<64x64xf32>
    %concatenate3A_734 = tpu.concatenate %slice3A_732, %slice3A_733 in 0 : vector<64x64xf32>, vector<64x64xf32> -> vector<128x64xf32>
    %slice3A_735 = vector.extract_strided_slice %get3A_8 {offsets = [960, 0], sizes = [64, 64], strides = [1, 1]} : vector<2048x64xf32> to vector<64x64xf32>
    %slice3A_736 = vector.extract_strided_slice %get3A_8 {offsets = [896, 0], sizes = [64, 64], strides = [1, 1]} : vector<2048x64xf32> to vector<64x64xf32>
    %concatenate3A_737 = tpu.concatenate %slice3A_735, %slice3A_736 in 0 : vector<64x64xf32>, vector<64x64xf32> -> vector<128x64xf32>
    %slice3A_738 = vector.extract_strided_slice %get3A_13 {offsets = [0, 960], sizes = [1, 64], strides = [1, 1]} : vector<1x2048xf32> to vector<1x64xf32>
    %slice3A_739 = vector.extract_strided_slice %get3A_13 {offsets = [0, 896], sizes = [1, 64], strides = [1, 1]} : vector<1x2048xf32> to vector<1x64xf32>
    %concatenate3A_740 = tpu.concatenate %slice3A_738, %slice3A_739 in 1 : vector<1x64xf32>, vector<1x64xf32> -> vector<1x128xf32>
    %slice3A_741 = vector.extract_strided_slice %get3A_18 {offsets = [960, 0], sizes = [64, 1], strides = [1, 1]} : vector<2048x1xf32> to vector<64x1xf32>
    %convert_element_type3A_742 = arith.truncf %slice3A_731 : vector<64x64xf32> to vector<64x64xbf16>
    %convert_element_type3A_743 = arith.truncf %concatenate3A_734 : vector<128x64xf32> to vector<128x64xbf16>
    %dot_general3A_744 = arith.constant dense<0.000000e+00> : vector<64x128xf32>
    %dot_general3A_745 = tpu.matmul %convert_element_type3A_742, %convert_element_type3A_743, %dot_general3A_744 {dimension_numbers = #tpu.dot_dimension_numbers<[1], [1], [0], [0], [0, 0, 1, 0], [], []>, transpose_lhs_hint = false} : vector<64x64xbf16>, vector<128x64xbf16>, vector<64x128xf32> -> vector<64x128xf32>
    %div3A_746 = arith.constant 8.000000e+00 : f32
    %div3A_747 = vector.broadcast %div3A_746 : f32 to vector<64x128xf32>
    %div3A_748 = arith.divf %dot_general3A_745, %div3A_747 : vector<64x128xf32>
    %gt3A_749 = vector.broadcast %concatenate3A_740 : vector<1x128xf32> to vector<64x128xf32>
    %gt3A_750 = vector.broadcast %slice3A_741 : vector<64x1xf32> to vector<64x128xf32>
    %gt3A_751 = arith.cmpf ogt, %gt3A_749, %gt3A_750 : vector<64x128xf32>
    %jit3A_752 = arith.constant -1.000000e+09 : f32
    %broadcast_in_dim3A_753 = vector.broadcast %jit3A_752 : f32 to vector<64x128xf32>
    %select_n3A_754 = arith.select %gt3A_751, %broadcast_in_dim3A_753, %div3A_748 : vector<64x128xi1>, vector<64x128xf32>
    %eq3A_755 = vector.broadcast %concatenate3A_740 : vector<1x128xf32> to vector<64x128xf32>
    %eq3A_756 = vector.broadcast %slice3A_741 : vector<64x1xf32> to vector<64x128xf32>
    %eq3A_757 = arith.cmpf oeq, %eq3A_755, %eq3A_756 : vector<64x128xf32>
    %jit3A_758 = arith.constant -1.000000e+05 : f32
    %broadcast_in_dim3A_759 = vector.broadcast %jit3A_758 : f32 to vector<64x128xf32>
    %select_n3A_760 = arith.select %eq3A_757, %broadcast_in_dim3A_759, %select_n3A_754 : vector<64x128xi1>, vector<64x128xf32>
    %reduce_max3A_761 = arith.constant dense<0xFF800000> : vector<64xf32>
    %reduce_max3A_762 = vector.multi_reduction <maximumf>, %select_n3A_760, %reduce_max3A_761 [1] : vector<64x128xf32> to vector<64xf32>
    %max3A_763 = arith.constant 0xFF800000 : f32
    %max3A_764 = vector.broadcast %max3A_763 : f32 to vector<64xf32>
    %max3A_765 = arith.maximumf %max3A_764, %reduce_max3A_762 : vector<64xf32>
    %broadcast_in_dim3A_766 = vector.shape_cast %max3A_765 : vector<64xf32> to vector<64x1xf32>
    %sub3A_767 = vector.broadcast %broadcast_in_dim3A_766 : vector<64x1xf32> to vector<64x128xf32>
    %sub3A_768 = arith.subf %select_n3A_760, %sub3A_767 : vector<64x128xf32>
    %exp3A_769 = math.exp %sub3A_768 : vector<64x128xf32>
    %reduce_sum3A_770 = arith.constant dense<0.000000e+00> : vector<64xf32>
    %reduce_sum3A_771 = vector.multi_reduction <add>, %exp3A_769, %reduce_sum3A_770 [1] : vector<64x128xf32> to vector<64xf32>
    %broadcast_in_dim3A_772 = vector.shape_cast %reduce_sum3A_771 : vector<64xf32> to vector<64x1xf32>
    %div3A_773 = vector.broadcast %broadcast_in_dim3A_772 : vector<64x1xf32> to vector<64x128xf32>
    %div3A_774 = arith.divf %exp3A_769, %div3A_773 : vector<64x128xf32>
    %convert_element_type3A_775 = arith.truncf %div3A_774 : vector<64x128xf32> to vector<64x128xbf16>
    %convert_element_type3A_776 = arith.truncf %concatenate3A_737 : vector<128x64xf32> to vector<128x64xbf16>
    %dot_general3A_777 = arith.constant dense<0.000000e+00> : vector<64x64xf32>
    %dot_general3A_778 = tpu.matmul %convert_element_type3A_775, %convert_element_type3A_776, %dot_general3A_777 {dimension_numbers = #tpu.dot_dimension_numbers<[1], [0], [0], [1], [0, 0, 1, 1], [], []>, transpose_lhs_hint = false} : vector<64x128xbf16>, vector<128x64xbf16>, vector<64x64xf32> -> vector<64x64xf32>
    %slice3A_779 = vector.extract_strided_slice %get3A_3 {offsets = [1024, 0], sizes = [64, 64], strides = [1, 1]} : vector<2048x64xf32> to vector<64x64xf32>
    %slice3A_780 = vector.extract_strided_slice %div3A_22 {offsets = [1024, 0], sizes = [64, 64], strides = [1, 1]} : vector<2048x64xf32> to vector<64x64xf32>
    %slice3A_781 = vector.extract_strided_slice %div3A_22 {offsets = [960, 0], sizes = [64, 64], strides = [1, 1]} : vector<2048x64xf32> to vector<64x64xf32>
    %concatenate3A_782 = tpu.concatenate %slice3A_780, %slice3A_781 in 0 : vector<64x64xf32>, vector<64x64xf32> -> vector<128x64xf32>
    %slice3A_783 = vector.extract_strided_slice %get3A_8 {offsets = [1024, 0], sizes = [64, 64], strides = [1, 1]} : vector<2048x64xf32> to vector<64x64xf32>
    %slice3A_784 = vector.extract_strided_slice %get3A_8 {offsets = [960, 0], sizes = [64, 64], strides = [1, 1]} : vector<2048x64xf32> to vector<64x64xf32>
    %concatenate3A_785 = tpu.concatenate %slice3A_783, %slice3A_784 in 0 : vector<64x64xf32>, vector<64x64xf32> -> vector<128x64xf32>
    %slice3A_786 = vector.extract_strided_slice %get3A_13 {offsets = [0, 1024], sizes = [1, 64], strides = [1, 1]} : vector<1x2048xf32> to vector<1x64xf32>
    %slice3A_787 = vector.extract_strided_slice %get3A_13 {offsets = [0, 960], sizes = [1, 64], strides = [1, 1]} : vector<1x2048xf32> to vector<1x64xf32>
    %concatenate3A_788 = tpu.concatenate %slice3A_786, %slice3A_787 in 1 : vector<1x64xf32>, vector<1x64xf32> -> vector<1x128xf32>
    %slice3A_789 = vector.extract_strided_slice %get3A_18 {offsets = [1024, 0], sizes = [64, 1], strides = [1, 1]} : vector<2048x1xf32> to vector<64x1xf32>
    %convert_element_type3A_790 = arith.truncf %slice3A_779 : vector<64x64xf32> to vector<64x64xbf16>
    %convert_element_type3A_791 = arith.truncf %concatenate3A_782 : vector<128x64xf32> to vector<128x64xbf16>
    %dot_general3A_792 = arith.constant dense<0.000000e+00> : vector<64x128xf32>
    %dot_general3A_793 = tpu.matmul %convert_element_type3A_790, %convert_element_type3A_791, %dot_general3A_792 {dimension_numbers = #tpu.dot_dimension_numbers<[1], [1], [0], [0], [0, 0, 1, 0], [], []>, transpose_lhs_hint = false} : vector<64x64xbf16>, vector<128x64xbf16>, vector<64x128xf32> -> vector<64x128xf32>
    %div3A_794 = arith.constant 8.000000e+00 : f32
    %div3A_795 = vector.broadcast %div3A_794 : f32 to vector<64x128xf32>
    %div3A_796 = arith.divf %dot_general3A_793, %div3A_795 : vector<64x128xf32>
    %gt3A_797 = vector.broadcast %concatenate3A_788 : vector<1x128xf32> to vector<64x128xf32>
    %gt3A_798 = vector.broadcast %slice3A_789 : vector<64x1xf32> to vector<64x128xf32>
    %gt3A_799 = arith.cmpf ogt, %gt3A_797, %gt3A_798 : vector<64x128xf32>
    %jit3A_800 = arith.constant -1.000000e+09 : f32
    %broadcast_in_dim3A_801 = vector.broadcast %jit3A_800 : f32 to vector<64x128xf32>
    %select_n3A_802 = arith.select %gt3A_799, %broadcast_in_dim3A_801, %div3A_796 : vector<64x128xi1>, vector<64x128xf32>
    %eq3A_803 = vector.broadcast %concatenate3A_788 : vector<1x128xf32> to vector<64x128xf32>
    %eq3A_804 = vector.broadcast %slice3A_789 : vector<64x1xf32> to vector<64x128xf32>
    %eq3A_805 = arith.cmpf oeq, %eq3A_803, %eq3A_804 : vector<64x128xf32>
    %jit3A_806 = arith.constant -1.000000e+05 : f32
    %broadcast_in_dim3A_807 = vector.broadcast %jit3A_806 : f32 to vector<64x128xf32>
    %select_n3A_808 = arith.select %eq3A_805, %broadcast_in_dim3A_807, %select_n3A_802 : vector<64x128xi1>, vector<64x128xf32>
    %reduce_max3A_809 = arith.constant dense<0xFF800000> : vector<64xf32>
    %reduce_max3A_810 = vector.multi_reduction <maximumf>, %select_n3A_808, %reduce_max3A_809 [1] : vector<64x128xf32> to vector<64xf32>
    %max3A_811 = arith.constant 0xFF800000 : f32
    %max3A_812 = vector.broadcast %max3A_811 : f32 to vector<64xf32>
    %max3A_813 = arith.maximumf %max3A_812, %reduce_max3A_810 : vector<64xf32>
    %broadcast_in_dim3A_814 = vector.shape_cast %max3A_813 : vector<64xf32> to vector<64x1xf32>
    %sub3A_815 = vector.broadcast %broadcast_in_dim3A_814 : vector<64x1xf32> to vector<64x128xf32>
    %sub3A_816 = arith.subf %select_n3A_808, %sub3A_815 : vector<64x128xf32>
    %exp3A_817 = math.exp %sub3A_816 : vector<64x128xf32>
    %reduce_sum3A_818 = arith.constant dense<0.000000e+00> : vector<64xf32>
    %reduce_sum3A_819 = vector.multi_reduction <add>, %exp3A_817, %reduce_sum3A_818 [1] : vector<64x128xf32> to vector<64xf32>
    %broadcast_in_dim3A_820 = vector.shape_cast %reduce_sum3A_819 : vector<64xf32> to vector<64x1xf32>
    %div3A_821 = vector.broadcast %broadcast_in_dim3A_820 : vector<64x1xf32> to vector<64x128xf32>
    %div3A_822 = arith.divf %exp3A_817, %div3A_821 : vector<64x128xf32>
    %convert_element_type3A_823 = arith.truncf %div3A_822 : vector<64x128xf32> to vector<64x128xbf16>
    %convert_element_type3A_824 = arith.truncf %concatenate3A_785 : vector<128x64xf32> to vector<128x64xbf16>
    %dot_general3A_825 = arith.constant dense<0.000000e+00> : vector<64x64xf32>
    %dot_general3A_826 = tpu.matmul %convert_element_type3A_823, %convert_element_type3A_824, %dot_general3A_825 {dimension_numbers = #tpu.dot_dimension_numbers<[1], [0], [0], [1], [0, 0, 1, 1], [], []>, transpose_lhs_hint = false} : vector<64x128xbf16>, vector<128x64xbf16>, vector<64x64xf32> -> vector<64x64xf32>
    %slice3A_827 = vector.extract_strided_slice %get3A_3 {offsets = [1088, 0], sizes = [64, 64], strides = [1, 1]} : vector<2048x64xf32> to vector<64x64xf32>
    %slice3A_828 = vector.extract_strided_slice %div3A_22 {offsets = [1088, 0], sizes = [64, 64], strides = [1, 1]} : vector<2048x64xf32> to vector<64x64xf32>
    %slice3A_829 = vector.extract_strided_slice %div3A_22 {offsets = [1024, 0], sizes = [64, 64], strides = [1, 1]} : vector<2048x64xf32> to vector<64x64xf32>
    %concatenate3A_830 = tpu.concatenate %slice3A_828, %slice3A_829 in 0 : vector<64x64xf32>, vector<64x64xf32> -> vector<128x64xf32>
    %slice3A_831 = vector.extract_strided_slice %get3A_8 {offsets = [1088, 0], sizes = [64, 64], strides = [1, 1]} : vector<2048x64xf32> to vector<64x64xf32>
    %slice3A_832 = vector.extract_strided_slice %get3A_8 {offsets = [1024, 0], sizes = [64, 64], strides = [1, 1]} : vector<2048x64xf32> to vector<64x64xf32>
    %concatenate3A_833 = tpu.concatenate %slice3A_831, %slice3A_832 in 0 : vector<64x64xf32>, vector<64x64xf32> -> vector<128x64xf32>
    %slice3A_834 = vector.extract_strided_slice %get3A_13 {offsets = [0, 1088], sizes = [1, 64], strides = [1, 1]} : vector<1x2048xf32> to vector<1x64xf32>
    %slice3A_835 = vector.extract_strided_slice %get3A_13 {offsets = [0, 1024], sizes = [1, 64], strides = [1, 1]} : vector<1x2048xf32> to vector<1x64xf32>
    %concatenate3A_836 = tpu.concatenate %slice3A_834, %slice3A_835 in 1 : vector<1x64xf32>, vector<1x64xf32> -> vector<1x128xf32>
    %slice3A_837 = vector.extract_strided_slice %get3A_18 {offsets = [1088, 0], sizes = [64, 1], strides = [1, 1]} : vector<2048x1xf32> to vector<64x1xf32>
    %convert_element_type3A_838 = arith.truncf %slice3A_827 : vector<64x64xf32> to vector<64x64xbf16>
    %convert_element_type3A_839 = arith.truncf %concatenate3A_830 : vector<128x64xf32> to vector<128x64xbf16>
    %dot_general3A_840 = arith.constant dense<0.000000e+00> : vector<64x128xf32>
    %dot_general3A_841 = tpu.matmul %convert_element_type3A_838, %convert_element_type3A_839, %dot_general3A_840 {dimension_numbers = #tpu.dot_dimension_numbers<[1], [1], [0], [0], [0, 0, 1, 0], [], []>, transpose_lhs_hint = false} : vector<64x64xbf16>, vector<128x64xbf16>, vector<64x128xf32> -> vector<64x128xf32>
    %div3A_842 = arith.constant 8.000000e+00 : f32
    %div3A_843 = vector.broadcast %div3A_842 : f32 to vector<64x128xf32>
    %div3A_844 = arith.divf %dot_general3A_841, %div3A_843 : vector<64x128xf32>
    %gt3A_845 = vector.broadcast %concatenate3A_836 : vector<1x128xf32> to vector<64x128xf32>
    %gt3A_846 = vector.broadcast %slice3A_837 : vector<64x1xf32> to vector<64x128xf32>
    %gt3A_847 = arith.cmpf ogt, %gt3A_845, %gt3A_846 : vector<64x128xf32>
    %jit3A_848 = arith.constant -1.000000e+09 : f32
    %broadcast_in_dim3A_849 = vector.broadcast %jit3A_848 : f32 to vector<64x128xf32>
    %select_n3A_850 = arith.select %gt3A_847, %broadcast_in_dim3A_849, %div3A_844 : vector<64x128xi1>, vector<64x128xf32>
    %eq3A_851 = vector.broadcast %concatenate3A_836 : vector<1x128xf32> to vector<64x128xf32>
    %eq3A_852 = vector.broadcast %slice3A_837 : vector<64x1xf32> to vector<64x128xf32>
    %eq3A_853 = arith.cmpf oeq, %eq3A_851, %eq3A_852 : vector<64x128xf32>
    %jit3A_854 = arith.constant -1.000000e+05 : f32
    %broadcast_in_dim3A_855 = vector.broadcast %jit3A_854 : f32 to vector<64x128xf32>
    %select_n3A_856 = arith.select %eq3A_853, %broadcast_in_dim3A_855, %select_n3A_850 : vector<64x128xi1>, vector<64x128xf32>
    %reduce_max3A_857 = arith.constant dense<0xFF800000> : vector<64xf32>
    %reduce_max3A_858 = vector.multi_reduction <maximumf>, %select_n3A_856, %reduce_max3A_857 [1] : vector<64x128xf32> to vector<64xf32>
    %max3A_859 = arith.constant 0xFF800000 : f32
    %max3A_860 = vector.broadcast %max3A_859 : f32 to vector<64xf32>
    %max3A_861 = arith.maximumf %max3A_860, %reduce_max3A_858 : vector<64xf32>
    %broadcast_in_dim3A_862 = vector.shape_cast %max3A_861 : vector<64xf32> to vector<64x1xf32>
    %sub3A_863 = vector.broadcast %broadcast_in_dim3A_862 : vector<64x1xf32> to vector<64x128xf32>
    %sub3A_864 = arith.subf %select_n3A_856, %sub3A_863 : vector<64x128xf32>
    %exp3A_865 = math.exp %sub3A_864 : vector<64x128xf32>
    %reduce_sum3A_866 = arith.constant dense<0.000000e+00> : vector<64xf32>
    %reduce_sum3A_867 = vector.multi_reduction <add>, %exp3A_865, %reduce_sum3A_866 [1] : vector<64x128xf32> to vector<64xf32>
    %broadcast_in_dim3A_868 = vector.shape_cast %reduce_sum3A_867 : vector<64xf32> to vector<64x1xf32>
    %div3A_869 = vector.broadcast %broadcast_in_dim3A_868 : vector<64x1xf32> to vector<64x128xf32>
    %div3A_870 = arith.divf %exp3A_865, %div3A_869 : vector<64x128xf32>
    %convert_element_type3A_871 = arith.truncf %div3A_870 : vector<64x128xf32> to vector<64x128xbf16>
    %convert_element_type3A_872 = arith.truncf %concatenate3A_833 : vector<128x64xf32> to vector<128x64xbf16>
    %dot_general3A_873 = arith.constant dense<0.000000e+00> : vector<64x64xf32>
    %dot_general3A_874 = tpu.matmul %convert_element_type3A_871, %convert_element_type3A_872, %dot_general3A_873 {dimension_numbers = #tpu.dot_dimension_numbers<[1], [0], [0], [1], [0, 0, 1, 1], [], []>, transpose_lhs_hint = false} : vector<64x128xbf16>, vector<128x64xbf16>, vector<64x64xf32> -> vector<64x64xf32>
    %slice3A_875 = vector.extract_strided_slice %get3A_3 {offsets = [1152, 0], sizes = [64, 64], strides = [1, 1]} : vector<2048x64xf32> to vector<64x64xf32>
    %slice3A_876 = vector.extract_strided_slice %div3A_22 {offsets = [1152, 0], sizes = [64, 64], strides = [1, 1]} : vector<2048x64xf32> to vector<64x64xf32>
    %slice3A_877 = vector.extract_strided_slice %div3A_22 {offsets = [1088, 0], sizes = [64, 64], strides = [1, 1]} : vector<2048x64xf32> to vector<64x64xf32>
    %concatenate3A_878 = tpu.concatenate %slice3A_876, %slice3A_877 in 0 : vector<64x64xf32>, vector<64x64xf32> -> vector<128x64xf32>
    %slice3A_879 = vector.extract_strided_slice %get3A_8 {offsets = [1152, 0], sizes = [64, 64], strides = [1, 1]} : vector<2048x64xf32> to vector<64x64xf32>
    %slice3A_880 = vector.extract_strided_slice %get3A_8 {offsets = [1088, 0], sizes = [64, 64], strides = [1, 1]} : vector<2048x64xf32> to vector<64x64xf32>
    %concatenate3A_881 = tpu.concatenate %slice3A_879, %slice3A_880 in 0 : vector<64x64xf32>, vector<64x64xf32> -> vector<128x64xf32>
    %slice3A_882 = vector.extract_strided_slice %get3A_13 {offsets = [0, 1152], sizes = [1, 64], strides = [1, 1]} : vector<1x2048xf32> to vector<1x64xf32>
    %slice3A_883 = vector.extract_strided_slice %get3A_13 {offsets = [0, 1088], sizes = [1, 64], strides = [1, 1]} : vector<1x2048xf32> to vector<1x64xf32>
    %concatenate3A_884 = tpu.concatenate %slice3A_882, %slice3A_883 in 1 : vector<1x64xf32>, vector<1x64xf32> -> vector<1x128xf32>
    %slice3A_885 = vector.extract_strided_slice %get3A_18 {offsets = [1152, 0], sizes = [64, 1], strides = [1, 1]} : vector<2048x1xf32> to vector<64x1xf32>
    %convert_element_type3A_886 = arith.truncf %slice3A_875 : vector<64x64xf32> to vector<64x64xbf16>
    %convert_element_type3A_887 = arith.truncf %concatenate3A_878 : vector<128x64xf32> to vector<128x64xbf16>
    %dot_general3A_888 = arith.constant dense<0.000000e+00> : vector<64x128xf32>
    %dot_general3A_889 = tpu.matmul %convert_element_type3A_886, %convert_element_type3A_887, %dot_general3A_888 {dimension_numbers = #tpu.dot_dimension_numbers<[1], [1], [0], [0], [0, 0, 1, 0], [], []>, transpose_lhs_hint = false} : vector<64x64xbf16>, vector<128x64xbf16>, vector<64x128xf32> -> vector<64x128xf32>
    %div3A_890 = arith.constant 8.000000e+00 : f32
    %div3A_891 = vector.broadcast %div3A_890 : f32 to vector<64x128xf32>
    %div3A_892 = arith.divf %dot_general3A_889, %div3A_891 : vector<64x128xf32>
    %gt3A_893 = vector.broadcast %concatenate3A_884 : vector<1x128xf32> to vector<64x128xf32>
    %gt3A_894 = vector.broadcast %slice3A_885 : vector<64x1xf32> to vector<64x128xf32>
    %gt3A_895 = arith.cmpf ogt, %gt3A_893, %gt3A_894 : vector<64x128xf32>
    %jit3A_896 = arith.constant -1.000000e+09 : f32
    %broadcast_in_dim3A_897 = vector.broadcast %jit3A_896 : f32 to vector<64x128xf32>
    %select_n3A_898 = arith.select %gt3A_895, %broadcast_in_dim3A_897, %div3A_892 : vector<64x128xi1>, vector<64x128xf32>
    %eq3A_899 = vector.broadcast %concatenate3A_884 : vector<1x128xf32> to vector<64x128xf32>
    %eq3A_900 = vector.broadcast %slice3A_885 : vector<64x1xf32> to vector<64x128xf32>
    %eq3A_901 = arith.cmpf oeq, %eq3A_899, %eq3A_900 : vector<64x128xf32>
    %jit3A_902 = arith.constant -1.000000e+05 : f32
    %broadcast_in_dim3A_903 = vector.broadcast %jit3A_902 : f32 to vector<64x128xf32>
    %select_n3A_904 = arith.select %eq3A_901, %broadcast_in_dim3A_903, %select_n3A_898 : vector<64x128xi1>, vector<64x128xf32>
    %reduce_max3A_905 = arith.constant dense<0xFF800000> : vector<64xf32>
    %reduce_max3A_906 = vector.multi_reduction <maximumf>, %select_n3A_904, %reduce_max3A_905 [1] : vector<64x128xf32> to vector<64xf32>
    %max3A_907 = arith.constant 0xFF800000 : f32
    %max3A_908 = vector.broadcast %max3A_907 : f32 to vector<64xf32>
    %max3A_909 = arith.maximumf %max3A_908, %reduce_max3A_906 : vector<64xf32>
    %broadcast_in_dim3A_910 = vector.shape_cast %max3A_909 : vector<64xf32> to vector<64x1xf32>
    %sub3A_911 = vector.broadcast %broadcast_in_dim3A_910 : vector<64x1xf32> to vector<64x128xf32>
    %sub3A_912 = arith.subf %select_n3A_904, %sub3A_911 : vector<64x128xf32>
    %exp3A_913 = math.exp %sub3A_912 : vector<64x128xf32>
    %reduce_sum3A_914 = arith.constant dense<0.000000e+00> : vector<64xf32>
    %reduce_sum3A_915 = vector.multi_reduction <add>, %exp3A_913, %reduce_sum3A_914 [1] : vector<64x128xf32> to vector<64xf32>
    %broadcast_in_dim3A_916 = vector.shape_cast %reduce_sum3A_915 : vector<64xf32> to vector<64x1xf32>
    %div3A_917 = vector.broadcast %broadcast_in_dim3A_916 : vector<64x1xf32> to vector<64x128xf32>
    %div3A_918 = arith.divf %exp3A_913, %div3A_917 : vector<64x128xf32>
    %convert_element_type3A_919 = arith.truncf %div3A_918 : vector<64x128xf32> to vector<64x128xbf16>
    %convert_element_type3A_920 = arith.truncf %concatenate3A_881 : vector<128x64xf32> to vector<128x64xbf16>
    %dot_general3A_921 = arith.constant dense<0.000000e+00> : vector<64x64xf32>
    %dot_general3A_922 = tpu.matmul %convert_element_type3A_919, %convert_element_type3A_920, %dot_general3A_921 {dimension_numbers = #tpu.dot_dimension_numbers<[1], [0], [0], [1], [0, 0, 1, 1], [], []>, transpose_lhs_hint = false} : vector<64x128xbf16>, vector<128x64xbf16>, vector<64x64xf32> -> vector<64x64xf32>
    %slice3A_923 = vector.extract_strided_slice %get3A_3 {offsets = [1216, 0], sizes = [64, 64], strides = [1, 1]} : vector<2048x64xf32> to vector<64x64xf32>
    %slice3A_924 = vector.extract_strided_slice %div3A_22 {offsets = [1216, 0], sizes = [64, 64], strides = [1, 1]} : vector<2048x64xf32> to vector<64x64xf32>
    %slice3A_925 = vector.extract_strided_slice %div3A_22 {offsets = [1152, 0], sizes = [64, 64], strides = [1, 1]} : vector<2048x64xf32> to vector<64x64xf32>
    %concatenate3A_926 = tpu.concatenate %slice3A_924, %slice3A_925 in 0 : vector<64x64xf32>, vector<64x64xf32> -> vector<128x64xf32>
    %slice3A_927 = vector.extract_strided_slice %get3A_8 {offsets = [1216, 0], sizes = [64, 64], strides = [1, 1]} : vector<2048x64xf32> to vector<64x64xf32>
    %slice3A_928 = vector.extract_strided_slice %get3A_8 {offsets = [1152, 0], sizes = [64, 64], strides = [1, 1]} : vector<2048x64xf32> to vector<64x64xf32>
    %concatenate3A_929 = tpu.concatenate %slice3A_927, %slice3A_928 in 0 : vector<64x64xf32>, vector<64x64xf32> -> vector<128x64xf32>
    %slice3A_930 = vector.extract_strided_slice %get3A_13 {offsets = [0, 1216], sizes = [1, 64], strides = [1, 1]} : vector<1x2048xf32> to vector<1x64xf32>
    %slice3A_931 = vector.extract_strided_slice %get3A_13 {offsets = [0, 1152], sizes = [1, 64], strides = [1, 1]} : vector<1x2048xf32> to vector<1x64xf32>
    %concatenate3A_932 = tpu.concatenate %slice3A_930, %slice3A_931 in 1 : vector<1x64xf32>, vector<1x64xf32> -> vector<1x128xf32>
    %slice3A_933 = vector.extract_strided_slice %get3A_18 {offsets = [1216, 0], sizes = [64, 1], strides = [1, 1]} : vector<2048x1xf32> to vector<64x1xf32>
    %convert_element_type3A_934 = arith.truncf %slice3A_923 : vector<64x64xf32> to vector<64x64xbf16>
    %convert_element_type3A_935 = arith.truncf %concatenate3A_926 : vector<128x64xf32> to vector<128x64xbf16>
    %dot_general3A_936 = arith.constant dense<0.000000e+00> : vector<64x128xf32>
    %dot_general3A_937 = tpu.matmul %convert_element_type3A_934, %convert_element_type3A_935, %dot_general3A_936 {dimension_numbers = #tpu.dot_dimension_numbers<[1], [1], [0], [0], [0, 0, 1, 0], [], []>, transpose_lhs_hint = false} : vector<64x64xbf16>, vector<128x64xbf16>, vector<64x128xf32> -> vector<64x128xf32>
    %div3A_938 = arith.constant 8.000000e+00 : f32
    %div3A_939 = vector.broadcast %div3A_938 : f32 to vector<64x128xf32>
    %div3A_940 = arith.divf %dot_general3A_937, %div3A_939 : vector<64x128xf32>
    %gt3A_941 = vector.broadcast %concatenate3A_932 : vector<1x128xf32> to vector<64x128xf32>
    %gt3A_942 = vector.broadcast %slice3A_933 : vector<64x1xf32> to vector<64x128xf32>
    %gt3A_943 = arith.cmpf ogt, %gt3A_941, %gt3A_942 : vector<64x128xf32>
    %jit3A_944 = arith.constant -1.000000e+09 : f32
    %broadcast_in_dim3A_945 = vector.broadcast %jit3A_944 : f32 to vector<64x128xf32>
    %select_n3A_946 = arith.select %gt3A_943, %broadcast_in_dim3A_945, %div3A_940 : vector<64x128xi1>, vector<64x128xf32>
    %eq3A_947 = vector.broadcast %concatenate3A_932 : vector<1x128xf32> to vector<64x128xf32>
    %eq3A_948 = vector.broadcast %slice3A_933 : vector<64x1xf32> to vector<64x128xf32>
    %eq3A_949 = arith.cmpf oeq, %eq3A_947, %eq3A_948 : vector<64x128xf32>
    %jit3A_950 = arith.constant -1.000000e+05 : f32
    %broadcast_in_dim3A_951 = vector.broadcast %jit3A_950 : f32 to vector<64x128xf32>
    %select_n3A_952 = arith.select %eq3A_949, %broadcast_in_dim3A_951, %select_n3A_946 : vector<64x128xi1>, vector<64x128xf32>
    %reduce_max3A_953 = arith.constant dense<0xFF800000> : vector<64xf32>
    %reduce_max3A_954 = vector.multi_reduction <maximumf>, %select_n3A_952, %reduce_max3A_953 [1] : vector<64x128xf32> to vector<64xf32>
    %max3A_955 = arith.constant 0xFF800000 : f32
    %max3A_956 = vector.broadcast %max3A_955 : f32 to vector<64xf32>
    %max3A_957 = arith.maximumf %max3A_956, %reduce_max3A_954 : vector<64xf32>
    %broadcast_in_dim3A_958 = vector.shape_cast %max3A_957 : vector<64xf32> to vector<64x1xf32>
    %sub3A_959 = vector.broadcast %broadcast_in_dim3A_958 : vector<64x1xf32> to vector<64x128xf32>
    %sub3A_960 = arith.subf %select_n3A_952, %sub3A_959 : vector<64x128xf32>
    %exp3A_961 = math.exp %sub3A_960 : vector<64x128xf32>
    %reduce_sum3A_962 = arith.constant dense<0.000000e+00> : vector<64xf32>
    %reduce_sum3A_963 = vector.multi_reduction <add>, %exp3A_961, %reduce_sum3A_962 [1] : vector<64x128xf32> to vector<64xf32>
    %broadcast_in_dim3A_964 = vector.shape_cast %reduce_sum3A_963 : vector<64xf32> to vector<64x1xf32>
    %div3A_965 = vector.broadcast %broadcast_in_dim3A_964 : vector<64x1xf32> to vector<64x128xf32>
    %div3A_966 = arith.divf %exp3A_961, %div3A_965 : vector<64x128xf32>
    %convert_element_type3A_967 = arith.truncf %div3A_966 : vector<64x128xf32> to vector<64x128xbf16>
    %convert_element_type3A_968 = arith.truncf %concatenate3A_929 : vector<128x64xf32> to vector<128x64xbf16>
    %dot_general3A_969 = arith.constant dense<0.000000e+00> : vector<64x64xf32>
    %dot_general3A_970 = tpu.matmul %convert_element_type3A_967, %convert_element_type3A_968, %dot_general3A_969 {dimension_numbers = #tpu.dot_dimension_numbers<[1], [0], [0], [1], [0, 0, 1, 1], [], []>, transpose_lhs_hint = false} : vector<64x128xbf16>, vector<128x64xbf16>, vector<64x64xf32> -> vector<64x64xf32>
    %slice3A_971 = vector.extract_strided_slice %get3A_3 {offsets = [1280, 0], sizes = [64, 64], strides = [1, 1]} : vector<2048x64xf32> to vector<64x64xf32>
    %slice3A_972 = vector.extract_strided_slice %div3A_22 {offsets = [1280, 0], sizes = [64, 64], strides = [1, 1]} : vector<2048x64xf32> to vector<64x64xf32>
    %slice3A_973 = vector.extract_strided_slice %div3A_22 {offsets = [1216, 0], sizes = [64, 64], strides = [1, 1]} : vector<2048x64xf32> to vector<64x64xf32>
    %concatenate3A_974 = tpu.concatenate %slice3A_972, %slice3A_973 in 0 : vector<64x64xf32>, vector<64x64xf32> -> vector<128x64xf32>
    %slice3A_975 = vector.extract_strided_slice %get3A_8 {offsets = [1280, 0], sizes = [64, 64], strides = [1, 1]} : vector<2048x64xf32> to vector<64x64xf32>
    %slice3A_976 = vector.extract_strided_slice %get3A_8 {offsets = [1216, 0], sizes = [64, 64], strides = [1, 1]} : vector<2048x64xf32> to vector<64x64xf32>
    %concatenate3A_977 = tpu.concatenate %slice3A_975, %slice3A_976 in 0 : vector<64x64xf32>, vector<64x64xf32> -> vector<128x64xf32>
    %slice3A_978 = vector.extract_strided_slice %get3A_13 {offsets = [0, 1280], sizes = [1, 64], strides = [1, 1]} : vector<1x2048xf32> to vector<1x64xf32>
    %slice3A_979 = vector.extract_strided_slice %get3A_13 {offsets = [0, 1216], sizes = [1, 64], strides = [1, 1]} : vector<1x2048xf32> to vector<1x64xf32>
    %concatenate3A_980 = tpu.concatenate %slice3A_978, %slice3A_979 in 1 : vector<1x64xf32>, vector<1x64xf32> -> vector<1x128xf32>
    %slice3A_981 = vector.extract_strided_slice %get3A_18 {offsets = [1280, 0], sizes = [64, 1], strides = [1, 1]} : vector<2048x1xf32> to vector<64x1xf32>
    %convert_element_type3A_982 = arith.truncf %slice3A_971 : vector<64x64xf32> to vector<64x64xbf16>
    %convert_element_type3A_983 = arith.truncf %concatenate3A_974 : vector<128x64xf32> to vector<128x64xbf16>
    %dot_general3A_984 = arith.constant dense<0.000000e+00> : vector<64x128xf32>
    %dot_general3A_985 = tpu.matmul %convert_element_type3A_982, %convert_element_type3A_983, %dot_general3A_984 {dimension_numbers = #tpu.dot_dimension_numbers<[1], [1], [0], [0], [0, 0, 1, 0], [], []>, transpose_lhs_hint = false} : vector<64x64xbf16>, vector<128x64xbf16>, vector<64x128xf32> -> vector<64x128xf32>
    %div3A_986 = arith.constant 8.000000e+00 : f32
    %div3A_987 = vector.broadcast %div3A_986 : f32 to vector<64x128xf32>
    %div3A_988 = arith.divf %dot_general3A_985, %div3A_987 : vector<64x128xf32>
    %gt3A_989 = vector.broadcast %concatenate3A_980 : vector<1x128xf32> to vector<64x128xf32>
    %gt3A_990 = vector.broadcast %slice3A_981 : vector<64x1xf32> to vector<64x128xf32>
    %gt3A_991 = arith.cmpf ogt, %gt3A_989, %gt3A_990 : vector<64x128xf32>
    %jit3A_992 = arith.constant -1.000000e+09 : f32
    %broadcast_in_dim3A_993 = vector.broadcast %jit3A_992 : f32 to vector<64x128xf32>
    %select_n3A_994 = arith.select %gt3A_991, %broadcast_in_dim3A_993, %div3A_988 : vector<64x128xi1>, vector<64x128xf32>
    %eq3A_995 = vector.broadcast %concatenate3A_980 : vector<1x128xf32> to vector<64x128xf32>
    %eq3A_996 = vector.broadcast %slice3A_981 : vector<64x1xf32> to vector<64x128xf32>
    %eq3A_997 = arith.cmpf oeq, %eq3A_995, %eq3A_996 : vector<64x128xf32>
    %jit3A_998 = arith.constant -1.000000e+05 : f32
    %broadcast_in_dim3A_999 = vector.broadcast %jit3A_998 : f32 to vector<64x128xf32>
    %select_n3A_1000 = arith.select %eq3A_997, %broadcast_in_dim3A_999, %select_n3A_994 : vector<64x128xi1>, vector<64x128xf32>
    %reduce_max3A_1001 = arith.constant dense<0xFF800000> : vector<64xf32>
    %reduce_max3A_1002 = vector.multi_reduction <maximumf>, %select_n3A_1000, %reduce_max3A_1001 [1] : vector<64x128xf32> to vector<64xf32>
    %max3A_1003 = arith.constant 0xFF800000 : f32
    %max3A_1004 = vector.broadcast %max3A_1003 : f32 to vector<64xf32>
    %max3A_1005 = arith.maximumf %max3A_1004, %reduce_max3A_1002 : vector<64xf32>
    %broadcast_in_dim3A_1006 = vector.shape_cast %max3A_1005 : vector<64xf32> to vector<64x1xf32>
    %sub3A_1007 = vector.broadcast %broadcast_in_dim3A_1006 : vector<64x1xf32> to vector<64x128xf32>
    %sub3A_1008 = arith.subf %select_n3A_1000, %sub3A_1007 : vector<64x128xf32>
    %exp3A_1009 = math.exp %sub3A_1008 : vector<64x128xf32>
    %reduce_sum3A_1010 = arith.constant dense<0.000000e+00> : vector<64xf32>
    %reduce_sum3A_1011 = vector.multi_reduction <add>, %exp3A_1009, %reduce_sum3A_1010 [1] : vector<64x128xf32> to vector<64xf32>
    %broadcast_in_dim3A_1012 = vector.shape_cast %reduce_sum3A_1011 : vector<64xf32> to vector<64x1xf32>
    %div3A_1013 = vector.broadcast %broadcast_in_dim3A_1012 : vector<64x1xf32> to vector<64x128xf32>
    %div3A_1014 = arith.divf %exp3A_1009, %div3A_1013 : vector<64x128xf32>
    %convert_element_type3A_1015 = arith.truncf %div3A_1014 : vector<64x128xf32> to vector<64x128xbf16>
    %convert_element_type3A_1016 = arith.truncf %concatenate3A_977 : vector<128x64xf32> to vector<128x64xbf16>
    %dot_general3A_1017 = arith.constant dense<0.000000e+00> : vector<64x64xf32>
    %dot_general3A_1018 = tpu.matmul %convert_element_type3A_1015, %convert_element_type3A_1016, %dot_general3A_1017 {dimension_numbers = #tpu.dot_dimension_numbers<[1], [0], [0], [1], [0, 0, 1, 1], [], []>, transpose_lhs_hint = false} : vector<64x128xbf16>, vector<128x64xbf16>, vector<64x64xf32> -> vector<64x64xf32>
    %slice3A_1019 = vector.extract_strided_slice %get3A_3 {offsets = [1344, 0], sizes = [64, 64], strides = [1, 1]} : vector<2048x64xf32> to vector<64x64xf32>
    %slice3A_1020 = vector.extract_strided_slice %div3A_22 {offsets = [1344, 0], sizes = [64, 64], strides = [1, 1]} : vector<2048x64xf32> to vector<64x64xf32>
    %slice3A_1021 = vector.extract_strided_slice %div3A_22 {offsets = [1280, 0], sizes = [64, 64], strides = [1, 1]} : vector<2048x64xf32> to vector<64x64xf32>
    %concatenate3A_1022 = tpu.concatenate %slice3A_1020, %slice3A_1021 in 0 : vector<64x64xf32>, vector<64x64xf32> -> vector<128x64xf32>
    %slice3A_1023 = vector.extract_strided_slice %get3A_8 {offsets = [1344, 0], sizes = [64, 64], strides = [1, 1]} : vector<2048x64xf32> to vector<64x64xf32>
    %slice3A_1024 = vector.extract_strided_slice %get3A_8 {offsets = [1280, 0], sizes = [64, 64], strides = [1, 1]} : vector<2048x64xf32> to vector<64x64xf32>
    %concatenate3A_1025 = tpu.concatenate %slice3A_1023, %slice3A_1024 in 0 : vector<64x64xf32>, vector<64x64xf32> -> vector<128x64xf32>
    %slice3A_1026 = vector.extract_strided_slice %get3A_13 {offsets = [0, 1344], sizes = [1, 64], strides = [1, 1]} : vector<1x2048xf32> to vector<1x64xf32>
    %slice3A_1027 = vector.extract_strided_slice %get3A_13 {offsets = [0, 1280], sizes = [1, 64], strides = [1, 1]} : vector<1x2048xf32> to vector<1x64xf32>
    %concatenate3A_1028 = tpu.concatenate %slice3A_1026, %slice3A_1027 in 1 : vector<1x64xf32>, vector<1x64xf32> -> vector<1x128xf32>
    %slice3A_1029 = vector.extract_strided_slice %get3A_18 {offsets = [1344, 0], sizes = [64, 1], strides = [1, 1]} : vector<2048x1xf32> to vector<64x1xf32>
    %convert_element_type3A_1030 = arith.truncf %slice3A_1019 : vector<64x64xf32> to vector<64x64xbf16>
    %convert_element_type3A_1031 = arith.truncf %concatenate3A_1022 : vector<128x64xf32> to vector<128x64xbf16>
    %dot_general3A_1032 = arith.constant dense<0.000000e+00> : vector<64x128xf32>
    %dot_general3A_1033 = tpu.matmul %convert_element_type3A_1030, %convert_element_type3A_1031, %dot_general3A_1032 {dimension_numbers = #tpu.dot_dimension_numbers<[1], [1], [0], [0], [0, 0, 1, 0], [], []>, transpose_lhs_hint = false} : vector<64x64xbf16>, vector<128x64xbf16>, vector<64x128xf32> -> vector<64x128xf32>
    %div3A_1034 = arith.constant 8.000000e+00 : f32
    %div3A_1035 = vector.broadcast %div3A_1034 : f32 to vector<64x128xf32>
    %div3A_1036 = arith.divf %dot_general3A_1033, %div3A_1035 : vector<64x128xf32>
    %gt3A_1037 = vector.broadcast %concatenate3A_1028 : vector<1x128xf32> to vector<64x128xf32>
    %gt3A_1038 = vector.broadcast %slice3A_1029 : vector<64x1xf32> to vector<64x128xf32>
    %gt3A_1039 = arith.cmpf ogt, %gt3A_1037, %gt3A_1038 : vector<64x128xf32>
    %jit3A_1040 = arith.constant -1.000000e+09 : f32
    %broadcast_in_dim3A_1041 = vector.broadcast %jit3A_1040 : f32 to vector<64x128xf32>
    %select_n3A_1042 = arith.select %gt3A_1039, %broadcast_in_dim3A_1041, %div3A_1036 : vector<64x128xi1>, vector<64x128xf32>
    %eq3A_1043 = vector.broadcast %concatenate3A_1028 : vector<1x128xf32> to vector<64x128xf32>
    %eq3A_1044 = vector.broadcast %slice3A_1029 : vector<64x1xf32> to vector<64x128xf32>
    %eq3A_1045 = arith.cmpf oeq, %eq3A_1043, %eq3A_1044 : vector<64x128xf32>
    %jit3A_1046 = arith.constant -1.000000e+05 : f32
    %broadcast_in_dim3A_1047 = vector.broadcast %jit3A_1046 : f32 to vector<64x128xf32>
    %select_n3A_1048 = arith.select %eq3A_1045, %broadcast_in_dim3A_1047, %select_n3A_1042 : vector<64x128xi1>, vector<64x128xf32>
    %reduce_max3A_1049 = arith.constant dense<0xFF800000> : vector<64xf32>
    %reduce_max3A_1050 = vector.multi_reduction <maximumf>, %select_n3A_1048, %reduce_max3A_1049 [1] : vector<64x128xf32> to vector<64xf32>
    %max3A_1051 = arith.constant 0xFF800000 : f32
    %max3A_1052 = vector.broadcast %max3A_1051 : f32 to vector<64xf32>
    %max3A_1053 = arith.maximumf %max3A_1052, %reduce_max3A_1050 : vector<64xf32>
    %broadcast_in_dim3A_1054 = vector.shape_cast %max3A_1053 : vector<64xf32> to vector<64x1xf32>
    %sub3A_1055 = vector.broadcast %broadcast_in_dim3A_1054 : vector<64x1xf32> to vector<64x128xf32>
    %sub3A_1056 = arith.subf %select_n3A_1048, %sub3A_1055 : vector<64x128xf32>
    %exp3A_1057 = math.exp %sub3A_1056 : vector<64x128xf32>
    %reduce_sum3A_1058 = arith.constant dense<0.000000e+00> : vector<64xf32>
    %reduce_sum3A_1059 = vector.multi_reduction <add>, %exp3A_1057, %reduce_sum3A_1058 [1] : vector<64x128xf32> to vector<64xf32>
    %broadcast_in_dim3A_1060 = vector.shape_cast %reduce_sum3A_1059 : vector<64xf32> to vector<64x1xf32>
    %div3A_1061 = vector.broadcast %broadcast_in_dim3A_1060 : vector<64x1xf32> to vector<64x128xf32>
    %div3A_1062 = arith.divf %exp3A_1057, %div3A_1061 : vector<64x128xf32>
    %convert_element_type3A_1063 = arith.truncf %div3A_1062 : vector<64x128xf32> to vector<64x128xbf16>
    %convert_element_type3A_1064 = arith.truncf %concatenate3A_1025 : vector<128x64xf32> to vector<128x64xbf16>
    %dot_general3A_1065 = arith.constant dense<0.000000e+00> : vector<64x64xf32>
    %dot_general3A_1066 = tpu.matmul %convert_element_type3A_1063, %convert_element_type3A_1064, %dot_general3A_1065 {dimension_numbers = #tpu.dot_dimension_numbers<[1], [0], [0], [1], [0, 0, 1, 1], [], []>, transpose_lhs_hint = false} : vector<64x128xbf16>, vector<128x64xbf16>, vector<64x64xf32> -> vector<64x64xf32>
    %slice3A_1067 = vector.extract_strided_slice %get3A_3 {offsets = [1408, 0], sizes = [64, 64], strides = [1, 1]} : vector<2048x64xf32> to vector<64x64xf32>
    %slice3A_1068 = vector.extract_strided_slice %div3A_22 {offsets = [1408, 0], sizes = [64, 64], strides = [1, 1]} : vector<2048x64xf32> to vector<64x64xf32>
    %slice3A_1069 = vector.extract_strided_slice %div3A_22 {offsets = [1344, 0], sizes = [64, 64], strides = [1, 1]} : vector<2048x64xf32> to vector<64x64xf32>
    %concatenate3A_1070 = tpu.concatenate %slice3A_1068, %slice3A_1069 in 0 : vector<64x64xf32>, vector<64x64xf32> -> vector<128x64xf32>
    %slice3A_1071 = vector.extract_strided_slice %get3A_8 {offsets = [1408, 0], sizes = [64, 64], strides = [1, 1]} : vector<2048x64xf32> to vector<64x64xf32>
    %slice3A_1072 = vector.extract_strided_slice %get3A_8 {offsets = [1344, 0], sizes = [64, 64], strides = [1, 1]} : vector<2048x64xf32> to vector<64x64xf32>
    %concatenate3A_1073 = tpu.concatenate %slice3A_1071, %slice3A_1072 in 0 : vector<64x64xf32>, vector<64x64xf32> -> vector<128x64xf32>
    %slice3A_1074 = vector.extract_strided_slice %get3A_13 {offsets = [0, 1408], sizes = [1, 64], strides = [1, 1]} : vector<1x2048xf32> to vector<1x64xf32>
    %slice3A_1075 = vector.extract_strided_slice %get3A_13 {offsets = [0, 1344], sizes = [1, 64], strides = [1, 1]} : vector<1x2048xf32> to vector<1x64xf32>
    %concatenate3A_1076 = tpu.concatenate %slice3A_1074, %slice3A_1075 in 1 : vector<1x64xf32>, vector<1x64xf32> -> vector<1x128xf32>
    %slice3A_1077 = vector.extract_strided_slice %get3A_18 {offsets = [1408, 0], sizes = [64, 1], strides = [1, 1]} : vector<2048x1xf32> to vector<64x1xf32>
    %convert_element_type3A_1078 = arith.truncf %slice3A_1067 : vector<64x64xf32> to vector<64x64xbf16>
    %convert_element_type3A_1079 = arith.truncf %concatenate3A_1070 : vector<128x64xf32> to vector<128x64xbf16>
    %dot_general3A_1080 = arith.constant dense<0.000000e+00> : vector<64x128xf32>
    %dot_general3A_1081 = tpu.matmul %convert_element_type3A_1078, %convert_element_type3A_1079, %dot_general3A_1080 {dimension_numbers = #tpu.dot_dimension_numbers<[1], [1], [0], [0], [0, 0, 1, 0], [], []>, transpose_lhs_hint = false} : vector<64x64xbf16>, vector<128x64xbf16>, vector<64x128xf32> -> vector<64x128xf32>
    %div3A_1082 = arith.constant 8.000000e+00 : f32
    %div3A_1083 = vector.broadcast %div3A_1082 : f32 to vector<64x128xf32>
    %div3A_1084 = arith.divf %dot_general3A_1081, %div3A_1083 : vector<64x128xf32>
    %gt3A_1085 = vector.broadcast %concatenate3A_1076 : vector<1x128xf32> to vector<64x128xf32>
    %gt3A_1086 = vector.broadcast %slice3A_1077 : vector<64x1xf32> to vector<64x128xf32>
    %gt3A_1087 = arith.cmpf ogt, %gt3A_1085, %gt3A_1086 : vector<64x128xf32>
    %jit3A_1088 = arith.constant -1.000000e+09 : f32
    %broadcast_in_dim3A_1089 = vector.broadcast %jit3A_1088 : f32 to vector<64x128xf32>
    %select_n3A_1090 = arith.select %gt3A_1087, %broadcast_in_dim3A_1089, %div3A_1084 : vector<64x128xi1>, vector<64x128xf32>
    %eq3A_1091 = vector.broadcast %concatenate3A_1076 : vector<1x128xf32> to vector<64x128xf32>
    %eq3A_1092 = vector.broadcast %slice3A_1077 : vector<64x1xf32> to vector<64x128xf32>
    %eq3A_1093 = arith.cmpf oeq, %eq3A_1091, %eq3A_1092 : vector<64x128xf32>
    %jit3A_1094 = arith.constant -1.000000e+05 : f32
    %broadcast_in_dim3A_1095 = vector.broadcast %jit3A_1094 : f32 to vector<64x128xf32>
    %select_n3A_1096 = arith.select %eq3A_1093, %broadcast_in_dim3A_1095, %select_n3A_1090 : vector<64x128xi1>, vector<64x128xf32>
    %reduce_max3A_1097 = arith.constant dense<0xFF800000> : vector<64xf32>
    %reduce_max3A_1098 = vector.multi_reduction <maximumf>, %select_n3A_1096, %reduce_max3A_1097 [1] : vector<64x128xf32> to vector<64xf32>
    %max3A_1099 = arith.constant 0xFF800000 : f32
    %max3A_1100 = vector.broadcast %max3A_1099 : f32 to vector<64xf32>
    %max3A_1101 = arith.maximumf %max3A_1100, %reduce_max3A_1098 : vector<64xf32>
    %broadcast_in_dim3A_1102 = vector.shape_cast %max3A_1101 : vector<64xf32> to vector<64x1xf32>
    %sub3A_1103 = vector.broadcast %broadcast_in_dim3A_1102 : vector<64x1xf32> to vector<64x128xf32>
    %sub3A_1104 = arith.subf %select_n3A_1096, %sub3A_1103 : vector<64x128xf32>
    %exp3A_1105 = math.exp %sub3A_1104 : vector<64x128xf32>
    %reduce_sum3A_1106 = arith.constant dense<0.000000e+00> : vector<64xf32>
    %reduce_sum3A_1107 = vector.multi_reduction <add>, %exp3A_1105, %reduce_sum3A_1106 [1] : vector<64x128xf32> to vector<64xf32>
    %broadcast_in_dim3A_1108 = vector.shape_cast %reduce_sum3A_1107 : vector<64xf32> to vector<64x1xf32>
    %div3A_1109 = vector.broadcast %broadcast_in_dim3A_1108 : vector<64x1xf32> to vector<64x128xf32>
    %div3A_1110 = arith.divf %exp3A_1105, %div3A_1109 : vector<64x128xf32>
    %convert_element_type3A_1111 = arith.truncf %div3A_1110 : vector<64x128xf32> to vector<64x128xbf16>
    %convert_element_type3A_1112 = arith.truncf %concatenate3A_1073 : vector<128x64xf32> to vector<128x64xbf16>
    %dot_general3A_1113 = arith.constant dense<0.000000e+00> : vector<64x64xf32>
    %dot_general3A_1114 = tpu.matmul %convert_element_type3A_1111, %convert_element_type3A_1112, %dot_general3A_1113 {dimension_numbers = #tpu.dot_dimension_numbers<[1], [0], [0], [1], [0, 0, 1, 1], [], []>, transpose_lhs_hint = false} : vector<64x128xbf16>, vector<128x64xbf16>, vector<64x64xf32> -> vector<64x64xf32>
    %slice3A_1115 = vector.extract_strided_slice %get3A_3 {offsets = [1472, 0], sizes = [64, 64], strides = [1, 1]} : vector<2048x64xf32> to vector<64x64xf32>
    %slice3A_1116 = vector.extract_strided_slice %div3A_22 {offsets = [1472, 0], sizes = [64, 64], strides = [1, 1]} : vector<2048x64xf32> to vector<64x64xf32>
    %slice3A_1117 = vector.extract_strided_slice %div3A_22 {offsets = [1408, 0], sizes = [64, 64], strides = [1, 1]} : vector<2048x64xf32> to vector<64x64xf32>
    %concatenate3A_1118 = tpu.concatenate %slice3A_1116, %slice3A_1117 in 0 : vector<64x64xf32>, vector<64x64xf32> -> vector<128x64xf32>
    %slice3A_1119 = vector.extract_strided_slice %get3A_8 {offsets = [1472, 0], sizes = [64, 64], strides = [1, 1]} : vector<2048x64xf32> to vector<64x64xf32>
    %slice3A_1120 = vector.extract_strided_slice %get3A_8 {offsets = [1408, 0], sizes = [64, 64], strides = [1, 1]} : vector<2048x64xf32> to vector<64x64xf32>
    %concatenate3A_1121 = tpu.concatenate %slice3A_1119, %slice3A_1120 in 0 : vector<64x64xf32>, vector<64x64xf32> -> vector<128x64xf32>
    %slice3A_1122 = vector.extract_strided_slice %get3A_13 {offsets = [0, 1472], sizes = [1, 64], strides = [1, 1]} : vector<1x2048xf32> to vector<1x64xf32>
    %slice3A_1123 = vector.extract_strided_slice %get3A_13 {offsets = [0, 1408], sizes = [1, 64], strides = [1, 1]} : vector<1x2048xf32> to vector<1x64xf32>
    %concatenate3A_1124 = tpu.concatenate %slice3A_1122, %slice3A_1123 in 1 : vector<1x64xf32>, vector<1x64xf32> -> vector<1x128xf32>
    %slice3A_1125 = vector.extract_strided_slice %get3A_18 {offsets = [1472, 0], sizes = [64, 1], strides = [1, 1]} : vector<2048x1xf32> to vector<64x1xf32>
    %convert_element_type3A_1126 = arith.truncf %slice3A_1115 : vector<64x64xf32> to vector<64x64xbf16>
    %convert_element_type3A_1127 = arith.truncf %concatenate3A_1118 : vector<128x64xf32> to vector<128x64xbf16>
    %dot_general3A_1128 = arith.constant dense<0.000000e+00> : vector<64x128xf32>
    %dot_general3A_1129 = tpu.matmul %convert_element_type3A_1126, %convert_element_type3A_1127, %dot_general3A_1128 {dimension_numbers = #tpu.dot_dimension_numbers<[1], [1], [0], [0], [0, 0, 1, 0], [], []>, transpose_lhs_hint = false} : vector<64x64xbf16>, vector<128x64xbf16>, vector<64x128xf32> -> vector<64x128xf32>
    %div3A_1130 = arith.constant 8.000000e+00 : f32
    %div3A_1131 = vector.broadcast %div3A_1130 : f32 to vector<64x128xf32>
    %div3A_1132 = arith.divf %dot_general3A_1129, %div3A_1131 : vector<64x128xf32>
    %gt3A_1133 = vector.broadcast %concatenate3A_1124 : vector<1x128xf32> to vector<64x128xf32>
    %gt3A_1134 = vector.broadcast %slice3A_1125 : vector<64x1xf32> to vector<64x128xf32>
    %gt3A_1135 = arith.cmpf ogt, %gt3A_1133, %gt3A_1134 : vector<64x128xf32>
    %jit3A_1136 = arith.constant -1.000000e+09 : f32
    %broadcast_in_dim3A_1137 = vector.broadcast %jit3A_1136 : f32 to vector<64x128xf32>
    %select_n3A_1138 = arith.select %gt3A_1135, %broadcast_in_dim3A_1137, %div3A_1132 : vector<64x128xi1>, vector<64x128xf32>
    %eq3A_1139 = vector.broadcast %concatenate3A_1124 : vector<1x128xf32> to vector<64x128xf32>
    %eq3A_1140 = vector.broadcast %slice3A_1125 : vector<64x1xf32> to vector<64x128xf32>
    %eq3A_1141 = arith.cmpf oeq, %eq3A_1139, %eq3A_1140 : vector<64x128xf32>
    %jit3A_1142 = arith.constant -1.000000e+05 : f32
    %broadcast_in_dim3A_1143 = vector.broadcast %jit3A_1142 : f32 to vector<64x128xf32>
    %select_n3A_1144 = arith.select %eq3A_1141, %broadcast_in_dim3A_1143, %select_n3A_1138 : vector<64x128xi1>, vector<64x128xf32>
    %reduce_max3A_1145 = arith.constant dense<0xFF800000> : vector<64xf32>
    %reduce_max3A_1146 = vector.multi_reduction <maximumf>, %select_n3A_1144, %reduce_max3A_1145 [1] : vector<64x128xf32> to vector<64xf32>
    %max3A_1147 = arith.constant 0xFF800000 : f32
    %max3A_1148 = vector.broadcast %max3A_1147 : f32 to vector<64xf32>
    %max3A_1149 = arith.maximumf %max3A_1148, %reduce_max3A_1146 : vector<64xf32>
    %broadcast_in_dim3A_1150 = vector.shape_cast %max3A_1149 : vector<64xf32> to vector<64x1xf32>
    %sub3A_1151 = vector.broadcast %broadcast_in_dim3A_1150 : vector<64x1xf32> to vector<64x128xf32>
    %sub3A_1152 = arith.subf %select_n3A_1144, %sub3A_1151 : vector<64x128xf32>
    %exp3A_1153 = math.exp %sub3A_1152 : vector<64x128xf32>
    %reduce_sum3A_1154 = arith.constant dense<0.000000e+00> : vector<64xf32>
    %reduce_sum3A_1155 = vector.multi_reduction <add>, %exp3A_1153, %reduce_sum3A_1154 [1] : vector<64x128xf32> to vector<64xf32>
    %broadcast_in_dim3A_1156 = vector.shape_cast %reduce_sum3A_1155 : vector<64xf32> to vector<64x1xf32>
    %div3A_1157 = vector.broadcast %broadcast_in_dim3A_1156 : vector<64x1xf32> to vector<64x128xf32>
    %div3A_1158 = arith.divf %exp3A_1153, %div3A_1157 : vector<64x128xf32>
    %convert_element_type3A_1159 = arith.truncf %div3A_1158 : vector<64x128xf32> to vector<64x128xbf16>
    %convert_element_type3A_1160 = arith.truncf %concatenate3A_1121 : vector<128x64xf32> to vector<128x64xbf16>
    %dot_general3A_1161 = arith.constant dense<0.000000e+00> : vector<64x64xf32>
    %dot_general3A_1162 = tpu.matmul %convert_element_type3A_1159, %convert_element_type3A_1160, %dot_general3A_1161 {dimension_numbers = #tpu.dot_dimension_numbers<[1], [0], [0], [1], [0, 0, 1, 1], [], []>, transpose_lhs_hint = false} : vector<64x128xbf16>, vector<128x64xbf16>, vector<64x64xf32> -> vector<64x64xf32>
    %slice3A_1163 = vector.extract_strided_slice %get3A_3 {offsets = [1536, 0], sizes = [64, 64], strides = [1, 1]} : vector<2048x64xf32> to vector<64x64xf32>
    %slice3A_1164 = vector.extract_strided_slice %div3A_22 {offsets = [1536, 0], sizes = [64, 64], strides = [1, 1]} : vector<2048x64xf32> to vector<64x64xf32>
    %slice3A_1165 = vector.extract_strided_slice %div3A_22 {offsets = [1472, 0], sizes = [64, 64], strides = [1, 1]} : vector<2048x64xf32> to vector<64x64xf32>
    %concatenate3A_1166 = tpu.concatenate %slice3A_1164, %slice3A_1165 in 0 : vector<64x64xf32>, vector<64x64xf32> -> vector<128x64xf32>
    %slice3A_1167 = vector.extract_strided_slice %get3A_8 {offsets = [1536, 0], sizes = [64, 64], strides = [1, 1]} : vector<2048x64xf32> to vector<64x64xf32>
    %slice3A_1168 = vector.extract_strided_slice %get3A_8 {offsets = [1472, 0], sizes = [64, 64], strides = [1, 1]} : vector<2048x64xf32> to vector<64x64xf32>
    %concatenate3A_1169 = tpu.concatenate %slice3A_1167, %slice3A_1168 in 0 : vector<64x64xf32>, vector<64x64xf32> -> vector<128x64xf32>
    %slice3A_1170 = vector.extract_strided_slice %get3A_13 {offsets = [0, 1536], sizes = [1, 64], strides = [1, 1]} : vector<1x2048xf32> to vector<1x64xf32>
    %slice3A_1171 = vector.extract_strided_slice %get3A_13 {offsets = [0, 1472], sizes = [1, 64], strides = [1, 1]} : vector<1x2048xf32> to vector<1x64xf32>
    %concatenate3A_1172 = tpu.concatenate %slice3A_1170, %slice3A_1171 in 1 : vector<1x64xf32>, vector<1x64xf32> -> vector<1x128xf32>
    %slice3A_1173 = vector.extract_strided_slice %get3A_18 {offsets = [1536, 0], sizes = [64, 1], strides = [1, 1]} : vector<2048x1xf32> to vector<64x1xf32>
    %convert_element_type3A_1174 = arith.truncf %slice3A_1163 : vector<64x64xf32> to vector<64x64xbf16>
    %convert_element_type3A_1175 = arith.truncf %concatenate3A_1166 : vector<128x64xf32> to vector<128x64xbf16>
    %dot_general3A_1176 = arith.constant dense<0.000000e+00> : vector<64x128xf32>
    %dot_general3A_1177 = tpu.matmul %convert_element_type3A_1174, %convert_element_type3A_1175, %dot_general3A_1176 {dimension_numbers = #tpu.dot_dimension_numbers<[1], [1], [0], [0], [0, 0, 1, 0], [], []>, transpose_lhs_hint = false} : vector<64x64xbf16>, vector<128x64xbf16>, vector<64x128xf32> -> vector<64x128xf32>
    %div3A_1178 = arith.constant 8.000000e+00 : f32
    %div3A_1179 = vector.broadcast %div3A_1178 : f32 to vector<64x128xf32>
    %div3A_1180 = arith.divf %dot_general3A_1177, %div3A_1179 : vector<64x128xf32>
    %gt3A_1181 = vector.broadcast %concatenate3A_1172 : vector<1x128xf32> to vector<64x128xf32>
    %gt3A_1182 = vector.broadcast %slice3A_1173 : vector<64x1xf32> to vector<64x128xf32>
    %gt3A_1183 = arith.cmpf ogt, %gt3A_1181, %gt3A_1182 : vector<64x128xf32>
    %jit3A_1184 = arith.constant -1.000000e+09 : f32
    %broadcast_in_dim3A_1185 = vector.broadcast %jit3A_1184 : f32 to vector<64x128xf32>
    %select_n3A_1186 = arith.select %gt3A_1183, %broadcast_in_dim3A_1185, %div3A_1180 : vector<64x128xi1>, vector<64x128xf32>
    %eq3A_1187 = vector.broadcast %concatenate3A_1172 : vector<1x128xf32> to vector<64x128xf32>
    %eq3A_1188 = vector.broadcast %slice3A_1173 : vector<64x1xf32> to vector<64x128xf32>
    %eq3A_1189 = arith.cmpf oeq, %eq3A_1187, %eq3A_1188 : vector<64x128xf32>
    %jit3A_1190 = arith.constant -1.000000e+05 : f32
    %broadcast_in_dim3A_1191 = vector.broadcast %jit3A_1190 : f32 to vector<64x128xf32>
    %select_n3A_1192 = arith.select %eq3A_1189, %broadcast_in_dim3A_1191, %select_n3A_1186 : vector<64x128xi1>, vector<64x128xf32>
    %reduce_max3A_1193 = arith.constant dense<0xFF800000> : vector<64xf32>
    %reduce_max3A_1194 = vector.multi_reduction <maximumf>, %select_n3A_1192, %reduce_max3A_1193 [1] : vector<64x128xf32> to vector<64xf32>
    %max3A_1195 = arith.constant 0xFF800000 : f32
    %max3A_1196 = vector.broadcast %max3A_1195 : f32 to vector<64xf32>
    %max3A_1197 = arith.maximumf %max3A_1196, %reduce_max3A_1194 : vector<64xf32>
    %broadcast_in_dim3A_1198 = vector.shape_cast %max3A_1197 : vector<64xf32> to vector<64x1xf32>
    %sub3A_1199 = vector.broadcast %broadcast_in_dim3A_1198 : vector<64x1xf32> to vector<64x128xf32>
    %sub3A_1200 = arith.subf %select_n3A_1192, %sub3A_1199 : vector<64x128xf32>
    %exp3A_1201 = math.exp %sub3A_1200 : vector<64x128xf32>
    %reduce_sum3A_1202 = arith.constant dense<0.000000e+00> : vector<64xf32>
    %reduce_sum3A_1203 = vector.multi_reduction <add>, %exp3A_1201, %reduce_sum3A_1202 [1] : vector<64x128xf32> to vector<64xf32>
    %broadcast_in_dim3A_1204 = vector.shape_cast %reduce_sum3A_1203 : vector<64xf32> to vector<64x1xf32>
    %div3A_1205 = vector.broadcast %broadcast_in_dim3A_1204 : vector<64x1xf32> to vector<64x128xf32>
    %div3A_1206 = arith.divf %exp3A_1201, %div3A_1205 : vector<64x128xf32>
    %convert_element_type3A_1207 = arith.truncf %div3A_1206 : vector<64x128xf32> to vector<64x128xbf16>
    %convert_element_type3A_1208 = arith.truncf %concatenate3A_1169 : vector<128x64xf32> to vector<128x64xbf16>
    %dot_general3A_1209 = arith.constant dense<0.000000e+00> : vector<64x64xf32>
    %dot_general3A_1210 = tpu.matmul %convert_element_type3A_1207, %convert_element_type3A_1208, %dot_general3A_1209 {dimension_numbers = #tpu.dot_dimension_numbers<[1], [0], [0], [1], [0, 0, 1, 1], [], []>, transpose_lhs_hint = false} : vector<64x128xbf16>, vector<128x64xbf16>, vector<64x64xf32> -> vector<64x64xf32>
    %slice3A_1211 = vector.extract_strided_slice %get3A_3 {offsets = [1600, 0], sizes = [64, 64], strides = [1, 1]} : vector<2048x64xf32> to vector<64x64xf32>
    %slice3A_1212 = vector.extract_strided_slice %div3A_22 {offsets = [1600, 0], sizes = [64, 64], strides = [1, 1]} : vector<2048x64xf32> to vector<64x64xf32>
    %slice3A_1213 = vector.extract_strided_slice %div3A_22 {offsets = [1536, 0], sizes = [64, 64], strides = [1, 1]} : vector<2048x64xf32> to vector<64x64xf32>
    %concatenate3A_1214 = tpu.concatenate %slice3A_1212, %slice3A_1213 in 0 : vector<64x64xf32>, vector<64x64xf32> -> vector<128x64xf32>
    %slice3A_1215 = vector.extract_strided_slice %get3A_8 {offsets = [1600, 0], sizes = [64, 64], strides = [1, 1]} : vector<2048x64xf32> to vector<64x64xf32>
    %slice3A_1216 = vector.extract_strided_slice %get3A_8 {offsets = [1536, 0], sizes = [64, 64], strides = [1, 1]} : vector<2048x64xf32> to vector<64x64xf32>
    %concatenate3A_1217 = tpu.concatenate %slice3A_1215, %slice3A_1216 in 0 : vector<64x64xf32>, vector<64x64xf32> -> vector<128x64xf32>
    %slice3A_1218 = vector.extract_strided_slice %get3A_13 {offsets = [0, 1600], sizes = [1, 64], strides = [1, 1]} : vector<1x2048xf32> to vector<1x64xf32>
    %slice3A_1219 = vector.extract_strided_slice %get3A_13 {offsets = [0, 1536], sizes = [1, 64], strides = [1, 1]} : vector<1x2048xf32> to vector<1x64xf32>
    %concatenate3A_1220 = tpu.concatenate %slice3A_1218, %slice3A_1219 in 1 : vector<1x64xf32>, vector<1x64xf32> -> vector<1x128xf32>
    %slice3A_1221 = vector.extract_strided_slice %get3A_18 {offsets = [1600, 0], sizes = [64, 1], strides = [1, 1]} : vector<2048x1xf32> to vector<64x1xf32>
    %convert_element_type3A_1222 = arith.truncf %slice3A_1211 : vector<64x64xf32> to vector<64x64xbf16>
    %convert_element_type3A_1223 = arith.truncf %concatenate3A_1214 : vector<128x64xf32> to vector<128x64xbf16>
    %dot_general3A_1224 = arith.constant dense<0.000000e+00> : vector<64x128xf32>
    %dot_general3A_1225 = tpu.matmul %convert_element_type3A_1222, %convert_element_type3A_1223, %dot_general3A_1224 {dimension_numbers = #tpu.dot_dimension_numbers<[1], [1], [0], [0], [0, 0, 1, 0], [], []>, transpose_lhs_hint = false} : vector<64x64xbf16>, vector<128x64xbf16>, vector<64x128xf32> -> vector<64x128xf32>
    %div3A_1226 = arith.constant 8.000000e+00 : f32
    %div3A_1227 = vector.broadcast %div3A_1226 : f32 to vector<64x128xf32>
    %div3A_1228 = arith.divf %dot_general3A_1225, %div3A_1227 : vector<64x128xf32>
    %gt3A_1229 = vector.broadcast %concatenate3A_1220 : vector<1x128xf32> to vector<64x128xf32>
    %gt3A_1230 = vector.broadcast %slice3A_1221 : vector<64x1xf32> to vector<64x128xf32>
    %gt3A_1231 = arith.cmpf ogt, %gt3A_1229, %gt3A_1230 : vector<64x128xf32>
    %jit3A_1232 = arith.constant -1.000000e+09 : f32
    %broadcast_in_dim3A_1233 = vector.broadcast %jit3A_1232 : f32 to vector<64x128xf32>
    %select_n3A_1234 = arith.select %gt3A_1231, %broadcast_in_dim3A_1233, %div3A_1228 : vector<64x128xi1>, vector<64x128xf32>
    %eq3A_1235 = vector.broadcast %concatenate3A_1220 : vector<1x128xf32> to vector<64x128xf32>
    %eq3A_1236 = vector.broadcast %slice3A_1221 : vector<64x1xf32> to vector<64x128xf32>
    %eq3A_1237 = arith.cmpf oeq, %eq3A_1235, %eq3A_1236 : vector<64x128xf32>
    %jit3A_1238 = arith.constant -1.000000e+05 : f32
    %broadcast_in_dim3A_1239 = vector.broadcast %jit3A_1238 : f32 to vector<64x128xf32>
    %select_n3A_1240 = arith.select %eq3A_1237, %broadcast_in_dim3A_1239, %select_n3A_1234 : vector<64x128xi1>, vector<64x128xf32>
    %reduce_max3A_1241 = arith.constant dense<0xFF800000> : vector<64xf32>
    %reduce_max3A_1242 = vector.multi_reduction <maximumf>, %select_n3A_1240, %reduce_max3A_1241 [1] : vector<64x128xf32> to vector<64xf32>
    %max3A_1243 = arith.constant 0xFF800000 : f32
    %max3A_1244 = vector.broadcast %max3A_1243 : f32 to vector<64xf32>
    %max3A_1245 = arith.maximumf %max3A_1244, %reduce_max3A_1242 : vector<64xf32>
    %broadcast_in_dim3A_1246 = vector.shape_cast %max3A_1245 : vector<64xf32> to vector<64x1xf32>
    %sub3A_1247 = vector.broadcast %broadcast_in_dim3A_1246 : vector<64x1xf32> to vector<64x128xf32>
    %sub3A_1248 = arith.subf %select_n3A_1240, %sub3A_1247 : vector<64x128xf32>
    %exp3A_1249 = math.exp %sub3A_1248 : vector<64x128xf32>
    %reduce_sum3A_1250 = arith.constant dense<0.000000e+00> : vector<64xf32>
    %reduce_sum3A_1251 = vector.multi_reduction <add>, %exp3A_1249, %reduce_sum3A_1250 [1] : vector<64x128xf32> to vector<64xf32>
    %broadcast_in_dim3A_1252 = vector.shape_cast %reduce_sum3A_1251 : vector<64xf32> to vector<64x1xf32>
    %div3A_1253 = vector.broadcast %broadcast_in_dim3A_1252 : vector<64x1xf32> to vector<64x128xf32>
    %div3A_1254 = arith.divf %exp3A_1249, %div3A_1253 : vector<64x128xf32>
    %convert_element_type3A_1255 = arith.truncf %div3A_1254 : vector<64x128xf32> to vector<64x128xbf16>
    %convert_element_type3A_1256 = arith.truncf %concatenate3A_1217 : vector<128x64xf32> to vector<128x64xbf16>
    %dot_general3A_1257 = arith.constant dense<0.000000e+00> : vector<64x64xf32>
    %dot_general3A_1258 = tpu.matmul %convert_element_type3A_1255, %convert_element_type3A_1256, %dot_general3A_1257 {dimension_numbers = #tpu.dot_dimension_numbers<[1], [0], [0], [1], [0, 0, 1, 1], [], []>, transpose_lhs_hint = false} : vector<64x128xbf16>, vector<128x64xbf16>, vector<64x64xf32> -> vector<64x64xf32>
    %slice3A_1259 = vector.extract_strided_slice %get3A_3 {offsets = [1664, 0], sizes = [64, 64], strides = [1, 1]} : vector<2048x64xf32> to vector<64x64xf32>
    %slice3A_1260 = vector.extract_strided_slice %div3A_22 {offsets = [1664, 0], sizes = [64, 64], strides = [1, 1]} : vector<2048x64xf32> to vector<64x64xf32>
    %slice3A_1261 = vector.extract_strided_slice %div3A_22 {offsets = [1600, 0], sizes = [64, 64], strides = [1, 1]} : vector<2048x64xf32> to vector<64x64xf32>
    %concatenate3A_1262 = tpu.concatenate %slice3A_1260, %slice3A_1261 in 0 : vector<64x64xf32>, vector<64x64xf32> -> vector<128x64xf32>
    %slice3A_1263 = vector.extract_strided_slice %get3A_8 {offsets = [1664, 0], sizes = [64, 64], strides = [1, 1]} : vector<2048x64xf32> to vector<64x64xf32>
    %slice3A_1264 = vector.extract_strided_slice %get3A_8 {offsets = [1600, 0], sizes = [64, 64], strides = [1, 1]} : vector<2048x64xf32> to vector<64x64xf32>
    %concatenate3A_1265 = tpu.concatenate %slice3A_1263, %slice3A_1264 in 0 : vector<64x64xf32>, vector<64x64xf32> -> vector<128x64xf32>
    %slice3A_1266 = vector.extract_strided_slice %get3A_13 {offsets = [0, 1664], sizes = [1, 64], strides = [1, 1]} : vector<1x2048xf32> to vector<1x64xf32>
    %slice3A_1267 = vector.extract_strided_slice %get3A_13 {offsets = [0, 1600], sizes = [1, 64], strides = [1, 1]} : vector<1x2048xf32> to vector<1x64xf32>
    %concatenate3A_1268 = tpu.concatenate %slice3A_1266, %slice3A_1267 in 1 : vector<1x64xf32>, vector<1x64xf32> -> vector<1x128xf32>
    %slice3A_1269 = vector.extract_strided_slice %get3A_18 {offsets = [1664, 0], sizes = [64, 1], strides = [1, 1]} : vector<2048x1xf32> to vector<64x1xf32>
    %convert_element_type3A_1270 = arith.truncf %slice3A_1259 : vector<64x64xf32> to vector<64x64xbf16>
    %convert_element_type3A_1271 = arith.truncf %concatenate3A_1262 : vector<128x64xf32> to vector<128x64xbf16>
    %dot_general3A_1272 = arith.constant dense<0.000000e+00> : vector<64x128xf32>
    %dot_general3A_1273 = tpu.matmul %convert_element_type3A_1270, %convert_element_type3A_1271, %dot_general3A_1272 {dimension_numbers = #tpu.dot_dimension_numbers<[1], [1], [0], [0], [0, 0, 1, 0], [], []>, transpose_lhs_hint = false} : vector<64x64xbf16>, vector<128x64xbf16>, vector<64x128xf32> -> vector<64x128xf32>
    %div3A_1274 = arith.constant 8.000000e+00 : f32
    %div3A_1275 = vector.broadcast %div3A_1274 : f32 to vector<64x128xf32>
    %div3A_1276 = arith.divf %dot_general3A_1273, %div3A_1275 : vector<64x128xf32>
    %gt3A_1277 = vector.broadcast %concatenate3A_1268 : vector<1x128xf32> to vector<64x128xf32>
    %gt3A_1278 = vector.broadcast %slice3A_1269 : vector<64x1xf32> to vector<64x128xf32>
    %gt3A_1279 = arith.cmpf ogt, %gt3A_1277, %gt3A_1278 : vector<64x128xf32>
    %jit3A_1280 = arith.constant -1.000000e+09 : f32
    %broadcast_in_dim3A_1281 = vector.broadcast %jit3A_1280 : f32 to vector<64x128xf32>
    %select_n3A_1282 = arith.select %gt3A_1279, %broadcast_in_dim3A_1281, %div3A_1276 : vector<64x128xi1>, vector<64x128xf32>
    %eq3A_1283 = vector.broadcast %concatenate3A_1268 : vector<1x128xf32> to vector<64x128xf32>
    %eq3A_1284 = vector.broadcast %slice3A_1269 : vector<64x1xf32> to vector<64x128xf32>
    %eq3A_1285 = arith.cmpf oeq, %eq3A_1283, %eq3A_1284 : vector<64x128xf32>
    %jit3A_1286 = arith.constant -1.000000e+05 : f32
    %broadcast_in_dim3A_1287 = vector.broadcast %jit3A_1286 : f32 to vector<64x128xf32>
    %select_n3A_1288 = arith.select %eq3A_1285, %broadcast_in_dim3A_1287, %select_n3A_1282 : vector<64x128xi1>, vector<64x128xf32>
    %reduce_max3A_1289 = arith.constant dense<0xFF800000> : vector<64xf32>
    %reduce_max3A_1290 = vector.multi_reduction <maximumf>, %select_n3A_1288, %reduce_max3A_1289 [1] : vector<64x128xf32> to vector<64xf32>
    %max3A_1291 = arith.constant 0xFF800000 : f32
    %max3A_1292 = vector.broadcast %max3A_1291 : f32 to vector<64xf32>
    %max3A_1293 = arith.maximumf %max3A_1292, %reduce_max3A_1290 : vector<64xf32>
    %broadcast_in_dim3A_1294 = vector.shape_cast %max3A_1293 : vector<64xf32> to vector<64x1xf32>
    %sub3A_1295 = vector.broadcast %broadcast_in_dim3A_1294 : vector<64x1xf32> to vector<64x128xf32>
    %sub3A_1296 = arith.subf %select_n3A_1288, %sub3A_1295 : vector<64x128xf32>
    %exp3A_1297 = math.exp %sub3A_1296 : vector<64x128xf32>
    %reduce_sum3A_1298 = arith.constant dense<0.000000e+00> : vector<64xf32>
    %reduce_sum3A_1299 = vector.multi_reduction <add>, %exp3A_1297, %reduce_sum3A_1298 [1] : vector<64x128xf32> to vector<64xf32>
    %broadcast_in_dim3A_1300 = vector.shape_cast %reduce_sum3A_1299 : vector<64xf32> to vector<64x1xf32>
    %div3A_1301 = vector.broadcast %broadcast_in_dim3A_1300 : vector<64x1xf32> to vector<64x128xf32>
    %div3A_1302 = arith.divf %exp3A_1297, %div3A_1301 : vector<64x128xf32>
    %convert_element_type3A_1303 = arith.truncf %div3A_1302 : vector<64x128xf32> to vector<64x128xbf16>
    %convert_element_type3A_1304 = arith.truncf %concatenate3A_1265 : vector<128x64xf32> to vector<128x64xbf16>
    %dot_general3A_1305 = arith.constant dense<0.000000e+00> : vector<64x64xf32>
    %dot_general3A_1306 = tpu.matmul %convert_element_type3A_1303, %convert_element_type3A_1304, %dot_general3A_1305 {dimension_numbers = #tpu.dot_dimension_numbers<[1], [0], [0], [1], [0, 0, 1, 1], [], []>, transpose_lhs_hint = false} : vector<64x128xbf16>, vector<128x64xbf16>, vector<64x64xf32> -> vector<64x64xf32>
    %slice3A_1307 = vector.extract_strided_slice %get3A_3 {offsets = [1728, 0], sizes = [64, 64], strides = [1, 1]} : vector<2048x64xf32> to vector<64x64xf32>
    %slice3A_1308 = vector.extract_strided_slice %div3A_22 {offsets = [1728, 0], sizes = [64, 64], strides = [1, 1]} : vector<2048x64xf32> to vector<64x64xf32>
    %slice3A_1309 = vector.extract_strided_slice %div3A_22 {offsets = [1664, 0], sizes = [64, 64], strides = [1, 1]} : vector<2048x64xf32> to vector<64x64xf32>
    %concatenate3A_1310 = tpu.concatenate %slice3A_1308, %slice3A_1309 in 0 : vector<64x64xf32>, vector<64x64xf32> -> vector<128x64xf32>
    %slice3A_1311 = vector.extract_strided_slice %get3A_8 {offsets = [1728, 0], sizes = [64, 64], strides = [1, 1]} : vector<2048x64xf32> to vector<64x64xf32>
    %slice3A_1312 = vector.extract_strided_slice %get3A_8 {offsets = [1664, 0], sizes = [64, 64], strides = [1, 1]} : vector<2048x64xf32> to vector<64x64xf32>
    %concatenate3A_1313 = tpu.concatenate %slice3A_1311, %slice3A_1312 in 0 : vector<64x64xf32>, vector<64x64xf32> -> vector<128x64xf32>
    %slice3A_1314 = vector.extract_strided_slice %get3A_13 {offsets = [0, 1728], sizes = [1, 64], strides = [1, 1]} : vector<1x2048xf32> to vector<1x64xf32>
    %slice3A_1315 = vector.extract_strided_slice %get3A_13 {offsets = [0, 1664], sizes = [1, 64], strides = [1, 1]} : vector<1x2048xf32> to vector<1x64xf32>
    %concatenate3A_1316 = tpu.concatenate %slice3A_1314, %slice3A_1315 in 1 : vector<1x64xf32>, vector<1x64xf32> -> vector<1x128xf32>
    %slice3A_1317 = vector.extract_strided_slice %get3A_18 {offsets = [1728, 0], sizes = [64, 1], strides = [1, 1]} : vector<2048x1xf32> to vector<64x1xf32>
    %convert_element_type3A_1318 = arith.truncf %slice3A_1307 : vector<64x64xf32> to vector<64x64xbf16>
    %convert_element_type3A_1319 = arith.truncf %concatenate3A_1310 : vector<128x64xf32> to vector<128x64xbf16>
    %dot_general3A_1320 = arith.constant dense<0.000000e+00> : vector<64x128xf32>
    %dot_general3A_1321 = tpu.matmul %convert_element_type3A_1318, %convert_element_type3A_1319, %dot_general3A_1320 {dimension_numbers = #tpu.dot_dimension_numbers<[1], [1], [0], [0], [0, 0, 1, 0], [], []>, transpose_lhs_hint = false} : vector<64x64xbf16>, vector<128x64xbf16>, vector<64x128xf32> -> vector<64x128xf32>
    %div3A_1322 = arith.constant 8.000000e+00 : f32
    %div3A_1323 = vector.broadcast %div3A_1322 : f32 to vector<64x128xf32>
    %div3A_1324 = arith.divf %dot_general3A_1321, %div3A_1323 : vector<64x128xf32>
    %gt3A_1325 = vector.broadcast %concatenate3A_1316 : vector<1x128xf32> to vector<64x128xf32>
    %gt3A_1326 = vector.broadcast %slice3A_1317 : vector<64x1xf32> to vector<64x128xf32>
    %gt3A_1327 = arith.cmpf ogt, %gt3A_1325, %gt3A_1326 : vector<64x128xf32>
    %jit3A_1328 = arith.constant -1.000000e+09 : f32
    %broadcast_in_dim3A_1329 = vector.broadcast %jit3A_1328 : f32 to vector<64x128xf32>
    %select_n3A_1330 = arith.select %gt3A_1327, %broadcast_in_dim3A_1329, %div3A_1324 : vector<64x128xi1>, vector<64x128xf32>
    %eq3A_1331 = vector.broadcast %concatenate3A_1316 : vector<1x128xf32> to vector<64x128xf32>
    %eq3A_1332 = vector.broadcast %slice3A_1317 : vector<64x1xf32> to vector<64x128xf32>
    %eq3A_1333 = arith.cmpf oeq, %eq3A_1331, %eq3A_1332 : vector<64x128xf32>
    %jit3A_1334 = arith.constant -1.000000e+05 : f32
    %broadcast_in_dim3A_1335 = vector.broadcast %jit3A_1334 : f32 to vector<64x128xf32>
    %select_n3A_1336 = arith.select %eq3A_1333, %broadcast_in_dim3A_1335, %select_n3A_1330 : vector<64x128xi1>, vector<64x128xf32>
    %reduce_max3A_1337 = arith.constant dense<0xFF800000> : vector<64xf32>
    %reduce_max3A_1338 = vector.multi_reduction <maximumf>, %select_n3A_1336, %reduce_max3A_1337 [1] : vector<64x128xf32> to vector<64xf32>
    %max3A_1339 = arith.constant 0xFF800000 : f32
    %max3A_1340 = vector.broadcast %max3A_1339 : f32 to vector<64xf32>
    %max3A_1341 = arith.maximumf %max3A_1340, %reduce_max3A_1338 : vector<64xf32>
    %broadcast_in_dim3A_1342 = vector.shape_cast %max3A_1341 : vector<64xf32> to vector<64x1xf32>
    %sub3A_1343 = vector.broadcast %broadcast_in_dim3A_1342 : vector<64x1xf32> to vector<64x128xf32>
    %sub3A_1344 = arith.subf %select_n3A_1336, %sub3A_1343 : vector<64x128xf32>
    %exp3A_1345 = math.exp %sub3A_1344 : vector<64x128xf32>
    %reduce_sum3A_1346 = arith.constant dense<0.000000e+00> : vector<64xf32>
    %reduce_sum3A_1347 = vector.multi_reduction <add>, %exp3A_1345, %reduce_sum3A_1346 [1] : vector<64x128xf32> to vector<64xf32>
    %broadcast_in_dim3A_1348 = vector.shape_cast %reduce_sum3A_1347 : vector<64xf32> to vector<64x1xf32>
    %div3A_1349 = vector.broadcast %broadcast_in_dim3A_1348 : vector<64x1xf32> to vector<64x128xf32>
    %div3A_1350 = arith.divf %exp3A_1345, %div3A_1349 : vector<64x128xf32>
    %convert_element_type3A_1351 = arith.truncf %div3A_1350 : vector<64x128xf32> to vector<64x128xbf16>
    %convert_element_type3A_1352 = arith.truncf %concatenate3A_1313 : vector<128x64xf32> to vector<128x64xbf16>
    %dot_general3A_1353 = arith.constant dense<0.000000e+00> : vector<64x64xf32>
    %dot_general3A_1354 = tpu.matmul %convert_element_type3A_1351, %convert_element_type3A_1352, %dot_general3A_1353 {dimension_numbers = #tpu.dot_dimension_numbers<[1], [0], [0], [1], [0, 0, 1, 1], [], []>, transpose_lhs_hint = false} : vector<64x128xbf16>, vector<128x64xbf16>, vector<64x64xf32> -> vector<64x64xf32>
    %slice3A_1355 = vector.extract_strided_slice %get3A_3 {offsets = [1792, 0], sizes = [64, 64], strides = [1, 1]} : vector<2048x64xf32> to vector<64x64xf32>
    %slice3A_1356 = vector.extract_strided_slice %div3A_22 {offsets = [1792, 0], sizes = [64, 64], strides = [1, 1]} : vector<2048x64xf32> to vector<64x64xf32>
    %slice3A_1357 = vector.extract_strided_slice %div3A_22 {offsets = [1728, 0], sizes = [64, 64], strides = [1, 1]} : vector<2048x64xf32> to vector<64x64xf32>
    %concatenate3A_1358 = tpu.concatenate %slice3A_1356, %slice3A_1357 in 0 : vector<64x64xf32>, vector<64x64xf32> -> vector<128x64xf32>
    %slice3A_1359 = vector.extract_strided_slice %get3A_8 {offsets = [1792, 0], sizes = [64, 64], strides = [1, 1]} : vector<2048x64xf32> to vector<64x64xf32>
    %slice3A_1360 = vector.extract_strided_slice %get3A_8 {offsets = [1728, 0], sizes = [64, 64], strides = [1, 1]} : vector<2048x64xf32> to vector<64x64xf32>
    %concatenate3A_1361 = tpu.concatenate %slice3A_1359, %slice3A_1360 in 0 : vector<64x64xf32>, vector<64x64xf32> -> vector<128x64xf32>
    %slice3A_1362 = vector.extract_strided_slice %get3A_13 {offsets = [0, 1792], sizes = [1, 64], strides = [1, 1]} : vector<1x2048xf32> to vector<1x64xf32>
    %slice3A_1363 = vector.extract_strided_slice %get3A_13 {offsets = [0, 1728], sizes = [1, 64], strides = [1, 1]} : vector<1x2048xf32> to vector<1x64xf32>
    %concatenate3A_1364 = tpu.concatenate %slice3A_1362, %slice3A_1363 in 1 : vector<1x64xf32>, vector<1x64xf32> -> vector<1x128xf32>
    %slice3A_1365 = vector.extract_strided_slice %get3A_18 {offsets = [1792, 0], sizes = [64, 1], strides = [1, 1]} : vector<2048x1xf32> to vector<64x1xf32>
    %convert_element_type3A_1366 = arith.truncf %slice3A_1355 : vector<64x64xf32> to vector<64x64xbf16>
    %convert_element_type3A_1367 = arith.truncf %concatenate3A_1358 : vector<128x64xf32> to vector<128x64xbf16>
    %dot_general3A_1368 = arith.constant dense<0.000000e+00> : vector<64x128xf32>
    %dot_general3A_1369 = tpu.matmul %convert_element_type3A_1366, %convert_element_type3A_1367, %dot_general3A_1368 {dimension_numbers = #tpu.dot_dimension_numbers<[1], [1], [0], [0], [0, 0, 1, 0], [], []>, transpose_lhs_hint = false} : vector<64x64xbf16>, vector<128x64xbf16>, vector<64x128xf32> -> vector<64x128xf32>
    %div3A_1370 = arith.constant 8.000000e+00 : f32
    %div3A_1371 = vector.broadcast %div3A_1370 : f32 to vector<64x128xf32>
    %div3A_1372 = arith.divf %dot_general3A_1369, %div3A_1371 : vector<64x128xf32>
    %gt3A_1373 = vector.broadcast %concatenate3A_1364 : vector<1x128xf32> to vector<64x128xf32>
    %gt3A_1374 = vector.broadcast %slice3A_1365 : vector<64x1xf32> to vector<64x128xf32>
    %gt3A_1375 = arith.cmpf ogt, %gt3A_1373, %gt3A_1374 : vector<64x128xf32>
    %jit3A_1376 = arith.constant -1.000000e+09 : f32
    %broadcast_in_dim3A_1377 = vector.broadcast %jit3A_1376 : f32 to vector<64x128xf32>
    %select_n3A_1378 = arith.select %gt3A_1375, %broadcast_in_dim3A_1377, %div3A_1372 : vector<64x128xi1>, vector<64x128xf32>
    %eq3A_1379 = vector.broadcast %concatenate3A_1364 : vector<1x128xf32> to vector<64x128xf32>
    %eq3A_1380 = vector.broadcast %slice3A_1365 : vector<64x1xf32> to vector<64x128xf32>
    %eq3A_1381 = arith.cmpf oeq, %eq3A_1379, %eq3A_1380 : vector<64x128xf32>
    %jit3A_1382 = arith.constant -1.000000e+05 : f32
    %broadcast_in_dim3A_1383 = vector.broadcast %jit3A_1382 : f32 to vector<64x128xf32>
    %select_n3A_1384 = arith.select %eq3A_1381, %broadcast_in_dim3A_1383, %select_n3A_1378 : vector<64x128xi1>, vector<64x128xf32>
    %reduce_max3A_1385 = arith.constant dense<0xFF800000> : vector<64xf32>
    %reduce_max3A_1386 = vector.multi_reduction <maximumf>, %select_n3A_1384, %reduce_max3A_1385 [1] : vector<64x128xf32> to vector<64xf32>
    %max3A_1387 = arith.constant 0xFF800000 : f32
    %max3A_1388 = vector.broadcast %max3A_1387 : f32 to vector<64xf32>
    %max3A_1389 = arith.maximumf %max3A_1388, %reduce_max3A_1386 : vector<64xf32>
    %broadcast_in_dim3A_1390 = vector.shape_cast %max3A_1389 : vector<64xf32> to vector<64x1xf32>
    %sub3A_1391 = vector.broadcast %broadcast_in_dim3A_1390 : vector<64x1xf32> to vector<64x128xf32>
    %sub3A_1392 = arith.subf %select_n3A_1384, %sub3A_1391 : vector<64x128xf32>
    %exp3A_1393 = math.exp %sub3A_1392 : vector<64x128xf32>
    %reduce_sum3A_1394 = arith.constant dense<0.000000e+00> : vector<64xf32>
    %reduce_sum3A_1395 = vector.multi_reduction <add>, %exp3A_1393, %reduce_sum3A_1394 [1] : vector<64x128xf32> to vector<64xf32>
    %broadcast_in_dim3A_1396 = vector.shape_cast %reduce_sum3A_1395 : vector<64xf32> to vector<64x1xf32>
    %div3A_1397 = vector.broadcast %broadcast_in_dim3A_1396 : vector<64x1xf32> to vector<64x128xf32>
    %div3A_1398 = arith.divf %exp3A_1393, %div3A_1397 : vector<64x128xf32>
    %convert_element_type3A_1399 = arith.truncf %div3A_1398 : vector<64x128xf32> to vector<64x128xbf16>
    %convert_element_type3A_1400 = arith.truncf %concatenate3A_1361 : vector<128x64xf32> to vector<128x64xbf16>
    %dot_general3A_1401 = arith.constant dense<0.000000e+00> : vector<64x64xf32>
    %dot_general3A_1402 = tpu.matmul %convert_element_type3A_1399, %convert_element_type3A_1400, %dot_general3A_1401 {dimension_numbers = #tpu.dot_dimension_numbers<[1], [0], [0], [1], [0, 0, 1, 1], [], []>, transpose_lhs_hint = false} : vector<64x128xbf16>, vector<128x64xbf16>, vector<64x64xf32> -> vector<64x64xf32>
    %slice3A_1403 = vector.extract_strided_slice %get3A_3 {offsets = [1856, 0], sizes = [64, 64], strides = [1, 1]} : vector<2048x64xf32> to vector<64x64xf32>
    %slice3A_1404 = vector.extract_strided_slice %div3A_22 {offsets = [1856, 0], sizes = [64, 64], strides = [1, 1]} : vector<2048x64xf32> to vector<64x64xf32>
    %slice3A_1405 = vector.extract_strided_slice %div3A_22 {offsets = [1792, 0], sizes = [64, 64], strides = [1, 1]} : vector<2048x64xf32> to vector<64x64xf32>
    %concatenate3A_1406 = tpu.concatenate %slice3A_1404, %slice3A_1405 in 0 : vector<64x64xf32>, vector<64x64xf32> -> vector<128x64xf32>
    %slice3A_1407 = vector.extract_strided_slice %get3A_8 {offsets = [1856, 0], sizes = [64, 64], strides = [1, 1]} : vector<2048x64xf32> to vector<64x64xf32>
    %slice3A_1408 = vector.extract_strided_slice %get3A_8 {offsets = [1792, 0], sizes = [64, 64], strides = [1, 1]} : vector<2048x64xf32> to vector<64x64xf32>
    %concatenate3A_1409 = tpu.concatenate %slice3A_1407, %slice3A_1408 in 0 : vector<64x64xf32>, vector<64x64xf32> -> vector<128x64xf32>
    %slice3A_1410 = vector.extract_strided_slice %get3A_13 {offsets = [0, 1856], sizes = [1, 64], strides = [1, 1]} : vector<1x2048xf32> to vector<1x64xf32>
    %slice3A_1411 = vector.extract_strided_slice %get3A_13 {offsets = [0, 1792], sizes = [1, 64], strides = [1, 1]} : vector<1x2048xf32> to vector<1x64xf32>
    %concatenate3A_1412 = tpu.concatenate %slice3A_1410, %slice3A_1411 in 1 : vector<1x64xf32>, vector<1x64xf32> -> vector<1x128xf32>
    %slice3A_1413 = vector.extract_strided_slice %get3A_18 {offsets = [1856, 0], sizes = [64, 1], strides = [1, 1]} : vector<2048x1xf32> to vector<64x1xf32>
    %convert_element_type3A_1414 = arith.truncf %slice3A_1403 : vector<64x64xf32> to vector<64x64xbf16>
    %convert_element_type3A_1415 = arith.truncf %concatenate3A_1406 : vector<128x64xf32> to vector<128x64xbf16>
    %dot_general3A_1416 = arith.constant dense<0.000000e+00> : vector<64x128xf32>
    %dot_general3A_1417 = tpu.matmul %convert_element_type3A_1414, %convert_element_type3A_1415, %dot_general3A_1416 {dimension_numbers = #tpu.dot_dimension_numbers<[1], [1], [0], [0], [0, 0, 1, 0], [], []>, transpose_lhs_hint = false} : vector<64x64xbf16>, vector<128x64xbf16>, vector<64x128xf32> -> vector<64x128xf32>
    %div3A_1418 = arith.constant 8.000000e+00 : f32
    %div3A_1419 = vector.broadcast %div3A_1418 : f32 to vector<64x128xf32>
    %div3A_1420 = arith.divf %dot_general3A_1417, %div3A_1419 : vector<64x128xf32>
    %gt3A_1421 = vector.broadcast %concatenate3A_1412 : vector<1x128xf32> to vector<64x128xf32>
    %gt3A_1422 = vector.broadcast %slice3A_1413 : vector<64x1xf32> to vector<64x128xf32>
    %gt3A_1423 = arith.cmpf ogt, %gt3A_1421, %gt3A_1422 : vector<64x128xf32>
    %jit3A_1424 = arith.constant -1.000000e+09 : f32
    %broadcast_in_dim3A_1425 = vector.broadcast %jit3A_1424 : f32 to vector<64x128xf32>
    %select_n3A_1426 = arith.select %gt3A_1423, %broadcast_in_dim3A_1425, %div3A_1420 : vector<64x128xi1>, vector<64x128xf32>
    %eq3A_1427 = vector.broadcast %concatenate3A_1412 : vector<1x128xf32> to vector<64x128xf32>
    %eq3A_1428 = vector.broadcast %slice3A_1413 : vector<64x1xf32> to vector<64x128xf32>
    %eq3A_1429 = arith.cmpf oeq, %eq3A_1427, %eq3A_1428 : vector<64x128xf32>
    %jit3A_1430 = arith.constant -1.000000e+05 : f32
    %broadcast_in_dim3A_1431 = vector.broadcast %jit3A_1430 : f32 to vector<64x128xf32>
    %select_n3A_1432 = arith.select %eq3A_1429, %broadcast_in_dim3A_1431, %select_n3A_1426 : vector<64x128xi1>, vector<64x128xf32>
    %reduce_max3A_1433 = arith.constant dense<0xFF800000> : vector<64xf32>
    %reduce_max3A_1434 = vector.multi_reduction <maximumf>, %select_n3A_1432, %reduce_max3A_1433 [1] : vector<64x128xf32> to vector<64xf32>
    %max3A_1435 = arith.constant 0xFF800000 : f32
    %max3A_1436 = vector.broadcast %max3A_1435 : f32 to vector<64xf32>
    %max3A_1437 = arith.maximumf %max3A_1436, %reduce_max3A_1434 : vector<64xf32>
    %broadcast_in_dim3A_1438 = vector.shape_cast %max3A_1437 : vector<64xf32> to vector<64x1xf32>
    %sub3A_1439 = vector.broadcast %broadcast_in_dim3A_1438 : vector<64x1xf32> to vector<64x128xf32>
    %sub3A_1440 = arith.subf %select_n3A_1432, %sub3A_1439 : vector<64x128xf32>
    %exp3A_1441 = math.exp %sub3A_1440 : vector<64x128xf32>
    %reduce_sum3A_1442 = arith.constant dense<0.000000e+00> : vector<64xf32>
    %reduce_sum3A_1443 = vector.multi_reduction <add>, %exp3A_1441, %reduce_sum3A_1442 [1] : vector<64x128xf32> to vector<64xf32>
    %broadcast_in_dim3A_1444 = vector.shape_cast %reduce_sum3A_1443 : vector<64xf32> to vector<64x1xf32>
    %div3A_1445 = vector.broadcast %broadcast_in_dim3A_1444 : vector<64x1xf32> to vector<64x128xf32>
    %div3A_1446 = arith.divf %exp3A_1441, %div3A_1445 : vector<64x128xf32>
    %convert_element_type3A_1447 = arith.truncf %div3A_1446 : vector<64x128xf32> to vector<64x128xbf16>
    %convert_element_type3A_1448 = arith.truncf %concatenate3A_1409 : vector<128x64xf32> to vector<128x64xbf16>
    %dot_general3A_1449 = arith.constant dense<0.000000e+00> : vector<64x64xf32>
    %dot_general3A_1450 = tpu.matmul %convert_element_type3A_1447, %convert_element_type3A_1448, %dot_general3A_1449 {dimension_numbers = #tpu.dot_dimension_numbers<[1], [0], [0], [1], [0, 0, 1, 1], [], []>, transpose_lhs_hint = false} : vector<64x128xbf16>, vector<128x64xbf16>, vector<64x64xf32> -> vector<64x64xf32>
    %slice3A_1451 = vector.extract_strided_slice %get3A_3 {offsets = [1920, 0], sizes = [64, 64], strides = [1, 1]} : vector<2048x64xf32> to vector<64x64xf32>
    %slice3A_1452 = vector.extract_strided_slice %div3A_22 {offsets = [1920, 0], sizes = [64, 64], strides = [1, 1]} : vector<2048x64xf32> to vector<64x64xf32>
    %slice3A_1453 = vector.extract_strided_slice %div3A_22 {offsets = [1856, 0], sizes = [64, 64], strides = [1, 1]} : vector<2048x64xf32> to vector<64x64xf32>
    %concatenate3A_1454 = tpu.concatenate %slice3A_1452, %slice3A_1453 in 0 : vector<64x64xf32>, vector<64x64xf32> -> vector<128x64xf32>
    %slice3A_1455 = vector.extract_strided_slice %get3A_8 {offsets = [1920, 0], sizes = [64, 64], strides = [1, 1]} : vector<2048x64xf32> to vector<64x64xf32>
    %slice3A_1456 = vector.extract_strided_slice %get3A_8 {offsets = [1856, 0], sizes = [64, 64], strides = [1, 1]} : vector<2048x64xf32> to vector<64x64xf32>
    %concatenate3A_1457 = tpu.concatenate %slice3A_1455, %slice3A_1456 in 0 : vector<64x64xf32>, vector<64x64xf32> -> vector<128x64xf32>
    %slice3A_1458 = vector.extract_strided_slice %get3A_13 {offsets = [0, 1920], sizes = [1, 64], strides = [1, 1]} : vector<1x2048xf32> to vector<1x64xf32>
    %slice3A_1459 = vector.extract_strided_slice %get3A_13 {offsets = [0, 1856], sizes = [1, 64], strides = [1, 1]} : vector<1x2048xf32> to vector<1x64xf32>
    %concatenate3A_1460 = tpu.concatenate %slice3A_1458, %slice3A_1459 in 1 : vector<1x64xf32>, vector<1x64xf32> -> vector<1x128xf32>
    %slice3A_1461 = vector.extract_strided_slice %get3A_18 {offsets = [1920, 0], sizes = [64, 1], strides = [1, 1]} : vector<2048x1xf32> to vector<64x1xf32>
    %convert_element_type3A_1462 = arith.truncf %slice3A_1451 : vector<64x64xf32> to vector<64x64xbf16>
    %convert_element_type3A_1463 = arith.truncf %concatenate3A_1454 : vector<128x64xf32> to vector<128x64xbf16>
    %dot_general3A_1464 = arith.constant dense<0.000000e+00> : vector<64x128xf32>
    %dot_general3A_1465 = tpu.matmul %convert_element_type3A_1462, %convert_element_type3A_1463, %dot_general3A_1464 {dimension_numbers = #tpu.dot_dimension_numbers<[1], [1], [0], [0], [0, 0, 1, 0], [], []>, transpose_lhs_hint = false} : vector<64x64xbf16>, vector<128x64xbf16>, vector<64x128xf32> -> vector<64x128xf32>
    %div3A_1466 = arith.constant 8.000000e+00 : f32
    %div3A_1467 = vector.broadcast %div3A_1466 : f32 to vector<64x128xf32>
    %div3A_1468 = arith.divf %dot_general3A_1465, %div3A_1467 : vector<64x128xf32>
    %gt3A_1469 = vector.broadcast %concatenate3A_1460 : vector<1x128xf32> to vector<64x128xf32>
    %gt3A_1470 = vector.broadcast %slice3A_1461 : vector<64x1xf32> to vector<64x128xf32>
    %gt3A_1471 = arith.cmpf ogt, %gt3A_1469, %gt3A_1470 : vector<64x128xf32>
    %jit3A_1472 = arith.constant -1.000000e+09 : f32
    %broadcast_in_dim3A_1473 = vector.broadcast %jit3A_1472 : f32 to vector<64x128xf32>
    %select_n3A_1474 = arith.select %gt3A_1471, %broadcast_in_dim3A_1473, %div3A_1468 : vector<64x128xi1>, vector<64x128xf32>
    %eq3A_1475 = vector.broadcast %concatenate3A_1460 : vector<1x128xf32> to vector<64x128xf32>
    %eq3A_1476 = vector.broadcast %slice3A_1461 : vector<64x1xf32> to vector<64x128xf32>
    %eq3A_1477 = arith.cmpf oeq, %eq3A_1475, %eq3A_1476 : vector<64x128xf32>
    %jit3A_1478 = arith.constant -1.000000e+05 : f32
    %broadcast_in_dim3A_1479 = vector.broadcast %jit3A_1478 : f32 to vector<64x128xf32>
    %select_n3A_1480 = arith.select %eq3A_1477, %broadcast_in_dim3A_1479, %select_n3A_1474 : vector<64x128xi1>, vector<64x128xf32>
    %reduce_max3A_1481 = arith.constant dense<0xFF800000> : vector<64xf32>
    %reduce_max3A_1482 = vector.multi_reduction <maximumf>, %select_n3A_1480, %reduce_max3A_1481 [1] : vector<64x128xf32> to vector<64xf32>
    %max3A_1483 = arith.constant 0xFF800000 : f32
    %max3A_1484 = vector.broadcast %max3A_1483 : f32 to vector<64xf32>
    %max3A_1485 = arith.maximumf %max3A_1484, %reduce_max3A_1482 : vector<64xf32>
    %broadcast_in_dim3A_1486 = vector.shape_cast %max3A_1485 : vector<64xf32> to vector<64x1xf32>
    %sub3A_1487 = vector.broadcast %broadcast_in_dim3A_1486 : vector<64x1xf32> to vector<64x128xf32>
    %sub3A_1488 = arith.subf %select_n3A_1480, %sub3A_1487 : vector<64x128xf32>
    %exp3A_1489 = math.exp %sub3A_1488 : vector<64x128xf32>
    %reduce_sum3A_1490 = arith.constant dense<0.000000e+00> : vector<64xf32>
    %reduce_sum3A_1491 = vector.multi_reduction <add>, %exp3A_1489, %reduce_sum3A_1490 [1] : vector<64x128xf32> to vector<64xf32>
    %broadcast_in_dim3A_1492 = vector.shape_cast %reduce_sum3A_1491 : vector<64xf32> to vector<64x1xf32>
    %div3A_1493 = vector.broadcast %broadcast_in_dim3A_1492 : vector<64x1xf32> to vector<64x128xf32>
    %div3A_1494 = arith.divf %exp3A_1489, %div3A_1493 : vector<64x128xf32>
    %convert_element_type3A_1495 = arith.truncf %div3A_1494 : vector<64x128xf32> to vector<64x128xbf16>
    %convert_element_type3A_1496 = arith.truncf %concatenate3A_1457 : vector<128x64xf32> to vector<128x64xbf16>
    %dot_general3A_1497 = arith.constant dense<0.000000e+00> : vector<64x64xf32>
    %dot_general3A_1498 = tpu.matmul %convert_element_type3A_1495, %convert_element_type3A_1496, %dot_general3A_1497 {dimension_numbers = #tpu.dot_dimension_numbers<[1], [0], [0], [1], [0, 0, 1, 1], [], []>, transpose_lhs_hint = false} : vector<64x128xbf16>, vector<128x64xbf16>, vector<64x64xf32> -> vector<64x64xf32>
    %slice3A_1499 = vector.extract_strided_slice %get3A_3 {offsets = [1984, 0], sizes = [64, 64], strides = [1, 1]} : vector<2048x64xf32> to vector<64x64xf32>
    %slice3A_1500 = vector.extract_strided_slice %div3A_22 {offsets = [1984, 0], sizes = [64, 64], strides = [1, 1]} : vector<2048x64xf32> to vector<64x64xf32>
    %slice3A_1501 = vector.extract_strided_slice %div3A_22 {offsets = [1920, 0], sizes = [64, 64], strides = [1, 1]} : vector<2048x64xf32> to vector<64x64xf32>
    %concatenate3A_1502 = tpu.concatenate %slice3A_1500, %slice3A_1501 in 0 : vector<64x64xf32>, vector<64x64xf32> -> vector<128x64xf32>
    %slice3A_1503 = vector.extract_strided_slice %get3A_8 {offsets = [1984, 0], sizes = [64, 64], strides = [1, 1]} : vector<2048x64xf32> to vector<64x64xf32>
    %slice3A_1504 = vector.extract_strided_slice %get3A_8 {offsets = [1920, 0], sizes = [64, 64], strides = [1, 1]} : vector<2048x64xf32> to vector<64x64xf32>
    %concatenate3A_1505 = tpu.concatenate %slice3A_1503, %slice3A_1504 in 0 : vector<64x64xf32>, vector<64x64xf32> -> vector<128x64xf32>
    %slice3A_1506 = vector.extract_strided_slice %get3A_13 {offsets = [0, 1984], sizes = [1, 64], strides = [1, 1]} : vector<1x2048xf32> to vector<1x64xf32>
    %slice3A_1507 = vector.extract_strided_slice %get3A_13 {offsets = [0, 1920], sizes = [1, 64], strides = [1, 1]} : vector<1x2048xf32> to vector<1x64xf32>
    %concatenate3A_1508 = tpu.concatenate %slice3A_1506, %slice3A_1507 in 1 : vector<1x64xf32>, vector<1x64xf32> -> vector<1x128xf32>
    %slice3A_1509 = vector.extract_strided_slice %get3A_18 {offsets = [1984, 0], sizes = [64, 1], strides = [1, 1]} : vector<2048x1xf32> to vector<64x1xf32>
    %convert_element_type3A_1510 = arith.truncf %slice3A_1499 : vector<64x64xf32> to vector<64x64xbf16>
    %convert_element_type3A_1511 = arith.truncf %concatenate3A_1502 : vector<128x64xf32> to vector<128x64xbf16>
    %dot_general3A_1512 = arith.constant dense<0.000000e+00> : vector<64x128xf32>
    %dot_general3A_1513 = tpu.matmul %convert_element_type3A_1510, %convert_element_type3A_1511, %dot_general3A_1512 {dimension_numbers = #tpu.dot_dimension_numbers<[1], [1], [0], [0], [0, 0, 1, 0], [], []>, transpose_lhs_hint = false} : vector<64x64xbf16>, vector<128x64xbf16>, vector<64x128xf32> -> vector<64x128xf32>
    %div3A_1514 = arith.constant 8.000000e+00 : f32
    %div3A_1515 = vector.broadcast %div3A_1514 : f32 to vector<64x128xf32>
    %div3A_1516 = arith.divf %dot_general3A_1513, %div3A_1515 : vector<64x128xf32>
    %gt3A_1517 = vector.broadcast %concatenate3A_1508 : vector<1x128xf32> to vector<64x128xf32>
    %gt3A_1518 = vector.broadcast %slice3A_1509 : vector<64x1xf32> to vector<64x128xf32>
    %gt3A_1519 = arith.cmpf ogt, %gt3A_1517, %gt3A_1518 : vector<64x128xf32>
    %jit3A_1520 = arith.constant -1.000000e+09 : f32
    %broadcast_in_dim3A_1521 = vector.broadcast %jit3A_1520 : f32 to vector<64x128xf32>
    %select_n3A_1522 = arith.select %gt3A_1519, %broadcast_in_dim3A_1521, %div3A_1516 : vector<64x128xi1>, vector<64x128xf32>
    %eq3A_1523 = vector.broadcast %concatenate3A_1508 : vector<1x128xf32> to vector<64x128xf32>
    %eq3A_1524 = vector.broadcast %slice3A_1509 : vector<64x1xf32> to vector<64x128xf32>
    %eq3A_1525 = arith.cmpf oeq, %eq3A_1523, %eq3A_1524 : vector<64x128xf32>
    %jit3A_1526 = arith.constant -1.000000e+05 : f32
    %broadcast_in_dim3A_1527 = vector.broadcast %jit3A_1526 : f32 to vector<64x128xf32>
    %select_n3A_1528 = arith.select %eq3A_1525, %broadcast_in_dim3A_1527, %select_n3A_1522 : vector<64x128xi1>, vector<64x128xf32>
    %reduce_max3A_1529 = arith.constant dense<0xFF800000> : vector<64xf32>
    %reduce_max3A_1530 = vector.multi_reduction <maximumf>, %select_n3A_1528, %reduce_max3A_1529 [1] : vector<64x128xf32> to vector<64xf32>
    %max3A_1531 = arith.constant 0xFF800000 : f32
    %max3A_1532 = vector.broadcast %max3A_1531 : f32 to vector<64xf32>
    %max3A_1533 = arith.maximumf %max3A_1532, %reduce_max3A_1530 : vector<64xf32>
    %broadcast_in_dim3A_1534 = vector.shape_cast %max3A_1533 : vector<64xf32> to vector<64x1xf32>
    %sub3A_1535 = vector.broadcast %broadcast_in_dim3A_1534 : vector<64x1xf32> to vector<64x128xf32>
    %sub3A_1536 = arith.subf %select_n3A_1528, %sub3A_1535 : vector<64x128xf32>
    %exp3A_1537 = math.exp %sub3A_1536 : vector<64x128xf32>
    %reduce_sum3A_1538 = arith.constant dense<0.000000e+00> : vector<64xf32>
    %reduce_sum3A_1539 = vector.multi_reduction <add>, %exp3A_1537, %reduce_sum3A_1538 [1] : vector<64x128xf32> to vector<64xf32>
    %broadcast_in_dim3A_1540 = vector.shape_cast %reduce_sum3A_1539 : vector<64xf32> to vector<64x1xf32>
    %div3A_1541 = vector.broadcast %broadcast_in_dim3A_1540 : vector<64x1xf32> to vector<64x128xf32>
    %div3A_1542 = arith.divf %exp3A_1537, %div3A_1541 : vector<64x128xf32>
    %convert_element_type3A_1543 = arith.truncf %div3A_1542 : vector<64x128xf32> to vector<64x128xbf16>
    %convert_element_type3A_1544 = arith.truncf %concatenate3A_1505 : vector<128x64xf32> to vector<128x64xbf16>
    %dot_general3A_1545 = arith.constant dense<0.000000e+00> : vector<64x64xf32>
    %dot_general3A_1546 = tpu.matmul %convert_element_type3A_1543, %convert_element_type3A_1544, %dot_general3A_1545 {dimension_numbers = #tpu.dot_dimension_numbers<[1], [0], [0], [1], [0, 0, 1, 1], [], []>, transpose_lhs_hint = false} : vector<64x128xbf16>, vector<128x64xbf16>, vector<64x64xf32> -> vector<64x64xf32>
    %concatenate3A_1547 = tpu.concatenate %dot_general3A_58, %dot_general3A_106, %dot_general3A_154, %dot_general3A_202, %dot_general3A_250, %dot_general3A_298, %dot_general3A_346, %dot_general3A_394, %dot_general3A_442, %dot_general3A_490, %dot_general3A_538, %dot_general3A_586, %dot_general3A_634, %dot_general3A_682, %dot_general3A_730, %dot_general3A_778, %dot_general3A_826, %dot_general3A_874, %dot_general3A_922, %dot_general3A_970, %dot_general3A_1018, %dot_general3A_1066, %dot_general3A_1114, %dot_general3A_1162, %dot_general3A_1210, %dot_general3A_1258, %dot_general3A_1306, %dot_general3A_1354, %dot_general3A_1402, %dot_general3A_1450, %dot_general3A_1498, %dot_general3A_1546 in 0 : vector<64x64xf32>, vector<64x64xf32>, vector<64x64xf32>, vector<64x64xf32>, vector<64x64xf32>, vector<64x64xf32>, vector<64x64xf32>, vector<64x64xf32>, vector<64x64xf32>, vector<64x64xf32>, vector<64x64xf32>, vector<64x64xf32>, vector<64x64xf32>, vector<64x64xf32>, vector<64x64xf32>, vector<64x64xf32>, vector<64x64xf32>, vector<64x64xf32>, vector<64x64xf32>, vector<64x64xf32>, vector<64x64xf32>, vector<64x64xf32>, vector<64x64xf32>, vector<64x64xf32>, vector<64x64xf32>, vector<64x64xf32>, vector<64x64xf32>, vector<64x64xf32>, vector<64x64xf32>, vector<64x64xf32>, vector<64x64xf32>, vector<64x64xf32> -> vector<2048x64xf32>
    %iota3A = tpu.iota {dimensions = array<i32: 0>} : vector<2048x2048xi32>
    %convert_element_type3A_1548 = arith.fptosi %get3A_13 : vector<1x2048xf32> to vector<1x2048xi32>
    %eq3A_1549 = vector.broadcast %convert_element_type3A_1548 : vector<1x2048xi32> to vector<2048x2048xi32>
    %eq3A_1550 = arith.cmpi eq, %eq3A_1549, %iota3A : vector<2048x2048xi32>
    %convert_element_type3A_1551 = arith.extui %eq3A_1550 : vector<2048x2048xi1> to vector<2048x2048xi32>
    %convert_element_type3A_1552 = arith.sitofp %convert_element_type3A_1551 : vector<2048x2048xi32> to vector<2048x2048xf32>
    %convert_element_type3A_1553 = arith.truncf %convert_element_type3A_1552 : vector<2048x2048xf32> to vector<2048x2048xbf16>
    %convert_element_type3A_1554 = arith.truncf %concatenate3A_1547 : vector<2048x64xf32> to vector<2048x64xbf16>
    %convert_element_type3A_1555 = arith.extf %convert_element_type3A_1554 : vector<2048x64xbf16> to vector<2048x64xf32>
    %sub3A_1556 = arith.subf %concatenate3A_1547, %convert_element_type3A_1555 : vector<2048x64xf32>
    %convert_element_type3A_1557 = arith.truncf %sub3A_1556 : vector<2048x64xf32> to vector<2048x64xbf16>
    %convert_element_type3A_1558 = arith.extf %convert_element_type3A_1557 : vector<2048x64xbf16> to vector<2048x64xf32>
    %sub3A_1559 = arith.subf %sub3A_1556, %convert_element_type3A_1558 : vector<2048x64xf32>
    %convert_element_type3A_1560 = arith.truncf %sub3A_1559 : vector<2048x64xf32> to vector<2048x64xbf16>
    %dot_general3A_1561 = arith.constant dense<0.000000e+00> : vector<2048x64xf32>
    %dot_general3A_1562 = tpu.matmul %convert_element_type3A_1553, %convert_element_type3A_1554, %dot_general3A_1561 {dimension_numbers = #tpu.dot_dimension_numbers<[1], [0], [0], [1], [0, 0, 1, 1], [], []>, transpose_lhs_hint = false} : vector<2048x2048xbf16>, vector<2048x64xbf16>, vector<2048x64xf32> -> vector<2048x64xf32>
    %dot_general3A_1563 = arith.constant dense<0.000000e+00> : vector<2048x64xf32>
    %dot_general3A_1564 = tpu.matmul %convert_element_type3A_1553, %convert_element_type3A_1557, %dot_general3A_1563 {dimension_numbers = #tpu.dot_dimension_numbers<[1], [0], [0], [1], [0, 0, 1, 1], [], []>, transpose_lhs_hint = false} : vector<2048x2048xbf16>, vector<2048x64xbf16>, vector<2048x64xf32> -> vector<2048x64xf32>
    %add3A_1565 = arith.addf %dot_general3A_1562, %dot_general3A_1564 : vector<2048x64xf32>
    %dot_general3A_1566 = arith.constant dense<0.000000e+00> : vector<2048x64xf32>
    %dot_general3A_1567 = tpu.matmul %convert_element_type3A_1553, %convert_element_type3A_1560, %dot_general3A_1566 {dimension_numbers = #tpu.dot_dimension_numbers<[1], [0], [0], [1], [0, 0, 1, 1], [], []>, transpose_lhs_hint = false} : vector<2048x2048xbf16>, vector<2048x64xbf16>, vector<2048x64xf32> -> vector<2048x64xf32>
    %add3A_1568 = arith.addf %add3A_1565, %dot_general3A_1567 : vector<2048x64xf32>
    %swap3A = arith.constant 0 : index
    %swap3A_1569 = arith.constant 0 : index
    %swap3A_1570 = arith.constant 0 : index
    %swap3A_1571 = vector.load %arg5[%swap3A, %swap3A_1569, %swap3A_1570] : memref<1x2048x64xf32, #tpu.memory_space<vmem>>, vector<1x2048x64xf32>
    %swap3A_1572 = vector.shape_cast %swap3A_1571 : vector<1x2048x64xf32> to vector<2048x64xf32>
    %swap3A_1573 = vector.shape_cast %add3A_1568 : vector<2048x64xf32> to vector<1x2048x64xf32>
    tpu.vector_store %arg5[%swap3A, %swap3A_1569, %swap3A_1570], %swap3A_1573 {strides = array<i32>} : memref<1x2048x64xf32, #tpu.memory_space<vmem>>, vector<1x2048x64xf32>,
    return
  }
  func.func @transform_0(%arg0: i32) -> (i32, i32, i32) {
    %c0_i32 = arith.constant 0 : i32
    %c0_i32_0 = arith.constant 0 : i32
    %c0_i32_1 = arith.constant 0 : i32
    return %arg0, %c0_i32, %c0_i32_0 : i32, i32, i32
  }
  func.func @transform_1(%arg0: i32) -> (i32, i32, i32) {
    %c0_i32 = arith.constant 0 : i32
    %c0_i32_0 = arith.constant 0 : i32
    %c0_i32_1 = arith.constant 0 : i32
    return %arg0, %c0_i32, %c0_i32_0 : i32, i32, i32
  }
  func.func @transform_2(%arg0: i32) -> (i32, i32, i32) {
    %c0_i32 = arith.constant 0 : i32
    %c0_i32_0 = arith.constant 0 : i32
    %c0_i32_1 = arith.constant 0 : i32
    return %arg0, %c0_i32, %c0_i32_0 : i32, i32, i32
  }
  func.func @transform_3(%arg0: i32) -> (i32, i32, i32) {
    %c0_i32 = arith.constant 0 : i32
    %c0_i32_0 = arith.constant 0 : i32
    %c0_i32_1 = arith.constant 0 : i32
    return %arg0, %c0_i32, %c0_i32_0 : i32, i32, i32
  }
  func.func @transform_4(%arg0: i32) -> (i32, i32, i32) {
    %c0_i32 = arith.constant 0 : i32
    %c0_i32_0 = arith.constant 0 : i32
    %c0_i32_1 = arith.constant 0 : i32
    return %arg0, %c0_i32, %c0_i32_0 : i32, i32, i32
  }
}

module attributes {stable_mosaic.version = 14 : i64} {
  func.func @_tail_kernel(%arg0: i32, %arg1: memref<256x1024xf32, #tpu.memory_space<vmem>>, %arg2: memref<256x1024xf32, #tpu.memory_space<vmem>>, %arg3: memref<1024x1024xbf16, #tpu.memory_space<vmem>>, %arg4: memref<1024xf32, #tpu.memory_space<vmem>>, %arg5: memref<1024xf32, #tpu.memory_space<vmem>>, %arg6: memref<1024x4096xbf16, #tpu.memory_space<vmem>>, %arg7: memref<4096xf32, #tpu.memory_space<vmem>>, %arg8: memref<4096x1024xbf16, #tpu.memory_space<vmem>>, %arg9: memref<1024xf32, #tpu.memory_space<vmem>>, %arg10: memref<1024xf32, #tpu.memory_space<vmem>>, %arg11: memref<1024xf32, #tpu.memory_space<vmem>>, %arg12: memref<1024x4096xbf16, #tpu.memory_space<vmem>>, %arg13: memref<4096xf32, #tpu.memory_space<vmem>>, %arg14: memref<4096x128xbf16, #tpu.memory_space<vmem>>, %arg15: memref<128xf32, #tpu.memory_space<vmem>>, %arg16: memref<256x128xf32, #tpu.memory_space<vmem>>) attributes {dimension_semantics = [#tpu.dimension_semantics<arbitrary>], iteration_bounds = array<i64: 16>, scalar_prefetch = 0 : i64, scratch_operands = 0 : i64, tpu.core_type = #tpu.core_type<tc>, window_params = [{transform_indices = @transform_0, window_bounds = array<i64: 256, 1024>}, {transform_indices = @transform_1, window_bounds = array<i64: 256, 1024>}, {pipeline_mode = #tpu.pipeline_mode<synchronous>, transform_indices = @transform_2, window_bounds = array<i64: 1024, 1024>}, {pipeline_mode = #tpu.pipeline_mode<synchronous>, transform_indices = @transform_3, window_bounds = array<i64: 1024>}, {pipeline_mode = #tpu.pipeline_mode<synchronous>, transform_indices = @transform_4, window_bounds = array<i64: 1024>}, {pipeline_mode = #tpu.pipeline_mode<synchronous>, transform_indices = @transform_5, window_bounds = array<i64: 1024, 4096>}, {pipeline_mode = #tpu.pipeline_mode<synchronous>, transform_indices = @transform_6, window_bounds = array<i64: 4096>}, {pipeline_mode = #tpu.pipeline_mode<synchronous>, transform_indices = @transform_7, window_bounds = array<i64: 4096, 1024>}, {pipeline_mode = #tpu.pipeline_mode<synchronous>, transform_indices = @transform_8, window_bounds = array<i64: 1024>}, {pipeline_mode = #tpu.pipeline_mode<synchronous>, transform_indices = @transform_9, window_bounds = array<i64: 1024>}, {pipeline_mode = #tpu.pipeline_mode<synchronous>, transform_indices = @transform_10, window_bounds = array<i64: 1024>}, {pipeline_mode = #tpu.pipeline_mode<synchronous>, transform_indices = @transform_11, window_bounds = array<i64: 1024, 4096>}, {pipeline_mode = #tpu.pipeline_mode<synchronous>, transform_indices = @transform_12, window_bounds = array<i64: 4096>}, {pipeline_mode = #tpu.pipeline_mode<synchronous>, transform_indices = @transform_13, window_bounds = array<i64: 4096, 128>}, {pipeline_mode = #tpu.pipeline_mode<synchronous>, transform_indices = @transform_14, window_bounds = array<i64: 128>}, {transform_indices = @transform_15, window_bounds = array<i64: 256, 128>}]} {
    %get3A = arith.constant 0 : index
    %get3A_0 = arith.constant 0 : index
    %get3A_1 = vector.load %arg1[%get3A, %get3A_0] : memref<256x1024xf32, #tpu.memory_space<vmem>>, vector<256x1024xf32>
    %get3A_2 = arith.constant 0 : index
    %get3A_3 = arith.constant 0 : index
    %get3A_4 = vector.load %arg2[%get3A_2, %get3A_3] : memref<256x1024xf32, #tpu.memory_space<vmem>>, vector<256x1024xf32>
    %convert_element_type3A = arith.truncf %get3A_4 : vector<256x1024xf32> to vector<256x1024xbf16>
    %get3A_5 = arith.constant 0 : index
    %get3A_6 = arith.constant 0 : index
    %get3A_7 = vector.load %arg3[%get3A_5, %get3A_6] : memref<1024x1024xbf16, #tpu.memory_space<vmem>>, vector<1024x1024xbf16>
    %dot_general3A = arith.constant dense<0.000000e+00> : vector<256x1024xf32>
    %dot_general3A_8 = tpu.matmul %convert_element_type3A, %get3A_7, %dot_general3A {dimension_numbers = #tpu.dot_dimension_numbers<[1], [0], [0], [1], [0, 0, 1, 1], [], []>, transpose_lhs_hint = false} : vector<256x1024xbf16>, vector<1024x1024xbf16>, vector<256x1024xf32> -> vector<256x1024xf32>
    %add3A = arith.addf %get3A_1, %dot_general3A_8 : vector<256x1024xf32>
    %get3A_9 = arith.constant 0 : index
    %get3A_10 = vector.load %arg4[%get3A_9] : memref<1024xf32, #tpu.memory_space<vmem>>, vector<1024xf32>
    %get3A_11 = arith.constant 0 : index
    %get3A_12 = vector.load %arg5[%get3A_11] : memref<1024xf32, #tpu.memory_space<vmem>>, vector<1024xf32>
    %reduce_sum3A = arith.constant dense<0.000000e+00> : vector<256xf32>
    %reduce_sum3A_13 = vector.multi_reduction <add>, %add3A, %reduce_sum3A [1] : vector<256x1024xf32> to vector<256xf32>
    %broadcast_in_dim3A = vector.shape_cast %reduce_sum3A_13 : vector<256xf32> to vector<256x1xf32>
    %div3A = arith.constant 1.024000e+03 : f32
    %div3A_14 = vector.broadcast %div3A : f32 to vector<256x1xf32>
    %div3A_15 = arith.divf %broadcast_in_dim3A, %div3A_14 : vector<256x1xf32>
    %jit3A = arith.constant 0 : i32
    %reduce_sum3A_16 = arith.constant dense<0.000000e+00> : vector<256xf32>
    %reduce_sum3A_17 = vector.multi_reduction <add>, %add3A, %reduce_sum3A_16 [1] : vector<256x1024xf32> to vector<256xf32>
    %broadcast_in_dim3A_18 = vector.shape_cast %reduce_sum3A_17 : vector<256xf32> to vector<256x1xf32>
    %div3A_19 = arith.constant 1.024000e+03 : f32
    %div3A_20 = vector.broadcast %div3A_19 : f32 to vector<256x1xf32>
    %div3A_21 = arith.divf %broadcast_in_dim3A_18, %div3A_20 : vector<256x1xf32>
    %sub3A = vector.broadcast %div3A_21 : vector<256x1xf32> to vector<256x1024xf32>
    %sub3A_22 = arith.subf %add3A, %sub3A : vector<256x1024xf32>
    %square3A = arith.mulf %sub3A_22, %sub3A_22 : vector<256x1024xf32>
    %convert_element_type3A_23 = arith.sitofp %jit3A : i32 to f32
    %sub3A_24 = arith.constant 1.024000e+03 : f32
    %sub3A_25 = arith.subf %sub3A_24, %convert_element_type3A_23 : f32
    %reduce_sum3A_26 = arith.constant dense<0.000000e+00> : vector<256xf32>
    %reduce_sum3A_27 = vector.multi_reduction <add>, %square3A, %reduce_sum3A_26 [1] : vector<256x1024xf32> to vector<256xf32>
    %broadcast_in_dim3A_28 = vector.shape_cast %reduce_sum3A_27 : vector<256xf32> to vector<256x1xf32>
    %div3A_29 = vector.broadcast %sub3A_25 : f32 to vector<256x1xf32>
    %div3A_30 = arith.divf %broadcast_in_dim3A_28, %div3A_29 : vector<256x1xf32>
    %gt3A = arith.constant 0.000000e+00 : f32
    %gt3A_31 = arith.cmpf ogt, %sub3A_25, %gt3A : f32
    %jit3A_32 = arith.constant 0x7FC00000 : f32
    %broadcast_in_dim3A_33 = vector.broadcast %jit3A_32 : f32 to vector<256x1xf32>
    %select_n3A = arith.select %gt3A_31, %div3A_30, %broadcast_in_dim3A_33 : vector<256x1xf32>
    %sub3A_34 = vector.broadcast %div3A_15 : vector<256x1xf32> to vector<256x1024xf32>
    %sub3A_35 = arith.subf %add3A, %sub3A_34 : vector<256x1024xf32>
    %add3A_36 = arith.constant 9.99999974E-6 : f32
    %add3A_37 = vector.broadcast %add3A_36 : f32 to vector<256x1xf32>
    %add3A_38 = arith.addf %select_n3A, %add3A_37 : vector<256x1xf32>
    %sqrt3A = math.sqrt %add3A_38 : vector<256x1xf32>
    %div3A_39 = vector.broadcast %sqrt3A : vector<256x1xf32> to vector<256x1024xf32>
    %div3A_40 = arith.divf %sub3A_35, %div3A_39 : vector<256x1024xf32>
    %broadcast_in_dim3A_41 = vector.shape_cast %get3A_10 : vector<1024xf32> to vector<1x1024xf32>
    %mul3A = vector.broadcast %broadcast_in_dim3A_41 : vector<1x1024xf32> to vector<256x1024xf32>
    %mul3A_42 = arith.mulf %div3A_40, %mul3A : vector<256x1024xf32>
    %broadcast_in_dim3A_43 = vector.shape_cast %get3A_12 : vector<1024xf32> to vector<1x1024xf32>
    %add3A_44 = vector.broadcast %broadcast_in_dim3A_43 : vector<1x1024xf32> to vector<256x1024xf32>
    %add3A_45 = arith.addf %mul3A_42, %add3A_44 : vector<256x1024xf32>
    %convert_element_type3A_46 = arith.truncf %add3A_45 : vector<256x1024xf32> to vector<256x1024xbf16>
    %get3A_47 = arith.constant 0 : index
    %get3A_48 = arith.constant 0 : index
    %get3A_49 = vector.load %arg6[%get3A_47, %get3A_48] : memref<1024x4096xbf16, #tpu.memory_space<vmem>>, vector<1024x4096xbf16>
    %dot_general3A_50 = arith.constant dense<0.000000e+00> : vector<256x4096xf32>
    %dot_general3A_51 = tpu.matmul %convert_element_type3A_46, %get3A_49, %dot_general3A_50 {dimension_numbers = #tpu.dot_dimension_numbers<[1], [0], [0], [1], [0, 0, 1, 1], [], []>, transpose_lhs_hint = false} : vector<256x1024xbf16>, vector<1024x4096xbf16>, vector<256x4096xf32> -> vector<256x4096xf32>
    %get3A_52 = arith.constant 0 : index
    %get3A_53 = vector.load %arg7[%get3A_52] : memref<4096xf32, #tpu.memory_space<vmem>>, vector<4096xf32>
    %broadcast_in_dim3A_54 = vector.shape_cast %get3A_53 : vector<4096xf32> to vector<1x4096xf32>
    %add3A_55 = vector.broadcast %broadcast_in_dim3A_54 : vector<1x4096xf32> to vector<256x4096xf32>
    %add3A_56 = arith.addf %dot_general3A_51, %add3A_55 : vector<256x4096xf32>
    %integer_pow3A = arith.mulf %add3A_56, %add3A_56 : vector<256x4096xf32>
    %integer_pow3A_57 = arith.mulf %add3A_56, %integer_pow3A : vector<256x4096xf32>
    %mul3A_58 = arith.constant 4.471500e-02 : f32
    %mul3A_59 = vector.broadcast %mul3A_58 : f32 to vector<256x4096xf32>
    %mul3A_60 = arith.mulf %mul3A_59, %integer_pow3A_57 : vector<256x4096xf32>
    %add3A_61 = arith.addf %add3A_56, %mul3A_60 : vector<256x4096xf32>
    %mul3A_62 = arith.constant 0.797884583 : f32
    %mul3A_63 = vector.broadcast %mul3A_62 : f32 to vector<256x4096xf32>
    %mul3A_64 = arith.mulf %mul3A_63, %add3A_61 : vector<256x4096xf32>
    %tanh3A = math.tanh %mul3A_64 : vector<256x4096xf32>
    %add3A_65 = arith.constant 1.000000e+00 : f32
    %add3A_66 = vector.broadcast %add3A_65 : f32 to vector<256x4096xf32>
    %add3A_67 = arith.addf %add3A_66, %tanh3A : vector<256x4096xf32>
    %mul3A_68 = arith.constant 5.000000e-01 : f32
    %mul3A_69 = vector.broadcast %mul3A_68 : f32 to vector<256x4096xf32>
    %mul3A_70 = arith.mulf %mul3A_69, %add3A_67 : vector<256x4096xf32>
    %mul3A_71 = arith.mulf %add3A_56, %mul3A_70 : vector<256x4096xf32>
    %convert_element_type3A_72 = arith.truncf %mul3A_71 : vector<256x4096xf32> to vector<256x4096xbf16>
    %get3A_73 = arith.constant 0 : index
    %get3A_74 = arith.constant 0 : index
    %get3A_75 = vector.load %arg8[%get3A_73, %get3A_74] : memref<4096x1024xbf16, #tpu.memory_space<vmem>>, vector<4096x1024xbf16>
    %dot_general3A_76 = arith.constant dense<0.000000e+00> : vector<256x1024xf32>
    %dot_general3A_77 = tpu.matmul %convert_element_type3A_72, %get3A_75, %dot_general3A_76 {dimension_numbers = #tpu.dot_dimension_numbers<[1], [0], [0], [1], [0, 0, 1, 1], [], []>, transpose_lhs_hint = false} : vector<256x4096xbf16>, vector<4096x1024xbf16>, vector<256x1024xf32> -> vector<256x1024xf32>
    %get3A_78 = arith.constant 0 : index
    %get3A_79 = vector.load %arg9[%get3A_78] : memref<1024xf32, #tpu.memory_space<vmem>>, vector<1024xf32>
    %broadcast_in_dim3A_80 = vector.shape_cast %get3A_79 : vector<1024xf32> to vector<1x1024xf32>
    %add3A_81 = vector.broadcast %broadcast_in_dim3A_80 : vector<1x1024xf32> to vector<256x1024xf32>
    %add3A_82 = arith.addf %dot_general3A_77, %add3A_81 : vector<256x1024xf32>
    %add3A_83 = arith.addf %add3A, %add3A_82 : vector<256x1024xf32>
    %get3A_84 = arith.constant 0 : index
    %get3A_85 = vector.load %arg10[%get3A_84] : memref<1024xf32, #tpu.memory_space<vmem>>, vector<1024xf32>
    %get3A_86 = arith.constant 0 : index
    %get3A_87 = vector.load %arg11[%get3A_86] : memref<1024xf32, #tpu.memory_space<vmem>>, vector<1024xf32>
    %reduce_sum3A_88 = arith.constant dense<0.000000e+00> : vector<256xf32>
    %reduce_sum3A_89 = vector.multi_reduction <add>, %add3A_83, %reduce_sum3A_88 [1] : vector<256x1024xf32> to vector<256xf32>
    %broadcast_in_dim3A_90 = vector.shape_cast %reduce_sum3A_89 : vector<256xf32> to vector<256x1xf32>
    %div3A_91 = arith.constant 1.024000e+03 : f32
    %div3A_92 = vector.broadcast %div3A_91 : f32 to vector<256x1xf32>
    %div3A_93 = arith.divf %broadcast_in_dim3A_90, %div3A_92 : vector<256x1xf32>
    %jit3A_94 = arith.constant 0 : i32
    %reduce_sum3A_95 = arith.constant dense<0.000000e+00> : vector<256xf32>
    %reduce_sum3A_96 = vector.multi_reduction <add>, %add3A_83, %reduce_sum3A_95 [1] : vector<256x1024xf32> to vector<256xf32>
    %broadcast_in_dim3A_97 = vector.shape_cast %reduce_sum3A_96 : vector<256xf32> to vector<256x1xf32>
    %div3A_98 = arith.constant 1.024000e+03 : f32
    %div3A_99 = vector.broadcast %div3A_98 : f32 to vector<256x1xf32>
    %div3A_100 = arith.divf %broadcast_in_dim3A_97, %div3A_99 : vector<256x1xf32>
    %sub3A_101 = vector.broadcast %div3A_100 : vector<256x1xf32> to vector<256x1024xf32>
    %sub3A_102 = arith.subf %add3A_83, %sub3A_101 : vector<256x1024xf32>
    %square3A_103 = arith.mulf %sub3A_102, %sub3A_102 : vector<256x1024xf32>
    %convert_element_type3A_104 = arith.sitofp %jit3A_94 : i32 to f32
    %sub3A_105 = arith.constant 1.024000e+03 : f32
    %sub3A_106 = arith.subf %sub3A_105, %convert_element_type3A_104 : f32
    %reduce_sum3A_107 = arith.constant dense<0.000000e+00> : vector<256xf32>
    %reduce_sum3A_108 = vector.multi_reduction <add>, %square3A_103, %reduce_sum3A_107 [1] : vector<256x1024xf32> to vector<256xf32>
    %broadcast_in_dim3A_109 = vector.shape_cast %reduce_sum3A_108 : vector<256xf32> to vector<256x1xf32>
    %div3A_110 = vector.broadcast %sub3A_106 : f32 to vector<256x1xf32>
    %div3A_111 = arith.divf %broadcast_in_dim3A_109, %div3A_110 : vector<256x1xf32>
    %gt3A_112 = arith.constant 0.000000e+00 : f32
    %gt3A_113 = arith.cmpf ogt, %sub3A_106, %gt3A_112 : f32
    %jit3A_114 = arith.constant 0x7FC00000 : f32
    %broadcast_in_dim3A_115 = vector.broadcast %jit3A_114 : f32 to vector<256x1xf32>
    %select_n3A_116 = arith.select %gt3A_113, %div3A_111, %broadcast_in_dim3A_115 : vector<256x1xf32>
    %sub3A_117 = vector.broadcast %div3A_93 : vector<256x1xf32> to vector<256x1024xf32>
    %sub3A_118 = arith.subf %add3A_83, %sub3A_117 : vector<256x1024xf32>
    %add3A_119 = arith.constant 9.99999974E-6 : f32
    %add3A_120 = vector.broadcast %add3A_119 : f32 to vector<256x1xf32>
    %add3A_121 = arith.addf %select_n3A_116, %add3A_120 : vector<256x1xf32>
    %sqrt3A_122 = math.sqrt %add3A_121 : vector<256x1xf32>
    %div3A_123 = vector.broadcast %sqrt3A_122 : vector<256x1xf32> to vector<256x1024xf32>
    %div3A_124 = arith.divf %sub3A_118, %div3A_123 : vector<256x1024xf32>
    %broadcast_in_dim3A_125 = vector.shape_cast %get3A_85 : vector<1024xf32> to vector<1x1024xf32>
    %mul3A_126 = vector.broadcast %broadcast_in_dim3A_125 : vector<1x1024xf32> to vector<256x1024xf32>
    %mul3A_127 = arith.mulf %div3A_124, %mul3A_126 : vector<256x1024xf32>
    %broadcast_in_dim3A_128 = vector.shape_cast %get3A_87 : vector<1024xf32> to vector<1x1024xf32>
    %add3A_129 = vector.broadcast %broadcast_in_dim3A_128 : vector<1x1024xf32> to vector<256x1024xf32>
    %add3A_130 = arith.addf %mul3A_127, %add3A_129 : vector<256x1024xf32>
    %convert_element_type3A_131 = arith.truncf %add3A_130 : vector<256x1024xf32> to vector<256x1024xbf16>
    %get3A_132 = arith.constant 0 : index
    %get3A_133 = arith.constant 0 : index
    %get3A_134 = vector.load %arg12[%get3A_132, %get3A_133] : memref<1024x4096xbf16, #tpu.memory_space<vmem>>, vector<1024x4096xbf16>
    %dot_general3A_135 = arith.constant dense<0.000000e+00> : vector<256x4096xf32>
    %dot_general3A_136 = tpu.matmul %convert_element_type3A_131, %get3A_134, %dot_general3A_135 {dimension_numbers = #tpu.dot_dimension_numbers<[1], [0], [0], [1], [0, 0, 1, 1], [], []>, transpose_lhs_hint = false} : vector<256x1024xbf16>, vector<1024x4096xbf16>, vector<256x4096xf32> -> vector<256x4096xf32>
    %get3A_137 = arith.constant 0 : index
    %get3A_138 = vector.load %arg13[%get3A_137] : memref<4096xf32, #tpu.memory_space<vmem>>, vector<4096xf32>
    %broadcast_in_dim3A_139 = vector.shape_cast %get3A_138 : vector<4096xf32> to vector<1x4096xf32>
    %add3A_140 = vector.broadcast %broadcast_in_dim3A_139 : vector<1x4096xf32> to vector<256x4096xf32>
    %add3A_141 = arith.addf %dot_general3A_136, %add3A_140 : vector<256x4096xf32>
    %integer_pow3A_142 = arith.mulf %add3A_141, %add3A_141 : vector<256x4096xf32>
    %integer_pow3A_143 = arith.mulf %add3A_141, %integer_pow3A_142 : vector<256x4096xf32>
    %mul3A_144 = arith.constant 4.471500e-02 : f32
    %mul3A_145 = vector.broadcast %mul3A_144 : f32 to vector<256x4096xf32>
    %mul3A_146 = arith.mulf %mul3A_145, %integer_pow3A_143 : vector<256x4096xf32>
    %add3A_147 = arith.addf %add3A_141, %mul3A_146 : vector<256x4096xf32>
    %mul3A_148 = arith.constant 0.797884583 : f32
    %mul3A_149 = vector.broadcast %mul3A_148 : f32 to vector<256x4096xf32>
    %mul3A_150 = arith.mulf %mul3A_149, %add3A_147 : vector<256x4096xf32>
    %tanh3A_151 = math.tanh %mul3A_150 : vector<256x4096xf32>
    %add3A_152 = arith.constant 1.000000e+00 : f32
    %add3A_153 = vector.broadcast %add3A_152 : f32 to vector<256x4096xf32>
    %add3A_154 = arith.addf %add3A_153, %tanh3A_151 : vector<256x4096xf32>
    %mul3A_155 = arith.constant 5.000000e-01 : f32
    %mul3A_156 = vector.broadcast %mul3A_155 : f32 to vector<256x4096xf32>
    %mul3A_157 = arith.mulf %mul3A_156, %add3A_154 : vector<256x4096xf32>
    %mul3A_158 = arith.mulf %add3A_141, %mul3A_157 : vector<256x4096xf32>
    %convert_element_type3A_159 = arith.truncf %mul3A_158 : vector<256x4096xf32> to vector<256x4096xbf16>
    %get3A_160 = arith.constant 0 : index
    %get3A_161 = arith.constant 0 : index
    %get3A_162 = vector.load %arg14[%get3A_160, %get3A_161] : memref<4096x128xbf16, #tpu.memory_space<vmem>>, vector<4096x128xbf16>
    %dot_general3A_163 = arith.constant dense<0.000000e+00> : vector<256x128xf32>
    %dot_general3A_164 = tpu.matmul %convert_element_type3A_159, %get3A_162, %dot_general3A_163 {dimension_numbers = #tpu.dot_dimension_numbers<[1], [0], [0], [1], [0, 0, 1, 1], [], []>, transpose_lhs_hint = false} : vector<256x4096xbf16>, vector<4096x128xbf16>, vector<256x128xf32> -> vector<256x128xf32>
    %get3A_165 = arith.constant 0 : index
    %get3A_166 = vector.load %arg15[%get3A_165] : memref<128xf32, #tpu.memory_space<vmem>>, vector<128xf32>
    %broadcast_in_dim3A_167 = vector.shape_cast %get3A_166 : vector<128xf32> to vector<1x128xf32>
    %add3A_168 = vector.broadcast %broadcast_in_dim3A_167 : vector<1x128xf32> to vector<256x128xf32>
    %add3A_169 = arith.addf %dot_general3A_164, %add3A_168 : vector<256x128xf32>
    %swap3A = arith.constant 0 : index
    %swap3A_170 = arith.constant 0 : index
    %swap3A_171 = vector.load %arg16[%swap3A, %swap3A_170] : memref<256x128xf32, #tpu.memory_space<vmem>>, vector<256x128xf32>
    tpu.vector_store %arg16[%swap3A, %swap3A_170], %add3A_169 {strides = array<i32>} : memref<256x128xf32, #tpu.memory_space<vmem>>, vector<256x128xf32>,
    return
  }
  func.func @transform_0(%arg0: i32) -> (i32, i32) {
    %c0_i32 = arith.constant 0 : i32
    %c0_i32_0 = arith.constant 0 : i32
    return %arg0, %c0_i32 : i32, i32
  }
  func.func @transform_1(%arg0: i32) -> (i32, i32) {
    %c0_i32 = arith.constant 0 : i32
    %c0_i32_0 = arith.constant 0 : i32
    return %arg0, %c0_i32 : i32, i32
  }
  func.func @transform_2(%arg0: i32) -> (i32, i32) {
    %c0_i32 = arith.constant 0 : i32
    %c0_i32_0 = arith.constant 0 : i32
    %c0_i32_1 = arith.constant 0 : i32
    return %c0_i32, %c0_i32_0 : i32, i32
  }
  func.func @transform_3(%arg0: i32) -> i32 {
    %c0_i32 = arith.constant 0 : i32
    %c0_i32_0 = arith.constant 0 : i32
    return %c0_i32 : i32
  }
  func.func @transform_4(%arg0: i32) -> i32 {
    %c0_i32 = arith.constant 0 : i32
    %c0_i32_0 = arith.constant 0 : i32
    return %c0_i32 : i32
  }
  func.func @transform_5(%arg0: i32) -> (i32, i32) {
    %c0_i32 = arith.constant 0 : i32
    %c0_i32_0 = arith.constant 0 : i32
    %c0_i32_1 = arith.constant 0 : i32
    return %c0_i32, %c0_i32_0 : i32, i32
  }
  func.func @transform_6(%arg0: i32) -> i32 {
    %c0_i32 = arith.constant 0 : i32
    %c0_i32_0 = arith.constant 0 : i32
    return %c0_i32 : i32
  }
  func.func @transform_7(%arg0: i32) -> (i32, i32) {
    %c0_i32 = arith.constant 0 : i32
    %c0_i32_0 = arith.constant 0 : i32
    %c0_i32_1 = arith.constant 0 : i32
    return %c0_i32, %c0_i32_0 : i32, i32
  }
  func.func @transform_8(%arg0: i32) -> i32 {
    %c0_i32 = arith.constant 0 : i32
    %c0_i32_0 = arith.constant 0 : i32
    return %c0_i32 : i32
  }
  func.func @transform_9(%arg0: i32) -> i32 {
    %c0_i32 = arith.constant 0 : i32
    %c0_i32_0 = arith.constant 0 : i32
    return %c0_i32 : i32
  }
  func.func @transform_10(%arg0: i32) -> i32 {
    %c0_i32 = arith.constant 0 : i32
    %c0_i32_0 = arith.constant 0 : i32
    return %c0_i32 : i32
  }
  func.func @transform_11(%arg0: i32) -> (i32, i32) {
    %c0_i32 = arith.constant 0 : i32
    %c0_i32_0 = arith.constant 0 : i32
    %c0_i32_1 = arith.constant 0 : i32
    return %c0_i32, %c0_i32_0 : i32, i32
  }
  func.func @transform_12(%arg0: i32) -> i32 {
    %c0_i32 = arith.constant 0 : i32
    %c0_i32_0 = arith.constant 0 : i32
    return %c0_i32 : i32
  }
  func.func @transform_13(%arg0: i32) -> (i32, i32) {
    %c0_i32 = arith.constant 0 : i32
    %c0_i32_0 = arith.constant 0 : i32
    %c0_i32_1 = arith.constant 0 : i32
    return %c0_i32, %c0_i32_0 : i32, i32
  }
  func.func @transform_14(%arg0: i32) -> i32 {
    %c0_i32 = arith.constant 0 : i32
    %c0_i32_0 = arith.constant 0 : i32
    return %c0_i32 : i32
  }
  func.func @transform_15(%arg0: i32) -> (i32, i32) {
    %c0_i32 = arith.constant 0 : i32
    %c0_i32_0 = arith.constant 0 : i32
    return %arg0, %c0_i32 : i32, i32
  }
}

</mosaic_0001>

<sc_bundles>
// kernel: gather_offload_async_start.1
scs
__scs_entry_jumppad:
0x0: {  	(pc) =	sbr.rel $0x88, $3  }
0x1: {  	(tag) =	ssettag $0x0;
	lr =	simm.s32 $0x1  }
0x2: {  	[smem:$0x3F80] =	sst lr;
	_ =	strace $0xD0000000  }
0x3: {  	_ = 	snop  }
0x4: {  	_ = 	snop  }
0x5: {  	_ = 	snop  }
0x6: {  	_ = 	snop  }
0x7: {  	_ = 	snop  }
__scs_overlays_trampoline_lowered:
0x8: {  	[smem:$0x3F8F] =	sst s0  }
0x9: {  	[smem:$0x3F90] =	sst s1  }
0xa: {  	[smem:$0x3F91] =	sst s2  }
0xb: {  	[smem:$0x3F92] =	sst s3  }
0xc: {  	[smem:$0x3F93] =	sst s4  }
0xd: {  	[smem:$0x3F94] =	sst s5  }
0xe: {  	[smem:$0x3F95] =	sst s6  }
0xf: {  	[smem:$0x3F96] =	sst s7  }
0x10: {  	[smem:$0x3F97] =	sst s8  }
0x11: {  	[smem:$0x3F98] =	sst s9;
	s0 =	simm.s32 @!p0 $0x0  }
0x12: {  	s1 =	sld [smem:$0x3F7E];
	s0 =	simm.s32 @p0 $0x1  }
0x13: {  	[smem:$0x3F99] =	sst s0;
	s0 =	simm.s32 @!p1 $0x0  }
0x14: {  	s2 =	sld [smem:$0x3F7D];
	s0 =	simm.s32 @p1 $0x1  }
0x15: {  	[smem:$0x3F9A] =	sst s0;
	s0 =	simm.s32 @!p2 $0x0  }
0x16: {  	s3 =	sld [smem:$0x3FDB];
	s0 =	simm.s32 @p2 $0x1  }
0x17: {  	s4 =	simm.s32 $0x1BF5;
	[smem:$0x3F9C] =	sst s0  }
0x18: {  	s0 =	sld [smem:$0x3F7F];
	_ =	swait.ge [sflag:s4], $0x0  }
0x19: {  	s7 =	sld [smem:$0x3F80]  }
0x1a: {  	s8 =	sadd.s32 $0xFFFFE003, lr  }
0x1b: {  	s9 =	sadd.s32 $0xFFFFFEF7, lr;
	s5 =	simm.s32 $0xFFFFFFFF;
	p2 =	slt.u32 s8, $0xFFFFF086  }
0x1c: {  	p1 =	slt.u32 s9, $0xF7A;
	s5 =	simm.s32 @!p2 $0x0  }
0x1d: {  	s5 =	simm.s32 @p1 $0x1;
	p0 =	seq.s32 s7, s2  }
0x1e: {  	s7 =	smul.u32 @!p0 $0xF7A, s2;
	p2 =	seq.s32 @!p0 s5, $0x0  }
0x1f: {  	s9 =	smul.u32 $0xF7A, s1;
	s8 =	simm.s32 @!p0 $0x1BF5;
	p2 =	por !p2, p0  }
0x20: {  	[sflag:s8] =	ssyncset.s32 @!p0 $0xFFFFF086;
	s6 =	sadd.s32 @!p0 s3, s7;
	s7 =	simm.s32 @!p0 $0x108  }
0x21: {  	s3 =	sadd.s32 s3, s9;
	s6 =	sadd.s32 @!p0 $0x88, s6;
	s7 =	simm.s32 @p2 $0x1082  }
0x22: {  	[simem:s7], [sflag:s8] =	dma.local @!p0 [hbm:s6], $0xF7A  }
0x23: {  	s9 =	sor.u32 $0xD0000000, s2;
	s6 =	simm.s32 $0x108;
	_ =	swait.ge @!p0 [sflag:s8], $0x0  }
0x24: {  	s3 =	sadd.s32 $0x88, s3;
	s6 =	simm.s32 @!p1 $0x1082;
	[sflag:s4] =	ssyncset.s32 $0xFFFFF086  }
0x25: {  	[simem:s6], [sflag:s4] =	dma.local [hbm:s3], $0xF7A  }
0x26: {  	[smem:$0x3F80] =	sst s1;
	(tag) =	ssettag s2;
	_ =	strace s9  }
0x27: {  	s1 =	sld [smem:$0x3F90]  }
0x28: {  	s2 =	sld [smem:$0x3F91]  }
0x29: {  	s4 =	sld [smem:$0x3F93]  }
0x2a: {  	p0 =	seq.s32 s5, $0x0;
	s5 =	sld [smem:$0x3F94]  }
0x2b: {  	s6 =	sld [smem:$0x3F95]  }
0x2c: {  	s7 =	sld [smem:$0x3F96]  }
0x2d: {  	s3 =	simm.s32 $0x108;
	s8 =	sld [smem:$0x3F97]  }
0x2e: {  	s3 =	simm.s32 @!p0 $0x1082;
	s9 =	sld [smem:$0x3F98]  }
0x2f: {  	lr =	sadd.s32 s0, s3;
	s0 =	sld [smem:$0x3F8F]  }
0x30: {  	s3 =	sld [smem:$0x3F92]  }
0x31: {  	[smem:$0x3F9B] =	sst s10  }
0x32: {  	s10 =	sld [smem:$0x3F99];
	_ =	sdelay $0x3  }
0x33: {  	p0 =	seq.s32 s10, $0x1;
	s10 =	sld [smem:$0x3F9B];
	_ =	sdelay $0x3  }
0x34: {  	[smem:$0x3F9B] =	sst s10  }
0x35: {  	s10 =	sld [smem:$0x3F9A];
	_ =	sdelay $0x3  }
0x36: {  	p1 =	seq.s32 s10, $0x1;
	s10 =	sld [smem:$0x3F9B];
	_ =	sdelay $0x3  }
0x37: {  	[smem:$0x3F9B] =	sst s10  }
0x38: {  	s10 =	sld [smem:$0x3F9C]  }
0x39: {  	_ = 	snop;
	(pc) =	sbr.ind lr, $3  }
0x3a: {  	_ = 	snop  }
0x3b: {  	_ = 	snop  }
0x3c: {  	p2 =	seq.s32 s10, $0x1;
	s10 =	sld [smem:$0x3F9B]  }
0x3d: {  	_ =	shalt  }
0x3e: {  	_ =	shalt  }
0x3f: {  	_ =	shalt  }
0x40: {  	_ =	shalt  }
0x41: {  	_ =	shalt  }
0x42: {  	_ =	shalt  }
0x43: {  	_ =	shalt  }
0x44: {  	_ =	shalt  }
0x45: {  	_ =	shalt  }
0x46: {  	_ =	shalt  }
0x47: {  	_ =	shalt  }
0x48: {  	_ =	shalt  }
0x49: {  	_ =	shalt  }
0x4a: {  	_ =	shalt  }
0x4b: {  	_ =	shalt  }
0x4c: {  	_ =	shalt  }
0x4d: {  	_ =	shalt  }
0x4e: {  	_ =	shalt  }
0x4f: {  	_ =	shalt  }
0x50: {  	_ =	shalt  }
0x51: {  	_ =	shalt  }
0x52: {  	_ =	shalt  }
0x53: {  	_ =	shalt  }
0x54: {  	_ =	shalt  }
0x55: {  	_ =	shalt  }
0x56: {  	_ =	shalt  }
0x57: {  	_ =	shalt  }
0x58: {  	_ =	shalt  }
0x59: {  	_ =	shalt  }
0x5a: {  	_ =	shalt  }
0x5b: {  	_ =	shalt  }
0x5c: {  	_ =	shalt  }
0x5d: {  	_ =	shalt  }
0x5e: {  	_ =	shalt  }
0x5f: {  	_ =	shalt  }
0x60: {  	_ =	shalt  }
0x61: {  	_ =	shalt  }
0x62: {  	_ =	shalt  }
0x63: {  	_ =	shalt  }
0x64: {  	_ =	shalt  }
0x65: {  	_ =	shalt  }
0x66: {  	_ =	shalt  }
0x67: {  	_ =	shalt  }
0x68: {  	_ =	shalt  }
0x69: {  	_ =	shalt  }
0x6a: {  	_ =	shalt  }
0x6b: {  	_ =	shalt  }
0x6c: {  	_ =	shalt  }
0x6d: {  	_ =	shalt  }
0x6e: {  	_ =	shalt  }
0x6f: {  	_ =	shalt  }
0x70: {  	_ =	shalt  }
0x71: {  	_ =	shalt  }
0x72: {  	_ =	shalt  }
0x73: {  	_ =	shalt  }
0x74: {  	_ =	shalt  }
0x75: {  	_ =	shalt  }
0x76: {  	_ =	shalt  }
0x77: {  	_ =	shalt  }
0x78: {  	_ =	shalt  }
0x79: {  	_ =	shalt  }
0x7a: {  	_ =	shalt  }
0x7b: {  	_ =	shalt  }
0x7c: {  	_ =	shalt  }
0x7d: {  	_ =	shalt  }
0x7e: {  	_ =	shalt  }
0x7f: {  	_ =	shalt  }
0x80: {  	_ =	shalt  }
0x81: {  	_ =	shalt  }
0x82: {  	_ =	shalt  }
0x83: {  	_ =	shalt  }
0x84: {  	_ =	shalt  }
0x85: {  	_ =	shalt  }
0x86: {  	_ =	shalt  }
0x87: {  	_ =	shalt  }
.Lfunc_end0:
.L_simem_size_0:
called_computation.1_lowered:
.L_overlay_start_0:
0x88: {  	s2 =	sld [smem:$0x3FD9]  }
0x89: {  	s3 =	sld [smem:$0x3FFE];
	_ =	sdelay $0x1  }
0x8a: {  	s1 =	srdreg.scid  }
0x8b: {  	s0 =	sand.u32 $0x1, s1  }
0x8c: {  	s16 =	sshll.u32 s0, $0xA;
	s2 =	sadd.s32 s3, s2  }
0x8d: {  	s2 =	sadd.s32 s2, s16  }
0x8e: {  	[smem:$0x3FA7] =	sst s2  }
0x8f: {  	_ = 	snop  }
0x90: {  	(tm) =	ssettm $0x1  }
0x91: {  	s17 =	sld [smem:$0x3FFB];
	_ =	sdelay $0x3  }
0x92: {  	_ =	strace s17  }
0x93: {  	s2 =	sld [smem:$0x3FFC];
	_ =	sdelay $0x3  }
0x94: {  	_ =	strace s2  }
0x95: {  	s2 =	sld [smem:$0x3FFD];
	_ =	sdelay $0x3  }
0x96: {  	_ =	strace s2  }
0x97: {  	_ =	strace $0x8FFFFFFF  }
0x98: {  	s18 =	sld [smem:$0x3FDB];
	_ =	sdelay $0x1  }
0x99: {  	s19 =	simm.s32 $_scs_section_size  }
0x9a: {  	s4 =	simm.s32 $_size__tile_overlayer_lowered;
	s5 =	simm.s32 $_tile_overlayer_lowered  }
0x9b: {  	s22 =	simm.s32 $0x1BFF;
	s21 =	sshll.u32 s5, $0x1;
	s2 =	sadd.s32 s19, s18  }
0x9c: {  	s6 =	simm.s32 $0x0;
	s20 =	sshll.u32 s4, $0x1;
	s4 =	sadd.s32 s21, s2  }
0x9d: {  	[timem:s6], [sflag:s22] =	dma.local [hbm:s4], s20  }
0x9e: {  	_ =	swait.ge [sflag:s22], s20  }
0x9f: {  	s3 =	ssub.s32 $0x0, s20;
	[sflag:s22] =	ssyncset.done $0x0  }
0xa0: {  	[sflag:s22] =	ssyncadd.s32 s3;
	_ =	sdelay $0x1  }
0xa1: {  	s23 =	simm.s32 $0x1B8B  }
0xa2: {  	_ =	swait.ge [sflag:s23], $0x1  }
0xa3: {  	[sflag:s23] =	ssyncset.done $0x0  }
0xa4: {  	s25 =	simm.s32 $0x1B8E;
	s24 =	sld [smem:$0x3FFE];
	[sflag:s23] =	ssyncadd.s32 $0xFFFFFFFF  }
0xa5: {  	s26 =	simm.s32 $execute0_lowered;
	[smem:$0x3FD2] =	sst s25  }
0xa6: {  	s4 =	sshll.u32 s26, $0x1;
	_ =	strace $0x80000049;
	[dreg:$0x1] =	wrdreg $0xFFFFFFFF  }
0xa7: {  	s28 =	simm.s32 $_size_execute0_lowered;
	s2 =	sadd.s32 s2, s4;
	[dreg:$0x0] =	wrdreg $0x0  }
0xa8: {  	s4 =	sshll.u32 s28, $0x1;
	[dreg:$0x2] =	wrdreg s2  }
0xa9: {  	[dreg:$0x3] =	wrdreg s4  }
0xaa: {  	[dreg:$0x4] =	wrdreg $0xC0  }
0xab: {  	_ =	task [dreg:s6], $0x5FFFF  }
0xac: {  	[dreg:$0x1] =	wrdreg $0xFFFFFFFF  }
0xad: {  	[dreg:$0x0] =	wrdreg $0x60  }
0xae: {  	[dreg:$0x2] =	wrdreg s24  }
0xaf: {  	[dreg:$0x3] =	wrdreg $0x9  }
0xb0: {  	_ =	task.clear_ibuf [dreg:s6], $0x4FFFF;
	_ =	strace $0x90000049  }
0xb1: {  	s29 =	simm.s32 $0x9;
	_ =	strace $0x8000004B  }
0xb2: {  	_ =	swait.ge [sflag:s29], $0x1  }
0xb3: {  	[sflag:s29] =	ssyncadd.s32 $0xFFFFFFFF  }
0xb4: {  	_ =	strace $0x9000004B  }
0xb5: {  	_ =	sfence  }
0xb6: {  	s30 =	sld [smem:$0x0];
	_ =	sdelay $0x2  }
0xb7: {  	s31 =	sshll.u32 s1, $0xD;
	s1 =	sshrl.u32 s1, $0x2  }
0xb8: {  	s3 =	sand.u32 $0x4000, s31;
	s1 =	sadd.s32 s1, s30  }
0xb9: {  	s0 =	sor.u32 s3, s0;
	s1 =	sshll.u32 s1, $0x11  }
0xba: {  	s0 =	sor.u32 s1, s0  }
0xbb: {  	s0 =	sadd.s32 $0x8F2B, s0  }
0xbc: {  	[sflag:s0] =	ssyncadd.remote.s32 $0x1  }
0xbd: {  	_ =	sfence.sel $0xFFFF  }
0xbe: {  	[dreg:$0x0] =	wrdreg $0xFFFFFFFF;
	(pc) =	sbr.abs _section_cstart, $3  }
0xbf: {  	[dreg:$0x1] =	wrdreg $0xFFFFFFFF  }
0xc0: {  	_ =	task.clear_ibuf [dreg:s6], $0x2FFFF;
	_ =	strace $0x9FFFFFFF  }
0xc1: {  	(tm) =	ssettm $0x7FFFFFFF  }
tec
execute0_lowered:
.L_overlay_start_1:
0x0: {  	(tag) =	ssettag $0x1  }
0x1: {  	s7 =	rddreg [dreg:$0x0]  }
0x2: {  	s0 =	rddreg [dreg:$0x1];
	_ =	strace $0x8000004A  }
0x3: {  	s1 =	srdreg.scid;
	s4 =	simm.s32 $0x1;
	s9 =	simm.s32 $0x3  }
0x4: {  	s11 =	simm.s32 $0x0;
	p0 =	por $0x0, $0x0;
	s5 =	sshll.u32 s1, $0x4  }
.Ltmp0:
0x5: {  	s1 =	stileid.u32;
	s5 =	sand.u32 $0x10, s5;
	(pc) =	sbr.rel .LBB2_1-.Ltmp0, $4  }
0x6: {  	s2 =	sadd.s32 $0x10A400, s7;
	s3 =	sadd.s32 $0x108400, s7;
	s6 =	sor.u32 s1, s5  }
0x7: {  	[sflag:s4] =	ssyncpa.u1 $0x0;
	s5 =	simm.s32 $0x2;
	s6 =	sshll.u32 s6, $0xB  }
0x8: {  	s7 =	sadd.s32 $0x20A400, s7;
	[sflag:s5] =	ssyncpa.u1 $0x0;
	s8 =	sadd.s32 $0x800, s6  }
0x9: {  	vm0 =	vmmov $0xff;
	vm1 =	vcmask $0x3F20;
	[sflag:s9] =	ssyncpa.u1 $0x0;
	s10 =	smov.u32 s6;
	s9 =	simm.s32 $0x0  }
.LBB2_7:
0xa: {  	p1 =	slt.u32 s9, $0x2;
	s11 =	sadd.s32 $0x100, s10  }
0xb: {  	s13 =	smov.u32 s6;
	s9 =	sadd.s32 $0x1, s9;
	p2 =	slt.s32 s11, s8  }
0xc: {  	s13 =	smov.u32 @p2 s11;
	p2 =	sne.s32 s9, $0xA  }
.Ltmp1:
0xd: {  	_ = 	snop;
	(pc) =	sbr.rel @!p2 .LBB2_8-.Ltmp1, $4  }
0xe: {  	s12 =	simm.s32 @!p1 $0x3  }
0xf: {  	_ =	swait.ge @!p1 [sflag:s12], $0x8000  }
0x10: {  	p0 =	por !p0, !p0;
	[sflag:s12] =	ssyncset.done @!p1 $0x0  }
0x11: {  	s11 =	smov.u32 s10;
	s10 =	smov.u32 s13;
	[sflag:s12] =	ssyncadd.s32 @!p1 $0xFFFF8000  }
.LBB2_1:
0x12: {  	p1 =	sgt.u32 s9, $0x7  }
0x13: {  	s12 =	sxor.u32 @!p1 $0xFFFFFFFF, s9  }
0x14: {  	s13 =	sshrl.u32 @!p1 s10, $0x3;
	s12 =	sshll.u32 @!p1 s12, $0x8  }
0x15: {  	s14 =	sand.u32 @!p1 $0x7, s10;
	s13 =	sadd.s32 @!p1 s3, s13;
	s12 =	sand.u32 @!p1 $0x100, s12  }
0x16: {  	[tilespmem:s12], [sflag:$0x2] =	stream.linear.gather @!p1 [hbm4b:s13+s14], $0x100, $0x38;
	[tilespmem:$0x10200] =	vst v63  }
0x17: {  	p1 =	seq.s32 s9, $0x0  }
0x18: {  	p2 =	seq.s32 @!p1 s9, $0x9  }
0x19: {  	p1 =	por p1, p2  }
.Ltmp2:
0x1a: {  	_ = 	snop;
	(pc) =	sbr.rel @p1 .LBB2_7-.Ltmp2, $1  }
0x1b: {  	_ =	sdelay $0x3  }
0x1c: {  	s12 =	simm.s32 $0x1  }
0x1d: {  	_ =	swait.ge [sflag:s5], $0x100;
	s12 =	simm.s32 @!p0 $0x0  }
0x1e: {  	[sflag:s5] =	ssyncset.done $0x0;
	s14 =	sshll.u32 s12, $0x8  }
0x1f: {  	[sflag:s5] =	ssyncadd.s32 $0xFFFFFF00;
	s13 =	sadd.s32 $0x0, s14  }
0x20: {  	v0 =	vld.msk [tilespmem:s13+$0x0 ss:$0x1], $0xffff;
	_ =	sdelay $0x4  }
0x21: {  	vm2 =	veq.s32 v0, $0x80000000  }
0x22: {  	v1 =	vshll.u32 v0, $0x16;
	v2 =	vshll.u32 v0, $0x11;
	v0 =	vshll.u32 v0, $0x2  }
0x23: {  	v1 =	vand.u32 $0x400000, v1;
	v2 =	vand.u32 $0x3C0000, v2;
	v0 =	vand.u32 $0x3FF80, v0  }
0x24: {  	v1 =	vor.u32 v2, v1;
	v0 =	vsel vm2, $0xFFFFFF80, v0  }
0x25: {  	v1 =	vsel vm2, $0xFFBC0000, v1;
	v2 =	vand.u32 $0xFFFFFC00, v0  }
0x26: {  	v0 =	vand.u32 $0x380, v0;
	v1 =	vadd.s32 v2, v1  }
0x27: {  	v0 =	vor.u32 v0, v1  }
0x28: {  	v0 =	vshrl.u32 v0, $0x3;
	_ =	sdelay $0x2  }
0x29: {  	s12 =	sshll.u32 s12, $0xF  }
0x2a: {  	s12 =	sor.u32 $0x200, s12  }
0x2b: {  	[tilespmem:s12], [sflag:$0x1] =	stream.indirect_vreg.gather [hbm:s2], $0x80, v0, vm0, $0x38;
	[tilespmem:$0x10200] =	vst v63  }
0x2c: {  	s15 =	sadd.s32 $0x10, s14;
	s13 =	sadd.s32 $0x400, s12  }
0x2d: {  	[tilespmem:s13], [sflag:$0x1] =	stream.indirect_vreg.gather [hbm:s2], $0x80, v0, vm1, $0x38;
	[tilespmem:$0x10200] =	vst v63  }
0x2e: {  	s16 =	simm.s32 $0x80;
	v0 =	vld.msk [tilespmem:s15+$0x0 ss:$0x1], $0xffff;
	s15 =	smov.u32 s12  }
.LBB2_3:
0x2f: {  	p1 =	sne.s32 s16, $0x3C0;
	_ =	sdelay $0x4  }
0x30: {  	vm2 =	veq.s32 v0, $0x80000000  }
0x31: {  	v1 =	vshll.u32 v0, $0x16;
	v2 =	vshll.u32 v0, $0x11;
	v0 =	vshll.u32 v0, $0x2  }
0x32: {  	v1 =	vand.u32 $0x400000, v1;
	v2 =	vand.u32 $0x3C0000, v2;
	v0 =	vand.u32 $0x3FF80, v0  }
0x33: {  	v1 =	vor.u32 v2, v1;
	v0 =	vsel vm2, $0xFFFFFF80, v0  }
0x34: {  	v1 =	vsel vm2, $0xFFBC0000, v1;
	v2 =	vand.u32 $0xFFFFFC00, v0  }
0x35: {  	v0 =	vand.u32 $0x380, v0;
	v1 =	vadd.s32 v2, v1  }
0x36: {  	v0 =	vor.u32 v0, v1  }
0x37: {  	v0 =	vshrl.u32 v0, $0x3;
	_ =	sdelay $0x3  }
.Ltmp3:
0x38: {  	s17 =	sshra.s32 s16, $0x2;
	s15 =	sadd.s32 $0x800, s15;
	(pc) =	sbr.rel @p1 .LBB2_3-.Ltmp3, $4  }
0x39: {  	[tilespmem:s15], [sflag:$0x1] =	stream.indirect_vreg.gather [hbm:s2], $0x80, v0, vm0, $0x38;
	[tilespmem:$0x10200] =	vst v63  }
0x3a: {  	s17 =	sadd.s32 s17, s14;
	s18 =	sadd.s32 $0x400, s15  }
0x3b: {  	[tilespmem:s18], [sflag:$0x1] =	stream.indirect_vreg.gather [hbm:s2], $0x80, v0, vm1, $0x38;
	[tilespmem:$0x10200] =	vst v63  }
0x3c: {  	s16 =	sadd.s32 $0x40, s16;
	v0 =	vld.msk [tilespmem:s17+$0x0 ss:$0x1], $0xffff  }
0x3d: {  	_ =	sdelay $0x3  }
0x3e: {  	vm2 =	veq.s32 v0, $0x80000000  }
0x3f: {  	v1 =	vshll.u32 v0, $0x16;
	v2 =	vshll.u32 v0, $0x11;
	v62 =	vshll.u32 v0, $0x2  }
0x40: {  	v1 =	vand.u32 $0x400000, v1;
	v2 =	vand.u32 $0x3C0000, v2;
	v0 =	vand.u32 $0x3FF80, v62  }
0x41: {  	v1 =	vor.u32 v2, v1;
	v0 =	vsel vm2, $0xFFFFFF80, v0  }
0x42: {  	v1 =	vsel vm2, $0xFFBC0000, v1;
	v63 =	vand.u32 $0xFFFFFC00, v0  }
0x43: {  	v0 =	vand.u32 $0x380, v0;
	v1 =	vadd.s32 v63, v1  }
0x44: {  	v0 =	vor.u32 v0, v1  }
0x45: {  	v0 =	vshrl.u32 v0, $0x3;
	_ =	sdelay $0x3  }
0x46: {  	s14 =	sadd.s32 $0x800, s15  }
0x47: {  	[tilespmem:s14], [sflag:$0x1] =	stream.indirect_vreg.gather [hbm:s2], $0x80, v0, vm0, $0x38;
	[tilespmem:$0x10200] =	vst v63  }
0x48: {  	s14 =	sadd.s32 $0x400, s14  }
0x49: {  	[tilespmem:s14], [sflag:$0x1] =	stream.indirect_vreg.gather [hbm:s2], $0x80, v0, vm1, $0x38;
	[tilespmem:$0x10200] =	vst v63  }
0x4a: {  	s11 =	sshll.u32 s11, $0x4;
	_ =	swait.ge [sflag:s4], $0x8000  }
0x4b: {  	s11 =	sadd.s32 s11, s7;
	[sflag:s4] =	ssyncset.done $0x0  }
0x4c: {  	s15 =	sadd.s32 $0x0, s11;
	s14 =	simm.s32 $0x80;
	[sflag:s4] =	ssyncadd.s32 $0xFFFF8000  }
.LBB2_5:
0x4d: {  	[hbm:s15] =	stream.linear.scatter [tilespmem:s12], [sflag:$0x3], $0x400, $0x38;
	[tilespmem:$0x10200] =	vst v63  }
0x4e: {  	s15 =	smov.u32 s14;
	s12 =	smov.u32 s13;
	p1 =	sne.s32 s14, $0xF80  }
.Ltmp4:
0x4f: {  	s14 =	sadd.s32 $0x80, s14;
	(pc) =	sbr.rel @p1 .LBB2_5-.Ltmp4, $2  }
0x50: {  	_ =	sdelay $0x2  }
0x51: {  	s13 =	sadd.s32 $0x400, s13;
	s15 =	sadd.s32 s15, s11  }
.Ltmp5:
0x52: {  	(pc) =	sbr.rel .LBB2_7-.Ltmp5, $2  }
0x53: {  	_ =	sdelay $0x2  }
0x54: {  	[hbm:s15] =	stream.linear.scatter [tilespmem:s12], [sflag:$0x3], $0x400, $0x38;
	[tilespmem:$0x10200] =	vst v63  }
.LBB2_8:
0x55: {  	_ =	sfence.sel $0x180000  }
0x56: {  	s2 =	simm.s32 $0x2;
	[bflag:$0x0] =	sbarrier.arrive $0xFFFF  }
0x57: {  	s30 =	simm.s32 $0x3;
	[sflag:s2] =	ssyncpa.u1 $0x1  }
0x58: {  	s31 =	simm.s32 $0x1;
	[sflag:s30] =	ssyncpa.u1 $0x1  }
0x59: {  	[sflag:s31] =	ssyncpa.u1 $0x1  }
0x5a: {  	p0 =	sne.s32 s1, $0x0;
	_ =	strace $0x9000004A  }
0x5b: {  	s0 =	sadd.s32 @!p0 $0x100000, s0;
	[bflag:$0x2] =	sbarrier.arrive $0xFFFF  }
0x5c: {  	[sflag:s0] =	ssyncadd.tile.s32 @!p0 $0x1;
	_ =	shalt  }
.Lfunc_end2:
_tile_overlayer_lowered:
.L_overlay_start_2:
0x5d: {  	(tag) =	ssettag $0x2  }
0x5e: {  	s0 =	rddreg [dreg:$0x0];
	s2 =	stileid.u32  }
0x5f: {  	s1 =	rddreg [dreg:$0x1];
	p0 =	sne.s32 s2, $0x0  }
0x60: {  	s3 =	rddreg [dreg:$0x2];
	[bflag:$0x3] =	sbarrier.arrive $0xFFFF;
	s2 =	simm.s32 @!p0 $0x1C01  }
0x61: {  	[timem:s3], [sflag:s2] =	dma.local @!p0 [hbm:s0], s1  }
0x62: {  	s0 =	simm.s32 @!p0 $0x1  }
0x63: {  	_ =	swait.ge @!p0 [sflag:s0], s1  }
0x64: {  	s1 =	ssub.s32 @!p0 $0x0, s1;
	[sflag:s0] =	ssyncset.done @!p0 $0x0  }
0x65: {  	[sflag:s0] =	ssyncadd.s32 @!p0 s1  }
0x66: {  	[bflag:$0x3] =	sbarrier.arrive $0xFFFF  }
0x67: {  	_ =	shalt  }

// kernel: gather_offload_async_start.2
scs
__scs_entry_jumppad:
0x0: {  	(pc) =	sbr.rel $0x88, $3  }
0x1: {  	(tag) =	ssettag $0x0;
	lr =	simm.s32 $0x1  }
0x2: {  	[smem:$0x3F80] =	sst lr;
	_ =	strace $0xD0000000  }
0x3: {  	_ = 	snop  }
0x4: {  	_ = 	snop  }
0x5: {  	_ = 	snop  }
0x6: {  	_ = 	snop  }
0x7: {  	_ = 	snop  }
__scs_overlays_trampoline_lowered:
0x8: {  	[smem:$0x3F8F] =	sst s0  }
0x9: {  	[smem:$0x3F90] =	sst s1  }
0xa: {  	[smem:$0x3F91] =	sst s2  }
0xb: {  	[smem:$0x3F92] =	sst s3  }
0xc: {  	[smem:$0x3F93] =	sst s4  }
0xd: {  	[smem:$0x3F94] =	sst s5  }
0xe: {  	[smem:$0x3F95] =	sst s6  }
0xf: {  	[smem:$0x3F96] =	sst s7  }
0x10: {  	[smem:$0x3F97] =	sst s8  }
0x11: {  	[smem:$0x3F98] =	sst s9;
	s0 =	simm.s32 @!p0 $0x0  }
0x12: {  	s1 =	sld [smem:$0x3F7E];
	s0 =	simm.s32 @p0 $0x1  }
0x13: {  	[smem:$0x3F99] =	sst s0;
	s0 =	simm.s32 @!p1 $0x0  }
0x14: {  	s2 =	sld [smem:$0x3F7D];
	s0 =	simm.s32 @p1 $0x1  }
0x15: {  	[smem:$0x3F9A] =	sst s0;
	s0 =	simm.s32 @!p2 $0x0  }
0x16: {  	s3 =	sld [smem:$0x3FDB];
	s0 =	simm.s32 @p2 $0x1  }
0x17: {  	s4 =	simm.s32 $0x1BF5;
	[smem:$0x3F9C] =	sst s0  }
0x18: {  	s0 =	sld [smem:$0x3F7F];
	_ =	swait.ge [sflag:s4], $0x0  }
0x19: {  	s7 =	sld [smem:$0x3F80]  }
0x1a: {  	s8 =	sadd.s32 $0xFFFFE003, lr  }
0x1b: {  	s9 =	sadd.s32 $0xFFFFFEF7, lr;
	s5 =	simm.s32 $0xFFFFFFFF;
	p2 =	slt.u32 s8, $0xFFFFF086  }
0x1c: {  	p1 =	slt.u32 s9, $0xF7A;
	s5 =	simm.s32 @!p2 $0x0  }
0x1d: {  	s5 =	simm.s32 @p1 $0x1;
	p0 =	seq.s32 s7, s2  }
0x1e: {  	s7 =	smul.u32 @!p0 $0xF7A, s2;
	p2 =	seq.s32 @!p0 s5, $0x0  }
0x1f: {  	s9 =	smul.u32 $0xF7A, s1;
	s8 =	simm.s32 @!p0 $0x1BF5;
	p2 =	por !p2, p0  }
0x20: {  	[sflag:s8] =	ssyncset.s32 @!p0 $0xFFFFF086;
	s6 =	sadd.s32 @!p0 s3, s7;
	s7 =	simm.s32 @!p0 $0x108  }
0x21: {  	s3 =	sadd.s32 s3, s9;
	s6 =	sadd.s32 @!p0 $0x88, s6;
	s7 =	simm.s32 @p2 $0x1082  }
0x22: {  	[simem:s7], [sflag:s8] =	dma.local @!p0 [hbm:s6], $0xF7A  }
0x23: {  	s9 =	sor.u32 $0xD0000000, s2;
	s6 =	simm.s32 $0x108;
	_ =	swait.ge @!p0 [sflag:s8], $0x0  }
0x24: {  	s3 =	sadd.s32 $0x88, s3;
	s6 =	simm.s32 @!p1 $0x1082;
	[sflag:s4] =	ssyncset.s32 $0xFFFFF086  }
0x25: {  	[simem:s6], [sflag:s4] =	dma.local [hbm:s3], $0xF7A  }
0x26: {  	[smem:$0x3F80] =	sst s1;
	(tag) =	ssettag s2;
	_ =	strace s9  }
0x27: {  	s1 =	sld [smem:$0x3F90]  }
0x28: {  	s2 =	sld [smem:$0x3F91]  }
0x29: {  	s4 =	sld [smem:$0x3F93]  }
0x2a: {  	p0 =	seq.s32 s5, $0x0;
	s5 =	sld [smem:$0x3F94]  }
0x2b: {  	s6 =	sld [smem:$0x3F95]  }
0x2c: {  	s7 =	sld [smem:$0x3F96]  }
0x2d: {  	s3 =	simm.s32 $0x108;
	s8 =	sld [smem:$0x3F97]  }
0x2e: {  	s3 =	simm.s32 @!p0 $0x1082;
	s9 =	sld [smem:$0x3F98]  }
0x2f: {  	lr =	sadd.s32 s0, s3;
	s0 =	sld [smem:$0x3F8F]  }
0x30: {  	s3 =	sld [smem:$0x3F92]  }
0x31: {  	[smem:$0x3F9B] =	sst s10  }
0x32: {  	s10 =	sld [smem:$0x3F99];
	_ =	sdelay $0x3  }
0x33: {  	p0 =	seq.s32 s10, $0x1;
	s10 =	sld [smem:$0x3F9B];
	_ =	sdelay $0x3  }
0x34: {  	[smem:$0x3F9B] =	sst s10  }
0x35: {  	s10 =	sld [smem:$0x3F9A];
	_ =	sdelay $0x3  }
0x36: {  	p1 =	seq.s32 s10, $0x1;
	s10 =	sld [smem:$0x3F9B];
	_ =	sdelay $0x3  }
0x37: {  	[smem:$0x3F9B] =	sst s10  }
0x38: {  	s10 =	sld [smem:$0x3F9C]  }
0x39: {  	_ = 	snop;
	(pc) =	sbr.ind lr, $3  }
0x3a: {  	_ = 	snop  }
0x3b: {  	_ = 	snop  }
0x3c: {  	p2 =	seq.s32 s10, $0x1;
	s10 =	sld [smem:$0x3F9B]  }
0x3d: {  	_ =	shalt  }
0x3e: {  	_ =	shalt  }
0x3f: {  	_ =	shalt  }
0x40: {  	_ =	shalt  }
0x41: {  	_ =	shalt  }
0x42: {  	_ =	shalt  }
0x43: {  	_ =	shalt  }
0x44: {  	_ =	shalt  }
0x45: {  	_ =	shalt  }
0x46: {  	_ =	shalt  }
0x47: {  	_ =	shalt  }
0x48: {  	_ =	shalt  }
0x49: {  	_ =	shalt  }
0x4a: {  	_ =	shalt  }
0x4b: {  	_ =	shalt  }
0x4c: {  	_ =	shalt  }
0x4d: {  	_ =	shalt  }
0x4e: {  	_ =	shalt  }
0x4f: {  	_ =	shalt  }
0x50: {  	_ =	shalt  }
0x51: {  	_ =	shalt  }
0x52: {  	_ =	shalt  }
0x53: {  	_ =	shalt  }
0x54: {  	_ =	shalt  }
0x55: {  	_ =	shalt  }
0x56: {  	_ =	shalt  }
0x57: {  	_ =	shalt  }
0x58: {  	_ =	shalt  }
0x59: {  	_ =	shalt  }
0x5a: {  	_ =	shalt  }
0x5b: {  	_ =	shalt  }
0x5c: {  	_ =	shalt  }
0x5d: {  	_ =	shalt  }
0x5e: {  	_ =	shalt  }
0x5f: {  	_ =	shalt  }
0x60: {  	_ =	shalt  }
0x61: {  	_ =	shalt  }
0x62: {  	_ =	shalt  }
0x63: {  	_ =	shalt  }
0x64: {  	_ =	shalt  }
0x65: {  	_ =	shalt  }
0x66: {  	_ =	shalt  }
0x67: {  	_ =	shalt  }
0x68: {  	_ =	shalt  }
0x69: {  	_ =	shalt  }
0x6a: {  	_ =	shalt  }
0x6b: {  	_ =	shalt  }
0x6c: {  	_ =	shalt  }
0x6d: {  	_ =	shalt  }
0x6e: {  	_ =	shalt  }
0x6f: {  	_ =	shalt  }
0x70: {  	_ =	shalt  }
0x71: {  	_ =	shalt  }
0x72: {  	_ =	shalt  }
0x73: {  	_ =	shalt  }
0x74: {  	_ =	shalt  }
0x75: {  	_ =	shalt  }
0x76: {  	_ =	shalt  }
0x77: {  	_ =	shalt  }
0x78: {  	_ =	shalt  }
0x79: {  	_ =	shalt  }
0x7a: {  	_ =	shalt  }
0x7b: {  	_ =	shalt  }
0x7c: {  	_ =	shalt  }
0x7d: {  	_ =	shalt  }
0x7e: {  	_ =	shalt  }
0x7f: {  	_ =	shalt  }
0x80: {  	_ =	shalt  }
0x81: {  	_ =	shalt  }
0x82: {  	_ =	shalt  }
0x83: {  	_ =	shalt  }
0x84: {  	_ =	shalt  }
0x85: {  	_ =	shalt  }
0x86: {  	_ =	shalt  }
0x87: {  	_ =	shalt  }
.Lfunc_end0:
.L_simem_size_0:
called_computation.2_lowered:
.L_overlay_start_0:
0x88: {  	s2 =	sld [smem:$0x3FD9]  }
0x89: {  	s3 =	sld [smem:$0x3FFE];
	_ =	sdelay $0x1  }
0x8a: {  	s1 =	srdreg.scid  }
0x8b: {  	s0 =	sand.u32 $0x1, s1  }
0x8c: {  	s16 =	sshll.u32 s0, $0xA;
	s2 =	sadd.s32 s3, s2  }
0x8d: {  	s2 =	sadd.s32 s2, s16  }
0x8e: {  	[smem:$0x3FA7] =	sst s2  }
0x8f: {  	_ = 	snop  }
0x90: {  	(tm) =	ssettm $0x1  }
0x91: {  	s17 =	sld [smem:$0x3FFB];
	_ =	sdelay $0x3  }
0x92: {  	_ =	strace s17  }
0x93: {  	s2 =	sld [smem:$0x3FFC];
	_ =	sdelay $0x3  }
0x94: {  	_ =	strace s2  }
0x95: {  	s2 =	sld [smem:$0x3FFD];
	_ =	sdelay $0x3  }
0x96: {  	_ =	strace s2  }
0x97: {  	_ =	strace $0x8FFFFFFF  }
0x98: {  	s18 =	sld [smem:$0x3FDB];
	_ =	sdelay $0x1  }
0x99: {  	s19 =	simm.s32 $_scs_section_size  }
0x9a: {  	s4 =	simm.s32 $_size__tile_overlayer_lowered;
	s5 =	simm.s32 $_tile_overlayer_lowered  }
0x9b: {  	s22 =	simm.s32 $0x1BFF;
	s21 =	sshll.u32 s5, $0x1;
	s2 =	sadd.s32 s19, s18  }
0x9c: {  	s6 =	simm.s32 $0x0;
	s20 =	sshll.u32 s4, $0x1;
	s4 =	sadd.s32 s21, s2  }
0x9d: {  	[timem:s6], [sflag:s22] =	dma.local [hbm:s4], s20  }
0x9e: {  	_ =	swait.ge [sflag:s22], s20  }
0x9f: {  	s3 =	ssub.s32 $0x0, s20;
	[sflag:s22] =	ssyncset.done $0x0  }
0xa0: {  	[sflag:s22] =	ssyncadd.s32 s3;
	_ =	sdelay $0x1  }
0xa1: {  	s23 =	simm.s32 $0x1B8B  }
0xa2: {  	_ =	swait.ge [sflag:s23], $0x1  }
0xa3: {  	[sflag:s23] =	ssyncset.done $0x0  }
0xa4: {  	s25 =	simm.s32 $0x1B8E;
	s24 =	sld [smem:$0x3FFE];
	[sflag:s23] =	ssyncadd.s32 $0xFFFFFFFF  }
0xa5: {  	s26 =	simm.s32 $execute0_lowered;
	[smem:$0x3FD2] =	sst s25  }
0xa6: {  	s4 =	sshll.u32 s26, $0x1;
	_ =	strace $0x8000004C;
	[dreg:$0x1] =	wrdreg $0xFFFFFFFF  }
0xa7: {  	s28 =	simm.s32 $_size_execute0_lowered;
	s2 =	sadd.s32 s2, s4;
	[dreg:$0x0] =	wrdreg $0x0  }
0xa8: {  	s4 =	sshll.u32 s28, $0x1;
	[dreg:$0x2] =	wrdreg s2  }
0xa9: {  	[dreg:$0x3] =	wrdreg s4  }
0xaa: {  	[dreg:$0x4] =	wrdreg $0xC0  }
0xab: {  	_ =	task [dreg:s6], $0x5FFFF  }
0xac: {  	[dreg:$0x1] =	wrdreg $0xFFFFFFFF  }
0xad: {  	[dreg:$0x0] =	wrdreg $0x60  }
0xae: {  	[dreg:$0x2] =	wrdreg s24  }
0xaf: {  	[dreg:$0x3] =	wrdreg $0x9  }
0xb0: {  	_ =	task.clear_ibuf [dreg:s6], $0x4FFFF;
	_ =	strace $0x9000004C  }
0xb1: {  	s29 =	simm.s32 $0x9;
	_ =	strace $0x8000004E  }
0xb2: {  	_ =	swait.ge [sflag:s29], $0x1  }
0xb3: {  	[sflag:s29] =	ssyncadd.s32 $0xFFFFFFFF  }
0xb4: {  	_ =	strace $0x9000004E  }
0xb5: {  	_ =	sfence  }
0xb6: {  	s30 =	sld [smem:$0x0];
	_ =	sdelay $0x2  }
0xb7: {  	s31 =	sshll.u32 s1, $0xD;
	s1 =	sshrl.u32 s1, $0x2  }
0xb8: {  	s3 =	sand.u32 $0x4000, s31;
	s1 =	sadd.s32 s1, s30  }
0xb9: {  	s0 =	sor.u32 s3, s0;
	s1 =	sshll.u32 s1, $0x11  }
0xba: {  	s0 =	sor.u32 s1, s0  }
0xbb: {  	s0 =	sadd.s32 $0x8F2B, s0  }
0xbc: {  	[sflag:s0] =	ssyncadd.remote.s32 $0x1  }
0xbd: {  	_ =	sfence.sel $0xFFFF  }
0xbe: {  	[dreg:$0x0] =	wrdreg $0xFFFFFFFF;
	(pc) =	sbr.abs _section_cstart, $3  }
0xbf: {  	[dreg:$0x1] =	wrdreg $0xFFFFFFFF  }
0xc0: {  	_ =	task.clear_ibuf [dreg:s6], $0x2FFFF;
	_ =	strace $0x9FFFFFFF  }
0xc1: {  	(tm) =	ssettm $0x7FFFFFFF  }
tec
execute0_lowered:
.L_overlay_start_1:
0x0: {  	(tag) =	ssettag $0x1  }
0x1: {  	s7 =	rddreg [dreg:$0x0]  }
0x2: {  	s0 =	rddreg [dreg:$0x1];
	_ =	strace $0x8000004D  }
0x3: {  	s1 =	srdreg.scid;
	s4 =	simm.s32 $0x1;
	s9 =	simm.s32 $0x3  }
0x4: {  	s11 =	simm.s32 $0x0;
	p0 =	por $0x0, $0x0;
	s5 =	sshll.u32 s1, $0x4  }
.Ltmp0:
0x5: {  	s1 =	stileid.u32;
	s5 =	sand.u32 $0x10, s5;
	(pc) =	sbr.rel .LBB2_1-.Ltmp0, $4  }
0x6: {  	s2 =	sadd.s32 $0x102400, s7;
	s3 =	sadd.s32 $0x82400, s7;
	s6 =	sor.u32 s1, s5  }
0x7: {  	[sflag:s4] =	ssyncpa.u1 $0x0;
	s5 =	simm.s32 $0x2;
	s6 =	sshll.u32 s6, $0xB  }
0x8: {  	s7 =	sadd.s32 $0x202400, s7;
	[sflag:s5] =	ssyncpa.u1 $0x0;
	s8 =	sadd.s32 $0x800, s6  }
0x9: {  	vm0 =	vmmov $0xff;
	vm1 =	vcmask $0x3F20;
	[sflag:s9] =	ssyncpa.u1 $0x0;
	s10 =	smov.u32 s6;
	s9 =	simm.s32 $0x0  }
.LBB2_7:
0xa: {  	p1 =	slt.u32 s9, $0x2;
	s11 =	sadd.s32 $0x100, s10  }
0xb: {  	s13 =	smov.u32 s6;
	s9 =	sadd.s32 $0x1, s9;
	p2 =	slt.s32 s11, s8  }
0xc: {  	s13 =	smov.u32 @p2 s11;
	p2 =	sne.s32 s9, $0xA  }
.Ltmp1:
0xd: {  	_ = 	snop;
	(pc) =	sbr.rel @!p2 .LBB2_8-.Ltmp1, $4  }
0xe: {  	s12 =	simm.s32 @!p1 $0x3  }
0xf: {  	_ =	swait.ge @!p1 [sflag:s12], $0x8000  }
0x10: {  	p0 =	por !p0, !p0;
	[sflag:s12] =	ssyncset.done @!p1 $0x0  }
0x11: {  	s11 =	smov.u32 s10;
	s10 =	smov.u32 s13;
	[sflag:s12] =	ssyncadd.s32 @!p1 $0xFFFF8000  }
.LBB2_1:
0x12: {  	p1 =	sgt.u32 s9, $0x7  }
0x13: {  	s12 =	sxor.u32 @!p1 $0xFFFFFFFF, s9  }
0x14: {  	s13 =	sshrl.u32 @!p1 s10, $0x3;
	s12 =	sshll.u32 @!p1 s12, $0x8  }
0x15: {  	s14 =	sand.u32 @!p1 $0x7, s10;
	s13 =	sadd.s32 @!p1 s3, s13;
	s12 =	sand.u32 @!p1 $0x100, s12  }
0x16: {  	[tilespmem:s12], [sflag:$0x2] =	stream.linear.gather @!p1 [hbm4b:s13+s14], $0x100, $0x38;
	[tilespmem:$0x10200] =	vst v63  }
0x17: {  	p1 =	seq.s32 s9, $0x0  }
0x18: {  	p2 =	seq.s32 @!p1 s9, $0x9  }
0x19: {  	p1 =	por p1, p2  }
.Ltmp2:
0x1a: {  	_ = 	snop;
	(pc) =	sbr.rel @p1 .LBB2_7-.Ltmp2, $1  }
0x1b: {  	_ =	sdelay $0x3  }
0x1c: {  	s12 =	simm.s32 $0x1  }
0x1d: {  	_ =	swait.ge [sflag:s5], $0x100;
	s12 =	simm.s32 @!p0 $0x0  }
0x1e: {  	[sflag:s5] =	ssyncset.done $0x0;
	s14 =	sshll.u32 s12, $0x8  }
0x1f: {  	[sflag:s5] =	ssyncadd.s32 $0xFFFFFF00;
	s13 =	sadd.s32 $0x0, s14  }
0x20: {  	v0 =	vld.msk [tilespmem:s13+$0x0 ss:$0x1], $0xffff;
	_ =	sdelay $0x4  }
0x21: {  	vm2 =	veq.s32 v0, $0x80000000  }
0x22: {  	v1 =	vshll.u32 v0, $0x16;
	v2 =	vshll.u32 v0, $0x11;
	v0 =	vshll.u32 v0, $0x2  }
0x23: {  	v1 =	vand.u32 $0x400000, v1;
	v2 =	vand.u32 $0x3C0000, v2;
	v0 =	vand.u32 $0x3FF80, v0  }
0x24: {  	v1 =	vor.u32 v2, v1;
	v0 =	vsel vm2, $0xFFFFFF80, v0  }
0x25: {  	v1 =	vsel vm2, $0xFFBC0000, v1;
	v2 =	vand.u32 $0xFFFFFC00, v0  }
0x26: {  	v0 =	vand.u32 $0x380, v0;
	v1 =	vadd.s32 v2, v1  }
0x27: {  	v0 =	vor.u32 v0, v1  }
0x28: {  	v0 =	vshrl.u32 v0, $0x3;
	_ =	sdelay $0x2  }
0x29: {  	s12 =	sshll.u32 s12, $0xF  }
0x2a: {  	s12 =	sor.u32 $0x200, s12  }
0x2b: {  	[tilespmem:s12], [sflag:$0x1] =	stream.indirect_vreg.gather [hbm:s2], $0x80, v0, vm0, $0x38;
	[tilespmem:$0x10200] =	vst v63  }
0x2c: {  	s15 =	sadd.s32 $0x10, s14;
	s13 =	sadd.s32 $0x400, s12  }
0x2d: {  	[tilespmem:s13], [sflag:$0x1] =	stream.indirect_vreg.gather [hbm:s2], $0x80, v0, vm1, $0x38;
	[tilespmem:$0x10200] =	vst v63  }
0x2e: {  	s16 =	simm.s32 $0x80;
	v0 =	vld.msk [tilespmem:s15+$0x0 ss:$0x1], $0xffff;
	s15 =	smov.u32 s12  }
.LBB2_3:
0x2f: {  	p1 =	sne.s32 s16, $0x3C0;
	_ =	sdelay $0x4  }
0x30: {  	vm2 =	veq.s32 v0, $0x80000000  }
0x31: {  	v1 =	vshll.u32 v0, $0x16;
	v2 =	vshll.u32 v0, $0x11;
	v0 =	vshll.u32 v0, $0x2  }
0x32: {  	v1 =	vand.u32 $0x400000, v1;
	v2 =	vand.u32 $0x3C0000, v2;
	v0 =	vand.u32 $0x3FF80, v0  }
0x33: {  	v1 =	vor.u32 v2, v1;
	v0 =	vsel vm2, $0xFFFFFF80, v0  }
0x34: {  	v1 =	vsel vm2, $0xFFBC0000, v1;
	v2 =	vand.u32 $0xFFFFFC00, v0  }
0x35: {  	v0 =	vand.u32 $0x380, v0;
	v1 =	vadd.s32 v2, v1  }
0x36: {  	v0 =	vor.u32 v0, v1  }
0x37: {  	v0 =	vshrl.u32 v0, $0x3;
	_ =	sdelay $0x3  }
.Ltmp3:
0x38: {  	s17 =	sshra.s32 s16, $0x2;
	s15 =	sadd.s32 $0x800, s15;
	(pc) =	sbr.rel @p1 .LBB2_3-.Ltmp3, $4  }
0x39: {  	[tilespmem:s15], [sflag:$0x1] =	stream.indirect_vreg.gather [hbm:s2], $0x80, v0, vm0, $0x38;
	[tilespmem:$0x10200] =	vst v63  }
0x3a: {  	s17 =	sadd.s32 s17, s14;
	s18 =	sadd.s32 $0x400, s15  }
0x3b: {  	[tilespmem:s18], [sflag:$0x1] =	stream.indirect_vreg.gather [hbm:s2], $0x80, v0, vm1, $0x38;
	[tilespmem:$0x10200] =	vst v63  }
0x3c: {  	s16 =	sadd.s32 $0x40, s16;
	v0 =	vld.msk [tilespmem:s17+$0x0 ss:$0x1], $0xffff  }
0x3d: {  	_ =	sdelay $0x3  }
0x3e: {  	vm2 =	veq.s32 v0, $0x80000000  }
0x3f: {  	v1 =	vshll.u32 v0, $0x16;
	v2 =	vshll.u32 v0, $0x11;
	v62 =	vshll.u32 v0, $0x2  }
0x40: {  	v1 =	vand.u32 $0x400000, v1;
	v2 =	vand.u32 $0x3C0000, v2;
	v0 =	vand.u32 $0x3FF80, v62  }
0x41: {  	v1 =	vor.u32 v2, v1;
	v0 =	vsel vm2, $0xFFFFFF80, v0  }
0x42: {  	v1 =	vsel vm2, $0xFFBC0000, v1;
	v63 =	vand.u32 $0xFFFFFC00, v0  }
0x43: {  	v0 =	vand.u32 $0x380, v0;
	v1 =	vadd.s32 v63, v1  }
0x44: {  	v0 =	vor.u32 v0, v1  }
0x45: {  	v0 =	vshrl.u32 v0, $0x3;
	_ =	sdelay $0x3  }
0x46: {  	s14 =	sadd.s32 $0x800, s15  }
0x47: {  	[tilespmem:s14], [sflag:$0x1] =	stream.indirect_vreg.gather [hbm:s2], $0x80, v0, vm0, $0x38;
	[tilespmem:$0x10200] =	vst v63  }
0x48: {  	s14 =	sadd.s32 $0x400, s14  }
0x49: {  	[tilespmem:s14], [sflag:$0x1] =	stream.indirect_vreg.gather [hbm:s2], $0x80, v0, vm1, $0x38;
	[tilespmem:$0x10200] =	vst v63  }
0x4a: {  	s11 =	sshll.u32 s11, $0x4;
	_ =	swait.ge [sflag:s4], $0x8000  }
0x4b: {  	s11 =	sadd.s32 s11, s7;
	[sflag:s4] =	ssyncset.done $0x0  }
0x4c: {  	s15 =	sadd.s32 $0x0, s11;
	s14 =	simm.s32 $0x80;
	[sflag:s4] =	ssyncadd.s32 $0xFFFF8000  }
.LBB2_5:
0x4d: {  	[hbm:s15] =	stream.linear.scatter [tilespmem:s12], [sflag:$0x3], $0x400, $0x38;
	[tilespmem:$0x10200] =	vst v63  }
0x4e: {  	s15 =	smov.u32 s14;
	s12 =	smov.u32 s13;
	p1 =	sne.s32 s14, $0xF80  }
.Ltmp4:
0x4f: {  	s14 =	sadd.s32 $0x80, s14;
	(pc) =	sbr.rel @p1 .LBB2_5-.Ltmp4, $2  }
0x50: {  	_ =	sdelay $0x2  }
0x51: {  	s13 =	sadd.s32 $0x400, s13;
	s15 =	sadd.s32 s15, s11  }
.Ltmp5:
0x52: {  	(pc) =	sbr.rel .LBB2_7-.Ltmp5, $2  }
0x53: {  	_ =	sdelay $0x2  }
0x54: {  	[hbm:s15] =	stream.linear.scatter [tilespmem:s12], [sflag:$0x3], $0x400, $0x38;
	[tilespmem:$0x10200] =	vst v63  }
.LBB2_8:
0x55: {  	_ =	sfence.sel $0x180000  }
0x56: {  	s2 =	simm.s32 $0x2;
	[bflag:$0x0] =	sbarrier.arrive $0xFFFF  }
0x57: {  	s30 =	simm.s32 $0x3;
	[sflag:s2] =	ssyncpa.u1 $0x1  }
0x58: {  	s31 =	simm.s32 $0x1;
	[sflag:s30] =	ssyncpa.u1 $0x1  }
0x59: {  	[sflag:s31] =	ssyncpa.u1 $0x1  }
0x5a: {  	p0 =	sne.s32 s1, $0x0;
	_ =	strace $0x9000004D  }
0x5b: {  	s0 =	sadd.s32 @!p0 $0x100000, s0;
	[bflag:$0x2] =	sbarrier.arrive $0xFFFF  }
0x5c: {  	[sflag:s0] =	ssyncadd.tile.s32 @!p0 $0x1;
	_ =	shalt  }
.Lfunc_end2:
_tile_overlayer_lowered:
.L_overlay_start_2:
0x5d: {  	(tag) =	ssettag $0x2  }
0x5e: {  	s0 =	rddreg [dreg:$0x0];
	s2 =	stileid.u32  }
0x5f: {  	s1 =	rddreg [dreg:$0x1];
	p0 =	sne.s32 s2, $0x0  }
0x60: {  	s3 =	rddreg [dreg:$0x2];
	[bflag:$0x3] =	sbarrier.arrive $0xFFFF;
	s2 =	simm.s32 @!p0 $0x1C01  }
0x61: {  	[timem:s3], [sflag:s2] =	dma.local @!p0 [hbm:s0], s1  }
0x62: {  	s0 =	simm.s32 @!p0 $0x1  }
0x63: {  	_ =	swait.ge @!p0 [sflag:s0], s1  }
0x64: {  	s1 =	ssub.s32 @!p0 $0x0, s1;
	[sflag:s0] =	ssyncset.done @!p0 $0x0  }
0x65: {  	[sflag:s0] =	ssyncadd.s32 @!p0 s1  }
0x66: {  	[bflag:$0x3] =	sbarrier.arrive $0xFFFF  }
0x67: {  	_ =	shalt  }

// kernel: gather_offload_async_start.3
scs
__scs_entry_jumppad:
0x0: {  	(pc) =	sbr.rel $0x88, $3  }
0x1: {  	(tag) =	ssettag $0x0;
	lr =	simm.s32 $0x1  }
0x2: {  	[smem:$0x3F80] =	sst lr;
	_ =	strace $0xD0000000  }
0x3: {  	_ = 	snop  }
0x4: {  	_ = 	snop  }
0x5: {  	_ = 	snop  }
0x6: {  	_ = 	snop  }
0x7: {  	_ = 	snop  }
__scs_overlays_trampoline_lowered:
0x8: {  	[smem:$0x3F8F] =	sst s0  }
0x9: {  	[smem:$0x3F90] =	sst s1  }
0xa: {  	[smem:$0x3F91] =	sst s2  }
0xb: {  	[smem:$0x3F92] =	sst s3  }
0xc: {  	[smem:$0x3F93] =	sst s4  }
0xd: {  	[smem:$0x3F94] =	sst s5  }
0xe: {  	[smem:$0x3F95] =	sst s6  }
0xf: {  	[smem:$0x3F96] =	sst s7  }
0x10: {  	[smem:$0x3F97] =	sst s8  }
0x11: {  	[smem:$0x3F98] =	sst s9;
	s0 =	simm.s32 @!p0 $0x0  }
0x12: {  	s1 =	sld [smem:$0x3F7E];
	s0 =	simm.s32 @p0 $0x1  }
0x13: {  	[smem:$0x3F99] =	sst s0;
	s0 =	simm.s32 @!p1 $0x0  }
0x14: {  	s2 =	sld [smem:$0x3F7D];
	s0 =	simm.s32 @p1 $0x1  }
0x15: {  	[smem:$0x3F9A] =	sst s0;
	s0 =	simm.s32 @!p2 $0x0  }
0x16: {  	s3 =	sld [smem:$0x3FDB];
	s0 =	simm.s32 @p2 $0x1  }
0x17: {  	s4 =	simm.s32 $0x1BF5;
	[smem:$0x3F9C] =	sst s0  }
0x18: {  	s0 =	sld [smem:$0x3F7F];
	_ =	swait.ge [sflag:s4], $0x0  }
0x19: {  	s7 =	sld [smem:$0x3F80]  }
0x1a: {  	s8 =	sadd.s32 $0xFFFFE003, lr  }
0x1b: {  	s9 =	sadd.s32 $0xFFFFFEF7, lr;
	s5 =	simm.s32 $0xFFFFFFFF;
	p2 =	slt.u32 s8, $0xFFFFF086  }
0x1c: {  	p1 =	slt.u32 s9, $0xF7A;
	s5 =	simm.s32 @!p2 $0x0  }
0x1d: {  	s5 =	simm.s32 @p1 $0x1;
	p0 =	seq.s32 s7, s2  }
0x1e: {  	s7 =	smul.u32 @!p0 $0xF7A, s2;
	p2 =	seq.s32 @!p0 s5, $0x0  }
0x1f: {  	s9 =	smul.u32 $0xF7A, s1;
	s8 =	simm.s32 @!p0 $0x1BF5;
	p2 =	por !p2, p0  }
0x20: {  	[sflag:s8] =	ssyncset.s32 @!p0 $0xFFFFF086;
	s6 =	sadd.s32 @!p0 s3, s7;
	s7 =	simm.s32 @!p0 $0x108  }
0x21: {  	s3 =	sadd.s32 s3, s9;
	s6 =	sadd.s32 @!p0 $0x88, s6;
	s7 =	simm.s32 @p2 $0x1082  }
0x22: {  	[simem:s7], [sflag:s8] =	dma.local @!p0 [hbm:s6], $0xF7A  }
0x23: {  	s9 =	sor.u32 $0xD0000000, s2;
	s6 =	simm.s32 $0x108;
	_ =	swait.ge @!p0 [sflag:s8], $0x0  }
0x24: {  	s3 =	sadd.s32 $0x88, s3;
	s6 =	simm.s32 @!p1 $0x1082;
	[sflag:s4] =	ssyncset.s32 $0xFFFFF086  }
0x25: {  	[simem:s6], [sflag:s4] =	dma.local [hbm:s3], $0xF7A  }
0x26: {  	[smem:$0x3F80] =	sst s1;
	(tag) =	ssettag s2;
	_ =	strace s9  }
0x27: {  	s1 =	sld [smem:$0x3F90]  }
0x28: {  	s2 =	sld [smem:$0x3F91]  }
0x29: {  	s4 =	sld [smem:$0x3F93]  }
0x2a: {  	p0 =	seq.s32 s5, $0x0;
	s5 =	sld [smem:$0x3F94]  }
0x2b: {  	s6 =	sld [smem:$0x3F95]  }
0x2c: {  	s7 =	sld [smem:$0x3F96]  }
0x2d: {  	s3 =	simm.s32 $0x108;
	s8 =	sld [smem:$0x3F97]  }
0x2e: {  	s3 =	simm.s32 @!p0 $0x1082;
	s9 =	sld [smem:$0x3F98]  }
0x2f: {  	lr =	sadd.s32 s0, s3;
	s0 =	sld [smem:$0x3F8F]  }
0x30: {  	s3 =	sld [smem:$0x3F92]  }
0x31: {  	[smem:$0x3F9B] =	sst s10  }
0x32: {  	s10 =	sld [smem:$0x3F99];
	_ =	sdelay $0x3  }
0x33: {  	p0 =	seq.s32 s10, $0x1;
	s10 =	sld [smem:$0x3F9B];
	_ =	sdelay $0x3  }
0x34: {  	[smem:$0x3F9B] =	sst s10  }
0x35: {  	s10 =	sld [smem:$0x3F9A];
	_ =	sdelay $0x3  }
0x36: {  	p1 =	seq.s32 s10, $0x1;
	s10 =	sld [smem:$0x3F9B];
	_ =	sdelay $0x3  }
0x37: {  	[smem:$0x3F9B] =	sst s10  }
0x38: {  	s10 =	sld [smem:$0x3F9C]  }
0x39: {  	_ = 	snop;
	(pc) =	sbr.ind lr, $3  }
0x3a: {  	_ = 	snop  }
0x3b: {  	_ = 	snop  }
0x3c: {  	p2 =	seq.s32 s10, $0x1;
	s10 =	sld [smem:$0x3F9B]  }
0x3d: {  	_ =	shalt  }
0x3e: {  	_ =	shalt  }
0x3f: {  	_ =	shalt  }
0x40: {  	_ =	shalt  }
0x41: {  	_ =	shalt  }
0x42: {  	_ =	shalt  }
0x43: {  	_ =	shalt  }
0x44: {  	_ =	shalt  }
0x45: {  	_ =	shalt  }
0x46: {  	_ =	shalt  }
0x47: {  	_ =	shalt  }
0x48: {  	_ =	shalt  }
0x49: {  	_ =	shalt  }
0x4a: {  	_ =	shalt  }
0x4b: {  	_ =	shalt  }
0x4c: {  	_ =	shalt  }
0x4d: {  	_ =	shalt  }
0x4e: {  	_ =	shalt  }
0x4f: {  	_ =	shalt  }
0x50: {  	_ =	shalt  }
0x51: {  	_ =	shalt  }
0x52: {  	_ =	shalt  }
0x53: {  	_ =	shalt  }
0x54: {  	_ =	shalt  }
0x55: {  	_ =	shalt  }
0x56: {  	_ =	shalt  }
0x57: {  	_ =	shalt  }
0x58: {  	_ =	shalt  }
0x59: {  	_ =	shalt  }
0x5a: {  	_ =	shalt  }
0x5b: {  	_ =	shalt  }
0x5c: {  	_ =	shalt  }
0x5d: {  	_ =	shalt  }
0x5e: {  	_ =	shalt  }
0x5f: {  	_ =	shalt  }
0x60: {  	_ =	shalt  }
0x61: {  	_ =	shalt  }
0x62: {  	_ =	shalt  }
0x63: {  	_ =	shalt  }
0x64: {  	_ =	shalt  }
0x65: {  	_ =	shalt  }
0x66: {  	_ =	shalt  }
0x67: {  	_ =	shalt  }
0x68: {  	_ =	shalt  }
0x69: {  	_ =	shalt  }
0x6a: {  	_ =	shalt  }
0x6b: {  	_ =	shalt  }
0x6c: {  	_ =	shalt  }
0x6d: {  	_ =	shalt  }
0x6e: {  	_ =	shalt  }
0x6f: {  	_ =	shalt  }
0x70: {  	_ =	shalt  }
0x71: {  	_ =	shalt  }
0x72: {  	_ =	shalt  }
0x73: {  	_ =	shalt  }
0x74: {  	_ =	shalt  }
0x75: {  	_ =	shalt  }
0x76: {  	_ =	shalt  }
0x77: {  	_ =	shalt  }
0x78: {  	_ =	shalt  }
0x79: {  	_ =	shalt  }
0x7a: {  	_ =	shalt  }
0x7b: {  	_ =	shalt  }
0x7c: {  	_ =	shalt  }
0x7d: {  	_ =	shalt  }
0x7e: {  	_ =	shalt  }
0x7f: {  	_ =	shalt  }
0x80: {  	_ =	shalt  }
0x81: {  	_ =	shalt  }
0x82: {  	_ =	shalt  }
0x83: {  	_ =	shalt  }
0x84: {  	_ =	shalt  }
0x85: {  	_ =	shalt  }
0x86: {  	_ =	shalt  }
0x87: {  	_ =	shalt  }
.Lfunc_end0:
.L_simem_size_0:
called_computation.3_lowered:
.L_overlay_start_0:
0x88: {  	s2 =	sld [smem:$0x3FD9]  }
0x89: {  	s3 =	sld [smem:$0x3FFE];
	_ =	sdelay $0x1  }
0x8a: {  	s1 =	srdreg.scid  }
0x8b: {  	s0 =	sand.u32 $0x1, s1  }
0x8c: {  	s17 =	sshll.u32 s0, $0xA;
	s2 =	sadd.s32 s3, s2  }
0x8d: {  	s2 =	sadd.s32 s2, s17  }
0x8e: {  	[smem:$0x3FA7] =	sst s2  }
0x8f: {  	_ = 	snop  }
0x90: {  	(tm) =	ssettm $0x1  }
0x91: {  	s18 =	sld [smem:$0x3FFB];
	_ =	sdelay $0x3  }
0x92: {  	_ =	strace s18  }
0x93: {  	s2 =	sld [smem:$0x3FFC];
	_ =	sdelay $0x3  }
0x94: {  	_ =	strace s2  }
0x95: {  	s2 =	sld [smem:$0x3FFD];
	_ =	sdelay $0x3  }
0x96: {  	_ =	strace s2  }
0x97: {  	_ =	strace $0x8FFFFFFF  }
0x98: {  	s19 =	sld [smem:$0x3FDB];
	_ =	sdelay $0x1  }
0x99: {  	s20 =	simm.s32 $_scs_section_size  }
0x9a: {  	s4 =	simm.s32 $_size__tile_overlayer_lowered;
	s5 =	simm.s32 $_tile_overlayer_lowered  }
0x9b: {  	s6 =	simm.s32 $0x1BFF;
	s21 =	sshll.u32 s5, $0x1;
	s3 =	sadd.s32 s20, s19  }
0x9c: {  	s22 =	simm.s32 $0x0;
	s4 =	sshll.u32 s4, $0x1;
	s5 =	sadd.s32 s21, s3  }
0x9d: {  	[timem:s22], [sflag:s6] =	dma.local [hbm:s5], s4  }
0x9e: {  	_ =	swait.ge [sflag:s6], s4  }
0x9f: {  	s4 =	ssub.s32 $0x0, s4;
	[sflag:s6] =	ssyncset.done $0x0  }
0xa0: {  	[sflag:s6] =	ssyncadd.s32 s4;
	_ =	sdelay $0x1  }
0xa1: {  	s23 =	simm.s32 $0x1B8B  }
0xa2: {  	_ =	swait.ge [sflag:s23], $0x1  }
0xa3: {  	[sflag:s23] =	ssyncset.done $0x0  }
0xa4: {  	[sflag:s23] =	ssyncadd.s32 $0xFFFFFFFF  }
0xa5: {  	s4 =	sld [smem:$0x0]  }
0xa6: {  	s5 =	sand.u32 $0xFFFFFFFE, s1  }
0xa7: {  	p0 =	sne.s32 s1, s5  }
0xa8: {  	s5 =	sshll.u32 @p0 s5, $0xE  }
0xa9: {  	s5 =	sadd.s32 @p0 $0x11B8D, s5;
	s6 =	sshll.u32 @p0 s4, $0x11  }
0xaa: {  	s5 =	sor.u32 @p0 s6, s5  }
0xab: {  	[sflag:s5] =	ssyncadd.remote.s32 @p0 $0x1;
	_ =	sdelay $0x1  }
0xac: {  	s5 =	simm.s32 @p0 $0x1B8D  }
0xad: {  	_ =	swait.eq @p0 [sflag:s5], $0x1  }
0xae: {  	[sflag:s5] =	ssyncadd.s32 @p0 $0xFFFFFFFF  }
0xaf: {  	s6 =	sshll.u32 @!p0 s1, $0xE  }
0xb0: {  	s6 =	sor.u32 @!p0 $0x4000, s6;
	s5 =	simm.s32 @!p0 $0x1B8D  }
0xb1: {  	s4 =	sshll.u32 @!p0 s4, $0x11;
	s6 =	sadd.s32 @!p0 $0x11B8D, s6;
	_ =	swait.eq @!p0 [sflag:s5], $0x1  }
0xb2: {  	s4 =	sor.u32 @!p0 s4, s6;
	[sflag:s5] =	ssyncadd.s32 @!p0 $0xFFFFFFFF  }
0xb3: {  	s25 =	simm.s32 $0x1B8E;
	s24 =	sld [smem:$0x3FFE];
	[sflag:s4] =	ssyncadd.remote.s32 @!p0 $0x1  }
0xb4: {  	s26 =	simm.s32 $execute0_lowered;
	[smem:$0x3FD2] =	sst s25  }
0xb5: {  	s5 =	sshll.u32 s26, $0x1;
	_ =	strace $0x8000004F;
	[dreg:$0x1] =	wrdreg $0xFFFFFFFF  }
0xb6: {  	s28 =	simm.s32 $_size_execute0_lowered;
	s3 =	sadd.s32 s3, s5;
	[dreg:$0x0] =	wrdreg $0x0  }
0xb7: {  	s5 =	sshll.u32 s28, $0x1;
	[dreg:$0x2] =	wrdreg s3  }
0xb8: {  	[dreg:$0x3] =	wrdreg s5  }
0xb9: {  	[dreg:$0x4] =	wrdreg $0xC0  }
0xba: {  	_ =	task [dreg:s22], $0x5FFFF  }
0xbb: {  	[dreg:$0x1] =	wrdreg $0xFFFFFFFF  }
0xbc: {  	[dreg:$0x0] =	wrdreg $0x60  }
0xbd: {  	[dreg:$0x2] =	wrdreg s24  }
0xbe: {  	[dreg:$0x3] =	wrdreg $0xA  }
0xbf: {  	_ =	task.clear_ibuf [dreg:s22], $0x4FFFF;
	_ =	strace $0x9000004F  }
0xc0: {  	s29 =	simm.s32 $0xA;
	_ =	strace $0x80000051  }
0xc1: {  	_ =	swait.ge [sflag:s29], $0x1  }
0xc2: {  	[sflag:s29] =	ssyncadd.s32 $0xFFFFFFFF  }
0xc3: {  	_ =	strace $0x90000051  }
0xc4: {  	_ =	sfence  }
0xc5: {  	s30 =	sld [smem:$0x0];
	_ =	sdelay $0x2  }
0xc6: {  	s31 =	sshll.u32 s1, $0xD;
	s1 =	sshrl.u32 s1, $0x2  }
0xc7: {  	s4 =	sand.u32 $0x4000, s31;
	s1 =	sadd.s32 s1, s30  }
0xc8: {  	s0 =	sor.u32 s4, s0;
	s1 =	sshll.u32 s1, $0x11  }
0xc9: {  	s0 =	sor.u32 s1, s0  }
0xca: {  	s0 =	sadd.s32 $0x8F2B, s0  }
0xcb: {  	[sflag:s0] =	ssyncadd.remote.s32 $0x1  }
0xcc: {  	_ =	sfence.sel $0xFFFF  }
0xcd: {  	[dreg:$0x0] =	wrdreg $0xFFFFFFFF;
	(pc) =	sbr.abs _section_cstart, $3  }
0xce: {  	[dreg:$0x1] =	wrdreg $0xFFFFFFFF  }
0xcf: {  	_ =	task.clear_ibuf [dreg:s22], $0x2FFFF;
	_ =	strace $0x9FFFFFFF  }
0xd0: {  	(tm) =	ssettm $0x7FFFFFFF  }
0xd1: {  	_ =	shalt  }
tec
execute0_lowered:
.L_overlay_start_1:
0x0: {  	(tag) =	ssettag $0x1  }
0x1: {  	s7 =	rddreg [dreg:$0x0]  }
0x2: {  	s0 =	rddreg [dreg:$0x1];
	_ =	strace $0x80000050  }
0x3: {  	s1 =	srdreg.scid;
	s4 =	simm.s32 $0x1;
	s9 =	simm.s32 $0x3  }
0x4: {  	s11 =	simm.s32 $0x0;
	p0 =	por $0x0, $0x0;
	s5 =	sshll.u32 s1, $0x4  }
.Ltmp0:
0x5: {  	s1 =	stileid.u32;
	s5 =	sand.u32 $0x10, s5;
	(pc) =	sbr.rel .LBB2_1-.Ltmp0, $4  }
0x6: {  	s2 =	sadd.s32 $0x382400, s7;
	s3 =	sadd.s32 $0x82400, s7;
	s6 =	sor.u32 s1, s5  }
0x7: {  	[sflag:s4] =	ssyncpa.u1 $0x0;
	s5 =	simm.s32 $0x2;
	s6 =	sshll.u32 s6, $0xB  }
0x8: {  	s7 =	sadd.s32 $0x482400, s7;
	[sflag:s5] =	ssyncpa.u1 $0x0;
	s8 =	sadd.s32 $0x800, s6  }
0x9: {  	vm0 =	vmmov $0xff;
	vm1 =	vcmask $0x3F20;
	[sflag:s9] =	ssyncpa.u1 $0x0;
	s10 =	smov.u32 s6;
	s9 =	simm.s32 $0x0  }
.LBB2_7:
0xa: {  	p1 =	slt.u32 s9, $0x2;
	s11 =	sadd.s32 $0x100, s10  }
0xb: {  	s13 =	smov.u32 s6;
	s9 =	sadd.s32 $0x1, s9;
	p2 =	slt.s32 s11, s8  }
0xc: {  	s13 =	smov.u32 @p2 s11;
	p2 =	sne.s32 s9, $0xA  }
.Ltmp1:
0xd: {  	_ = 	snop;
	(pc) =	sbr.rel @!p2 .LBB2_8-.Ltmp1, $4  }
0xe: {  	s12 =	simm.s32 @!p1 $0x3  }
0xf: {  	_ =	swait.ge @!p1 [sflag:s12], $0x8000  }
0x10: {  	p0 =	por !p0, !p0;
	[sflag:s12] =	ssyncset.done @!p1 $0x0  }
0x11: {  	s11 =	smov.u32 s10;
	s10 =	smov.u32 s13;
	[sflag:s12] =	ssyncadd.s32 @!p1 $0xFFFF8000  }
.LBB2_1:
0x12: {  	p1 =	sgt.u32 s9, $0x7  }
0x13: {  	s12 =	sxor.u32 @!p1 $0xFFFFFFFF, s9  }
0x14: {  	s13 =	sshrl.u32 @!p1 s10, $0x3;
	s12 =	sshll.u32 @!p1 s12, $0x8  }
0x15: {  	s14 =	sand.u32 @!p1 $0x7, s10;
	s13 =	sadd.s32 @!p1 s3, s13;
	s12 =	sand.u32 @!p1 $0x100, s12  }
0x16: {  	[tilespmem:s12], [sflag:$0x2] =	stream.linear.gather @!p1 [hbm4b:s13+s14], $0x100, $0x38;
	[tilespmem:$0x10200] =	vst v63  }
0x17: {  	p1 =	seq.s32 s9, $0x0  }
0x18: {  	p2 =	seq.s32 @!p1 s9, $0x9  }
0x19: {  	p1 =	por p1, p2  }
.Ltmp2:
0x1a: {  	_ = 	snop;
	(pc) =	sbr.rel @p1 .LBB2_7-.Ltmp2, $1  }
0x1b: {  	_ =	sdelay $0x3  }
0x1c: {  	s12 =	simm.s32 $0x1  }
0x1d: {  	_ =	swait.ge [sflag:s5], $0x100;
	s12 =	simm.s32 @!p0 $0x0  }
0x1e: {  	[sflag:s5] =	ssyncset.done $0x0;
	s14 =	sshll.u32 s12, $0x8  }
0x1f: {  	[sflag:s5] =	ssyncadd.s32 $0xFFFFFF00;
	s13 =	sadd.s32 $0x0, s14  }
0x20: {  	v0 =	vld.msk [tilespmem:s13+$0x0 ss:$0x1], $0xffff;
	_ =	sdelay $0x4  }
0x21: {  	vm2 =	veq.s32 v0, $0x80000000  }
0x22: {  	v1 =	vshll.u32 v0, $0x16;
	v2 =	vshll.u32 v0, $0x11;
	v0 =	vshll.u32 v0, $0x2  }
0x23: {  	v1 =	vand.u32 $0x400000, v1;
	v2 =	vand.u32 $0x3C0000, v2;
	v0 =	vand.u32 $0x3FF80, v0  }
0x24: {  	v1 =	vor.u32 v2, v1;
	v0 =	vsel vm2, $0xFFFFFF80, v0  }
0x25: {  	v1 =	vsel vm2, $0xFFBC0000, v1;
	v2 =	vand.u32 $0xFFFFFC00, v0  }
0x26: {  	v0 =	vand.u32 $0x380, v0;
	v1 =	vadd.s32 v2, v1  }
0x27: {  	v0 =	vor.u32 v0, v1  }
0x28: {  	v0 =	vshrl.u32 v0, $0x3;
	_ =	sdelay $0x2  }
0x29: {  	s12 =	sshll.u32 s12, $0xF  }
0x2a: {  	s12 =	sor.u32 $0x200, s12  }
0x2b: {  	[tilespmem:s12], [sflag:$0x1] =	stream.indirect_vreg.gather [hbm:s2], $0x80, v0, vm0, $0x38;
	[tilespmem:$0x10200] =	vst v63  }
0x2c: {  	s15 =	sadd.s32 $0x10, s14;
	s13 =	sadd.s32 $0x400, s12  }
0x2d: {  	[tilespmem:s13], [sflag:$0x1] =	stream.indirect_vreg.gather [hbm:s2], $0x80, v0, vm1, $0x38;
	[tilespmem:$0x10200] =	vst v63  }
0x2e: {  	s16 =	simm.s32 $0x80;
	v0 =	vld.msk [tilespmem:s15+$0x0 ss:$0x1], $0xffff;
	s15 =	smov.u32 s12  }
.LBB2_3:
0x2f: {  	p1 =	sne.s32 s16, $0x3C0;
	_ =	sdelay $0x4  }
0x30: {  	vm2 =	veq.s32 v0, $0x80000000  }
0x31: {  	v1 =	vshll.u32 v0, $0x16;
	v2 =	vshll.u32 v0, $0x11;
	v0 =	vshll.u32 v0, $0x2  }
0x32: {  	v1 =	vand.u32 $0x400000, v1;
	v2 =	vand.u32 $0x3C0000, v2;
	v0 =	vand.u32 $0x3FF80, v0  }
0x33: {  	v1 =	vor.u32 v2, v1;
	v0 =	vsel vm2, $0xFFFFFF80, v0  }
0x34: {  	v1 =	vsel vm2, $0xFFBC0000, v1;
	v2 =	vand.u32 $0xFFFFFC00, v0  }
0x35: {  	v0 =	vand.u32 $0x380, v0;
	v1 =	vadd.s32 v2, v1  }
0x36: {  	v0 =	vor.u32 v0, v1  }
0x37: {  	v0 =	vshrl.u32 v0, $0x3;
	_ =	sdelay $0x3  }
.Ltmp3:
0x38: {  	s17 =	sshra.s32 s16, $0x2;
	s15 =	sadd.s32 $0x800, s15;
	(pc) =	sbr.rel @p1 .LBB2_3-.Ltmp3, $4  }
0x39: {  	[tilespmem:s15], [sflag:$0x1] =	stream.indirect_vreg.gather [hbm:s2], $0x80, v0, vm0, $0x38;
	[tilespmem:$0x10200] =	vst v63  }
0x3a: {  	s17 =	sadd.s32 s17, s14;
	s18 =	sadd.s32 $0x400, s15  }
0x3b: {  	[tilespmem:s18], [sflag:$0x1] =	stream.indirect_vreg.gather [hbm:s2], $0x80, v0, vm1, $0x38;
	[tilespmem:$0x10200] =	vst v63  }
0x3c: {  	s16 =	sadd.s32 $0x40, s16;
	v0 =	vld.msk [tilespmem:s17+$0x0 ss:$0x1], $0xffff  }
0x3d: {  	_ =	sdelay $0x3  }
0x3e: {  	vm2 =	veq.s32 v0, $0x80000000  }
0x3f: {  	v1 =	vshll.u32 v0, $0x16;
	v2 =	vshll.u32 v0, $0x11;
	v62 =	vshll.u32 v0, $0x2  }
0x40: {  	v1 =	vand.u32 $0x400000, v1;
	v2 =	vand.u32 $0x3C0000, v2;
	v0 =	vand.u32 $0x3FF80, v62  }
0x41: {  	v1 =	vor.u32 v2, v1;
	v0 =	vsel vm2, $0xFFFFFF80, v0  }
0x42: {  	v1 =	vsel vm2, $0xFFBC0000, v1;
	v63 =	vand.u32 $0xFFFFFC00, v0  }
0x43: {  	v0 =	vand.u32 $0x380, v0;
	v1 =	vadd.s32 v63, v1  }
0x44: {  	v0 =	vor.u32 v0, v1  }
0x45: {  	v0 =	vshrl.u32 v0, $0x3;
	_ =	sdelay $0x3  }
0x46: {  	s14 =	sadd.s32 $0x800, s15  }
0x47: {  	[tilespmem:s14], [sflag:$0x1] =	stream.indirect_vreg.gather [hbm:s2], $0x80, v0, vm0, $0x38;
	[tilespmem:$0x10200] =	vst v63  }
0x48: {  	s14 =	sadd.s32 $0x400, s14  }
0x49: {  	[tilespmem:s14], [sflag:$0x1] =	stream.indirect_vreg.gather [hbm:s2], $0x80, v0, vm1, $0x38;
	[tilespmem:$0x10200] =	vst v63  }
0x4a: {  	s11 =	sshll.u32 s11, $0x4;
	_ =	swait.ge [sflag:s4], $0x8000  }
0x4b: {  	s11 =	sadd.s32 s11, s7;
	[sflag:s4] =	ssyncset.done $0x0  }
0x4c: {  	s15 =	sadd.s32 $0x0, s11;
	s14 =	simm.s32 $0x80;
	[sflag:s4] =	ssyncadd.s32 $0xFFFF8000  }
.LBB2_5:
0x4d: {  	[hbm:s15] =	stream.linear.scatter [tilespmem:s12], [sflag:$0x3], $0x400, $0x38;
	[tilespmem:$0x10200] =	vst v63  }
0x4e: {  	s15 =	smov.u32 s14;
	s12 =	smov.u32 s13;
	p1 =	sne.s32 s14, $0xF80  }
.Ltmp4:
0x4f: {  	s14 =	sadd.s32 $0x80, s14;
	(pc) =	sbr.rel @p1 .LBB2_5-.Ltmp4, $2  }
0x50: {  	_ =	sdelay $0x2  }
0x51: {  	s13 =	sadd.s32 $0x400, s13;
	s15 =	sadd.s32 s15, s11  }
.Ltmp5:
0x52: {  	(pc) =	sbr.rel .LBB2_7-.Ltmp5, $2  }
0x53: {  	_ =	sdelay $0x2  }
0x54: {  	[hbm:s15] =	stream.linear.scatter [tilespmem:s12], [sflag:$0x3], $0x400, $0x38;
	[tilespmem:$0x10200] =	vst v63  }
.LBB2_8:
0x55: {  	_ =	sfence.sel $0x180000  }
0x56: {  	s2 =	simm.s32 $0x2;
	[bflag:$0x0] =	sbarrier.arrive $0xFFFF  }
0x57: {  	s30 =	simm.s32 $0x3;
	[sflag:s2] =	ssyncpa.u1 $0x1  }
0x58: {  	s31 =	simm.s32 $0x1;
	[sflag:s30] =	ssyncpa.u1 $0x1  }
0x59: {  	[sflag:s31] =	ssyncpa.u1 $0x1  }
0x5a: {  	p0 =	sne.s32 s1, $0x0;
	_ =	strace $0x90000050  }
0x5b: {  	s0 =	sadd.s32 @!p0 $0x100000, s0;
	[bflag:$0x2] =	sbarrier.arrive $0xFFFF  }
0x5c: {  	[sflag:s0] =	ssyncadd.tile.s32 @!p0 $0x1;
	_ =	shalt  }
.Lfunc_end2:
_tile_overlayer_lowered:
.L_overlay_start_2:
0x5d: {  	(tag) =	ssettag $0x2  }
0x5e: {  	s0 =	rddreg [dreg:$0x0];
	s2 =	stileid.u32  }
0x5f: {  	s1 =	rddreg [dreg:$0x1];
	p0 =	sne.s32 s2, $0x0  }
0x60: {  	s3 =	rddreg [dreg:$0x2];
	[bflag:$0x3] =	sbarrier.arrive $0xFFFF;
	s2 =	simm.s32 @!p0 $0x1C01  }
0x61: {  	[timem:s3], [sflag:s2] =	dma.local @!p0 [hbm:s0], s1  }
0x62: {  	s0 =	simm.s32 @!p0 $0x1  }
0x63: {  	_ =	swait.ge @!p0 [sflag:s0], s1  }
0x64: {  	s1 =	ssub.s32 @!p0 $0x0, s1;
	[sflag:s0] =	ssyncset.done @!p0 $0x0  }
0x65: {  	[sflag:s0] =	ssyncadd.s32 @!p0 s1  }
0x66: {  	[bflag:$0x3] =	sbarrier.arrive $0xFFFF  }
0x67: {  	_ =	shalt  }

// kernel: gather_offload_async_start
scs
__scs_entry_jumppad:
0x0: {  	(pc) =	sbr.rel $0x88, $3  }
0x1: {  	(tag) =	ssettag $0x0;
	lr =	simm.s32 $0x1  }
0x2: {  	[smem:$0x3F80] =	sst lr;
	_ =	strace $0xD0000000  }
0x3: {  	_ = 	snop  }
0x4: {  	_ = 	snop  }
0x5: {  	_ = 	snop  }
0x6: {  	_ = 	snop  }
0x7: {  	_ = 	snop  }
__scs_overlays_trampoline_lowered:
0x8: {  	[smem:$0x3F8F] =	sst s0  }
0x9: {  	[smem:$0x3F90] =	sst s1  }
0xa: {  	[smem:$0x3F91] =	sst s2  }
0xb: {  	[smem:$0x3F92] =	sst s3  }
0xc: {  	[smem:$0x3F93] =	sst s4  }
0xd: {  	[smem:$0x3F94] =	sst s5  }
0xe: {  	[smem:$0x3F95] =	sst s6  }
0xf: {  	[smem:$0x3F96] =	sst s7  }
0x10: {  	[smem:$0x3F97] =	sst s8  }
0x11: {  	[smem:$0x3F98] =	sst s9;
	s0 =	simm.s32 @!p0 $0x0  }
0x12: {  	s1 =	sld [smem:$0x3F7E];
	s0 =	simm.s32 @p0 $0x1  }
0x13: {  	[smem:$0x3F99] =	sst s0;
	s0 =	simm.s32 @!p1 $0x0  }
0x14: {  	s2 =	sld [smem:$0x3F7D];
	s0 =	simm.s32 @p1 $0x1  }
0x15: {  	[smem:$0x3F9A] =	sst s0;
	s0 =	simm.s32 @!p2 $0x0  }
0x16: {  	s3 =	sld [smem:$0x3FDB];
	s0 =	simm.s32 @p2 $0x1  }
0x17: {  	s4 =	simm.s32 $0x1BF5;
	[smem:$0x3F9C] =	sst s0  }
0x18: {  	s0 =	sld [smem:$0x3F7F];
	_ =	swait.ge [sflag:s4], $0x0  }
0x19: {  	s7 =	sld [smem:$0x3F80]  }
0x1a: {  	s8 =	sadd.s32 $0xFFFFE003, lr  }
0x1b: {  	s9 =	sadd.s32 $0xFFFFFEF7, lr;
	s5 =	simm.s32 $0xFFFFFFFF;
	p2 =	slt.u32 s8, $0xFFFFF086  }
0x1c: {  	p1 =	slt.u32 s9, $0xF7A;
	s5 =	simm.s32 @!p2 $0x0  }
0x1d: {  	s5 =	simm.s32 @p1 $0x1;
	p0 =	seq.s32 s7, s2  }
0x1e: {  	s7 =	smul.u32 @!p0 $0xF7A, s2;
	p2 =	seq.s32 @!p0 s5, $0x0  }
0x1f: {  	s9 =	smul.u32 $0xF7A, s1;
	s8 =	simm.s32 @!p0 $0x1BF5;
	p2 =	por !p2, p0  }
0x20: {  	[sflag:s8] =	ssyncset.s32 @!p0 $0xFFFFF086;
	s6 =	sadd.s32 @!p0 s3, s7;
	s7 =	simm.s32 @!p0 $0x108  }
0x21: {  	s3 =	sadd.s32 s3, s9;
	s6 =	sadd.s32 @!p0 $0x88, s6;
	s7 =	simm.s32 @p2 $0x1082  }
0x22: {  	[simem:s7], [sflag:s8] =	dma.local @!p0 [hbm:s6], $0xF7A  }
0x23: {  	s9 =	sor.u32 $0xD0000000, s2;
	s6 =	simm.s32 $0x108;
	_ =	swait.ge @!p0 [sflag:s8], $0x0  }
0x24: {  	s3 =	sadd.s32 $0x88, s3;
	s6 =	simm.s32 @!p1 $0x1082;
	[sflag:s4] =	ssyncset.s32 $0xFFFFF086  }
0x25: {  	[simem:s6], [sflag:s4] =	dma.local [hbm:s3], $0xF7A  }
0x26: {  	[smem:$0x3F80] =	sst s1;
	(tag) =	ssettag s2;
	_ =	strace s9  }
0x27: {  	s1 =	sld [smem:$0x3F90]  }
0x28: {  	s2 =	sld [smem:$0x3F91]  }
0x29: {  	s4 =	sld [smem:$0x3F93]  }
0x2a: {  	p0 =	seq.s32 s5, $0x0;
	s5 =	sld [smem:$0x3F94]  }
0x2b: {  	s6 =	sld [smem:$0x3F95]  }
0x2c: {  	s7 =	sld [smem:$0x3F96]  }
0x2d: {  	s3 =	simm.s32 $0x108;
	s8 =	sld [smem:$0x3F97]  }
0x2e: {  	s3 =	simm.s32 @!p0 $0x1082;
	s9 =	sld [smem:$0x3F98]  }
0x2f: {  	lr =	sadd.s32 s0, s3;
	s0 =	sld [smem:$0x3F8F]  }
0x30: {  	s3 =	sld [smem:$0x3F92]  }
0x31: {  	[smem:$0x3F9B] =	sst s10  }
0x32: {  	s10 =	sld [smem:$0x3F99];
	_ =	sdelay $0x3  }
0x33: {  	p0 =	seq.s32 s10, $0x1;
	s10 =	sld [smem:$0x3F9B];
	_ =	sdelay $0x3  }
0x34: {  	[smem:$0x3F9B] =	sst s10  }
0x35: {  	s10 =	sld [smem:$0x3F9A];
	_ =	sdelay $0x3  }
0x36: {  	p1 =	seq.s32 s10, $0x1;
	s10 =	sld [smem:$0x3F9B];
	_ =	sdelay $0x3  }
0x37: {  	[smem:$0x3F9B] =	sst s10  }
0x38: {  	s10 =	sld [smem:$0x3F9C]  }
0x39: {  	_ = 	snop;
	(pc) =	sbr.ind lr, $3  }
0x3a: {  	_ = 	snop  }
0x3b: {  	_ = 	snop  }
0x3c: {  	p2 =	seq.s32 s10, $0x1;
	s10 =	sld [smem:$0x3F9B]  }
0x3d: {  	_ =	shalt  }
0x3e: {  	_ =	shalt  }
0x3f: {  	_ =	shalt  }
0x40: {  	_ =	shalt  }
0x41: {  	_ =	shalt  }
0x42: {  	_ =	shalt  }
0x43: {  	_ =	shalt  }
0x44: {  	_ =	shalt  }
0x45: {  	_ =	shalt  }
0x46: {  	_ =	shalt  }
0x47: {  	_ =	shalt  }
0x48: {  	_ =	shalt  }
0x49: {  	_ =	shalt  }
0x4a: {  	_ =	shalt  }
0x4b: {  	_ =	shalt  }
0x4c: {  	_ =	shalt  }
0x4d: {  	_ =	shalt  }
0x4e: {  	_ =	shalt  }
0x4f: {  	_ =	shalt  }
0x50: {  	_ =	shalt  }
0x51: {  	_ =	shalt  }
0x52: {  	_ =	shalt  }
0x53: {  	_ =	shalt  }
0x54: {  	_ =	shalt  }
0x55: {  	_ =	shalt  }
0x56: {  	_ =	shalt  }
0x57: {  	_ =	shalt  }
0x58: {  	_ =	shalt  }
0x59: {  	_ =	shalt  }
0x5a: {  	_ =	shalt  }
0x5b: {  	_ =	shalt  }
0x5c: {  	_ =	shalt  }
0x5d: {  	_ =	shalt  }
0x5e: {  	_ =	shalt  }
0x5f: {  	_ =	shalt  }
0x60: {  	_ =	shalt  }
0x61: {  	_ =	shalt  }
0x62: {  	_ =	shalt  }
0x63: {  	_ =	shalt  }
0x64: {  	_ =	shalt  }
0x65: {  	_ =	shalt  }
0x66: {  	_ =	shalt  }
0x67: {  	_ =	shalt  }
0x68: {  	_ =	shalt  }
0x69: {  	_ =	shalt  }
0x6a: {  	_ =	shalt  }
0x6b: {  	_ =	shalt  }
0x6c: {  	_ =	shalt  }
0x6d: {  	_ =	shalt  }
0x6e: {  	_ =	shalt  }
0x6f: {  	_ =	shalt  }
0x70: {  	_ =	shalt  }
0x71: {  	_ =	shalt  }
0x72: {  	_ =	shalt  }
0x73: {  	_ =	shalt  }
0x74: {  	_ =	shalt  }
0x75: {  	_ =	shalt  }
0x76: {  	_ =	shalt  }
0x77: {  	_ =	shalt  }
0x78: {  	_ =	shalt  }
0x79: {  	_ =	shalt  }
0x7a: {  	_ =	shalt  }
0x7b: {  	_ =	shalt  }
0x7c: {  	_ =	shalt  }
0x7d: {  	_ =	shalt  }
0x7e: {  	_ =	shalt  }
0x7f: {  	_ =	shalt  }
0x80: {  	_ =	shalt  }
0x81: {  	_ =	shalt  }
0x82: {  	_ =	shalt  }
0x83: {  	_ =	shalt  }
0x84: {  	_ =	shalt  }
0x85: {  	_ =	shalt  }
0x86: {  	_ =	shalt  }
0x87: {  	_ =	shalt  }
.Lfunc_end0:
.L_simem_size_0:
called_computation_lowered:
.L_overlay_start_0:
0x88: {  	s2 =	sld [smem:$0x3FD9]  }
0x89: {  	s3 =	sld [smem:$0x3FFE];
	_ =	sdelay $0x1  }
0x8a: {  	s1 =	srdreg.scid  }
0x8b: {  	s0 =	sand.u32 $0x1, s1  }
0x8c: {  	s14 =	sshll.u32 s0, $0xA;
	s2 =	sadd.s32 s3, s2  }
0x8d: {  	s2 =	sadd.s32 s2, s14  }
0x8e: {  	[smem:$0x3FA7] =	sst s2  }
0x8f: {  	_ = 	snop  }
0x90: {  	s2 =	sld [smem:$0x3FD0];
	_ =	sdelay $0x2  }
0x91: {  	s4 =	simm.s32 $0xB;
	s5 =	simm.s32 $0x10;
	s15 =	sld [smem:$0x3FA9]  }
0x92: {  	[smem:s5], [sflag:s4] =	dma.local [hbm:s2], $0x1  }
0x93: {  	_ =	swait.eq [sflag:s4], $0x1  }
0x94: {  	[sflag:s4] =	ssyncset.done $0x0  }
0x95: {  	[sflag:s4] =	ssyncadd.s32 $0xFFFFFFFF  }
0x96: {  	s16 =	sld [smem:$0x11];
	(tm) =	ssettm $0x1  }
0x97: {  	s17 =	sld [smem:$0x3FFB];
	_ =	sdelay $0x3  }
0x98: {  	_ =	strace s17  }
0x99: {  	s4 =	sld [smem:$0x3FFC];
	_ =	sdelay $0x3  }
0x9a: {  	_ =	strace s4  }
0x9b: {  	s4 =	sld [smem:$0x3FFD];
	_ =	sdelay $0x3  }
0x9c: {  	_ =	strace s4  }
0x9d: {  	_ =	strace $0x8FFFFFFF  }
0x9e: {  	s18 =	sld [smem:$0x3FDB];
	_ =	sdelay $0x1  }
0x9f: {  	s19 =	simm.s32 $_scs_section_size  }
0xa0: {  	s6 =	simm.s32 $_size__tile_overlayer_lowered;
	s7 =	simm.s32 $_tile_overlayer_lowered  }
0xa1: {  	s22 =	simm.s32 $0x1BFF;
	s21 =	sshll.u32 s7, $0x1;
	s4 =	sadd.s32 s19, s18  }
0xa2: {  	s8 =	simm.s32 $0x0;
	s20 =	sshll.u32 s6, $0x1;
	s6 =	sadd.s32 s21, s4  }
0xa3: {  	[timem:s8], [sflag:s22] =	dma.local [hbm:s6], s20  }
0xa4: {  	_ =	swait.ge [sflag:s22], s20  }
0xa5: {  	s5 =	ssub.s32 $0x0, s20;
	[sflag:s22] =	ssyncset.done $0x0  }
0xa6: {  	[sflag:s22] =	ssyncadd.s32 s5;
	_ =	sdelay $0x1  }
0xa7: {  	s23 =	simm.s32 $0x1B8B  }
0xa8: {  	_ =	swait.ge [sflag:s23], $0x1  }
0xa9: {  	[sflag:s23] =	ssyncset.done $0x0  }
0xaa: {  	s25 =	simm.s32 $0x1B8E;
	s24 =	sld [smem:$0x3FFE];
	[sflag:s23] =	ssyncadd.s32 $0xFFFFFFFF  }
0xab: {  	s26 =	simm.s32 $execute0_lowered;
	[smem:$0x3FD2] =	sst s25  }
0xac: {  	s6 =	sshll.u32 s26, $0x1;
	_ =	strace $0x80000046;
	[dreg:$0x1] =	wrdreg $0xFFFFFFFF  }
0xad: {  	s28 =	simm.s32 $_size_execute0_lowered;
	s4 =	sadd.s32 s4, s6;
	[dreg:$0x0] =	wrdreg $0x0  }
0xae: {  	s6 =	sshll.u32 s28, $0x1;
	[dreg:$0x2] =	wrdreg s4  }
0xaf: {  	[dreg:$0x3] =	wrdreg s6  }
0xb0: {  	[dreg:$0x4] =	wrdreg $0xC0  }
0xb1: {  	_ =	task [dreg:s8], $0x5FFFF  }
0xb2: {  	[dreg:$0x1] =	wrdreg $0xFFFFFFFF  }
0xb3: {  	[dreg:$0x0] =	wrdreg $0x60  }
0xb4: {  	[dreg:$0x2] =	wrdreg s15  }
0xb5: {  	[dreg:$0x3] =	wrdreg s16  }
0xb6: {  	[dreg:$0x4] =	wrdreg s24  }
0xb7: {  	[dreg:$0x5] =	wrdreg $0x9  }
0xb8: {  	_ =	task.clear_ibuf [dreg:s8], $0x6FFFF;
	_ =	strace $0x90000046  }
0xb9: {  	s29 =	simm.s32 $0x9;
	_ =	strace $0x80000048  }
0xba: {  	_ =	swait.ge [sflag:s29], $0x1  }
0xbb: {  	[sflag:s29] =	ssyncadd.s32 $0xFFFFFFFF  }
0xbc: {  	_ =	strace $0x90000048  }
0xbd: {  	_ =	sfence  }
0xbe: {  	s30 =	sld [smem:$0x0];
	_ =	sdelay $0x2  }
0xbf: {  	s31 =	sshll.u32 s1, $0xD;
	s1 =	sshrl.u32 s1, $0x2  }
0xc0: {  	s3 =	sand.u32 $0x4000, s31;
	s1 =	sadd.s32 s1, s30  }
0xc1: {  	s0 =	sor.u32 s3, s0;
	s1 =	sshll.u32 s1, $0x11  }
0xc2: {  	s0 =	sor.u32 s1, s0  }
0xc3: {  	s0 =	sadd.s32 $0x8F2B, s0  }
0xc4: {  	[sflag:s0] =	ssyncadd.remote.s32 $0x1  }
0xc5: {  	_ =	sfence.sel $0xFFFF  }
0xc6: {  	[dreg:$0x0] =	wrdreg $0xFFFFFFFF;
	(pc) =	sbr.abs _section_cstart, $3  }
0xc7: {  	[dreg:$0x1] =	wrdreg $0xFFFFFFFF  }
0xc8: {  	_ =	task.clear_ibuf [dreg:s8], $0x2FFFF;
	_ =	strace $0x9FFFFFFF  }
0xc9: {  	(tm) =	ssettm $0x7FFFFFFF  }
tec
execute0_lowered:
.L_overlay_start_1:
0x0: {  	(tag) =	ssettag $0x1  }
0x1: {  	s2 =	rddreg [dreg:$0x0]  }
0x2: {  	s3 =	rddreg [dreg:$0x1]  }
0x3: {  	s7 =	rddreg [dreg:$0x2]  }
0x4: {  	s0 =	rddreg [dreg:$0x3];
	s1 =	srdreg.scid;
	_ =	strace $0x80000047  }
0x5: {  	s4 =	simm.s32 $0x1;
	s9 =	simm.s32 $0x3;
	s5 =	sshll.u32 s1, $0x4  }
.Ltmp0:
0x6: {  	s1 =	stileid.u32;
	s5 =	sand.u32 $0x10, s5;
	(pc) =	sbr.rel .LBB2_1-.Ltmp0, $4  }
0x7: {  	s11 =	simm.s32 $0x0;
	p0 =	por $0x0, $0x0;
	s6 =	sor.u32 s1, s5  }
0x8: {  	[sflag:s4] =	ssyncpa.u1 $0x0;
	s5 =	simm.s32 $0x2;
	s6 =	sshll.u32 s6, $0x7  }
0x9: {  	s7 =	sadd.s32 $0x400, s7;
	[sflag:s5] =	ssyncpa.u1 $0x0;
	s8 =	sadd.s32 $0x80, s6  }
0xa: {  	vm0 =	vmmov $0xff;
	vm1 =	vcmask $0x3F20;
	[sflag:s9] =	ssyncpa.u1 $0x0;
	s10 =	smov.u32 s6;
	s9 =	simm.s32 $0x0  }
.LBB2_9:
0xb: {  	p1 =	slt.u32 s9, $0x2;
	s11 =	sadd.s32 $0x20, s10  }
0xc: {  	s13 =	smov.u32 s6;
	s9 =	sadd.s32 $0x1, s9;
	p2 =	slt.s32 s11, s8  }
0xd: {  	s13 =	smov.u32 @p2 s11;
	p2 =	sne.s32 s9, $0x6  }
.Ltmp1:
0xe: {  	_ = 	snop;
	(pc) =	sbr.rel @!p2 .LBB2_10-.Ltmp1, $4  }
0xf: {  	s12 =	simm.s32 @!p1 $0x3  }
0x10: {  	_ =	swait.ge @!p1 [sflag:s12], $0x8000  }
0x11: {  	p0 =	por !p0, !p0;
	[sflag:s12] =	ssyncset.done @!p1 $0x0  }
0x12: {  	s11 =	smov.u32 s10;
	s10 =	smov.u32 s13;
	[sflag:s12] =	ssyncadd.s32 @!p1 $0xFFFF8000  }
.LBB2_1:
0x13: {  	p1 =	sgt.u32 s9, $0x3  }
0x14: {  	s12 =	sxor.u32 @!p1 $0xFFFFFFFF, s9  }
0x15: {  	s13 =	sshrl.u32 @!p1 s10, $0x3;
	s12 =	sshll.u32 @!p1 s12, $0x5  }
0x16: {  	s14 =	sand.u32 @!p1 $0x7, s10;
	s13 =	sadd.s32 @!p1 s3, s13;
	s12 =	sand.u32 @!p1 $0x20, s12  }
0x17: {  	[tilespmem:s12], [sflag:$0x2] =	stream.linear.gather @!p1 [hbm4b:s13+s14], $0x20, $0x38;
	[tilespmem:$0x10040] =	vst v63  }
0x18: {  	p1 =	seq.s32 s9, $0x0  }
0x19: {  	p2 =	seq.s32 @!p1 s9, $0x5  }
0x1a: {  	p1 =	por p1, p2  }
.Ltmp2:
0x1b: {  	_ = 	snop;
	(pc) =	sbr.rel @p1 .LBB2_9-.Ltmp2, $1  }
0x1c: {  	_ =	sdelay $0x3  }
0x1d: {  	s12 =	simm.s32 $0x1  }
0x1e: {  	_ =	swait.ge [sflag:s5], $0x20;
	s13 =	sand.u32 $0x1, s9;
	s12 =	simm.s32 @!p0 $0x0  }
0x1f: {  	s15 =	simm.s32 $0x0;
	p2 =	por $0x1, $0x1;
	s12 =	sshll.u32 s12, $0x11  }
0x20: {  	[sflag:s5] =	ssyncset.done $0x0;
	s13 =	sshll.u32 s13, $0x5;
	s14 =	sshrl.u32 s12, $0x2  }
0x21: {  	[sflag:s5] =	ssyncadd.s32 $0xFFFFFFE0;
	s12 =	sor.u32 $0x40, s14;
	s14 =	sadd.s32 $0x40, s14  }
.LBB2_3:
0x22: {  	s16 =	sshll.u32 s15, $0x4  }
0x23: {  	s16 =	sand.u32 $0x3FFFFFF0, s16  }
0x24: {  	s16 =	sadd.s32 s16, s13  }
0x25: {  	v0 =	vld.msk [tilespmem:s16+$0x0 ss:$0x1], $0xffff;
	_ =	sdelay $0x4  }
0x26: {  	vm2 =	vgt.s32 v0, $0x0  }
0x27: {  	v0 =	vnsel vm2, $0x0, v0  }
0x28: {  	v0 =	vmin.u32 v0, $0x7CFF  }
0x29: {  	v1 =	vshll.u32 v0, $0x7;
	v0 =	vshll.u32 v0, $0x4  }
0x2a: {  	v1 =	vand.u32 $0x3FFC00, v1;
	v0 =	vand.u32 $0x70, v0  }
0x2b: {  	v0 =	vor.u32 v0, v1  }
0x2c: {  	s31 =	sshll.u32 s15, $0x10  }
0x2d: {  	s15 =	sshra.s32 s31, $0x2  }
0x2e: {  	s15 =	sadd.s32 s15, s14  }
0x2f: {  	s17 =	sadd.s32 $0x0, s15  }
0x30: {  	[tilespmem:s17], [sflag:$0x1] =	stream.indirect_vreg.gather [hbm:s2], $0x80, v0, vm0, $0x38;
	[tilespmem:$0x10040] =	vst v63  }
0x31: {  	p1 =	por p2, p2;
	s16 =	simm.s32 $0x1000;
	v1 =	vadd.s32 $0x80, v0;
	s17 =	sadd.s32 $0x2000, s17  }
.LBB2_4:
0x32: {  	[tilespmem:s17], [sflag:$0x1] =	stream.indirect_vreg.gather [hbm:s2], $0x80, v0, vm1, $0x38;
	[tilespmem:$0x10040] =	vst v63  }
0x33: {  	v0 =	vmov v1;
	s17 =	smov.u32 s16;
	p2 =	sne.s32 s16, $0x7000  }
.Ltmp3:
0x34: {  	s16 =	sadd.s32 $0x1000, s16;
	(pc) =	sbr.rel @p2 .LBB2_4-.Ltmp3, $4  }
0x35: {  	s17 =	sshra.s32 s17, $0x2  }
0x36: {  	s17 =	sadd.s32 s17, s15  }
0x37: {  	[tilespmem:s17], [sflag:$0x1] =	stream.indirect_vreg.gather [hbm:s2], $0x80, v1, vm0, $0x38;
	[tilespmem:$0x10040] =	vst v63  }
0x38: {  	s17 =	sadd.s32 $0x2000, s17;
	v1 =	vadd.s32 $0x80, v1  }
0x39: {  	_ = 	snop  }
.Ltmp4:
0x3a: {  	_ = 	snop;
	(pc) =	sbr.rel @p1 .LBB2_3-.Ltmp4, $3  }
0x3b: {  	_ =	sdelay $0x1  }
0x3c: {  	[tilespmem:s17], [sflag:$0x1] =	stream.indirect_vreg.gather [hbm:s2], $0x80, v0, vm1, $0x38;
	[tilespmem:$0x10040] =	vst v63  }
0x3d: {  	s15 =	simm.s32 $0x1;
	p2 =	por $0x0, $0x0  }
0x3e: {  	s13 =	sshll.u32 s11, $0x7  }
0x3f: {  	s31 =	sshll.u32 s11, $0x4;
	s13 =	sand.u32 $0xFFFFFC00, s13  }
0x40: {  	_ =	swait.ge [sflag:s4], $0x8000;
	s11 =	sand.u32 $0x70, s31;
	s13 =	sadd.s32 s13, s7  }
0x41: {  	s14 =	sadd.s32 $0x2000, s12;
	[sflag:s4] =	ssyncset.done $0x0;
	s11 =	sadd.s32 s11, s13  }
0x42: {  	[sflag:s4] =	ssyncadd.s32 $0xFFFF8000;
	s13 =	simm.s32 $0x400;
	s15 =	sadd.s32 $0x0, s11  }
.LBB2_7:
0x43: {  	[hbm:s15] =	stream.linear.scatter [tilespmem:s12], [sflag:$0x3], $0x2000, $0x38;
	[tilespmem:$0x10040] =	vst v63  }
0x44: {  	s15 =	smov.u32 s13;
	s12 =	smov.u32 s14;
	p1 =	sne.s32 s13, $0xC00  }
.Ltmp5:
0x45: {  	s13 =	sadd.s32 $0x400, s13;
	(pc) =	sbr.rel @p1 .LBB2_7-.Ltmp5, $2  }
0x46: {  	_ =	sdelay $0x2  }
0x47: {  	s14 =	sadd.s32 $0x2000, s14;
	s15 =	sadd.s32 s15, s11  }
.Ltmp6:
0x48: {  	(pc) =	sbr.rel .LBB2_9-.Ltmp6, $2  }
0x49: {  	_ =	sdelay $0x2  }
0x4a: {  	[hbm:s15] =	stream.linear.scatter [tilespmem:s12], [sflag:$0x3], $0x2000, $0x38;
	[tilespmem:$0x10040] =	vst v63  }
.LBB2_10:
0x4b: {  	_ =	sfence.sel $0x180000  }
0x4c: {  	s2 =	simm.s32 $0x2;
	[bflag:$0x0] =	sbarrier.arrive $0xFFFF  }
0x4d: {  	s30 =	simm.s32 $0x3;
	[sflag:s2] =	ssyncpa.u1 $0x1  }
0x4e: {  	s31 =	simm.s32 $0x1;
	[sflag:s30] =	ssyncpa.u1 $0x1  }
0x4f: {  	[sflag:s31] =	ssyncpa.u1 $0x1  }
0x50: {  	p0 =	sne.s32 s1, $0x0;
	_ =	strace $0x90000047  }
0x51: {  	s0 =	sadd.s32 @!p0 $0x100000, s0;
	[bflag:$0x2] =	sbarrier.arrive $0xFFFF  }
0x52: {  	[sflag:s0] =	ssyncadd.tile.s32 @!p0 $0x1;
	_ =	shalt  }
.Lfunc_end2:
_tile_overlayer_lowered:
.L_overlay_start_2:
0x53: {  	(tag) =	ssettag $0x2  }
0x54: {  	s0 =	rddreg [dreg:$0x0];
	s2 =	stileid.u32  }
0x55: {  	s1 =	rddreg [dreg:$0x1];
	p0 =	sne.s32 s2, $0x0  }
0x56: {  	s3 =	rddreg [dreg:$0x2];
	[bflag:$0x3] =	sbarrier.arrive $0xFFFF;
	s2 =	simm.s32 @!p0 $0x1C01  }
0x57: {  	[timem:s3], [sflag:s2] =	dma.local @!p0 [hbm:s0], s1  }
0x58: {  	s0 =	simm.s32 @!p0 $0x1  }
0x59: {  	_ =	swait.ge @!p0 [sflag:s0], s1  }
0x5a: {  	s1 =	ssub.s32 @!p0 $0x0, s1;
	[sflag:s0] =	ssyncset.done @!p0 $0x0  }
0x5b: {  	[sflag:s0] =	ssyncadd.s32 @!p0 s1  }
0x5c: {  	[bflag:$0x3] =	sbarrier.arrive $0xFFFF  }
0x5d: {  	_ =	shalt  }

</sc_bundles>
